<compile_context>
chip_gen: v7x
topology: tpu7x:2x2x1
jax: 0.10.2.dev20260603
libtpu: 0.0.44.dev20260713+nightly
codegen_flags: <defaults>
</compile_context>

<pallas_src>
import functools

import jax
import jax.numpy as jnp
from jax import lax
from jax.experimental import pallas as pl
from jax.experimental.pallas import tpu as pltpu
from jax.experimental.pallas import tpu_sc as plsc

ROWS = 1024
VOCAB = 100000
NLAB = 100
LPAD = 128
LBLK = 32
RBLK = 128
NQ = 4
NH = RBLK // 16
LN2 = 0.6931471805599453
NEG = -3.4e38


def _log_lanes(sv):
    bits = lax.bitcast_convert_type(sv, jnp.int32)
    e = lax.shift_right_logical(bits, 23) - 127
    mb = lax.bitwise_or(lax.bitwise_and(bits, 0x007FFFFF), 0x3F800000)
    mf = lax.bitcast_convert_type(mb, jnp.float32)
    big = mf > 1.4142135
    mf = jnp.where(big, mf * 0.5, mf)
    e = jnp.where(big, e + 1, e)
    t = (mf - 1.0) / (mf + 1.0)
    t2 = t * t
    poly = 1.0 + t2 * (
        0.3333333333 + t2 * (0.2 + t2 * (0.1428571429 + t2 * 0.1111111111)))
    return 2.0 * t * poly + e.astype(jnp.float32) * LN2


def _make_sc_call():
    info = plsc.get_sparse_core_info()
    assert info.num_cores * info.num_subcores == 32, (
        "kernel assumes 2 SparseCores x 16 vector subcores")
    mesh = plsc.VectorSubcoreMesh(core_axis_name="c", subcore_axis_name="s")

    @functools.partial(
        pl.kernel,
        mesh=mesh,
        out_type=jax.ShapeDtypeStruct((LPAD, ROWS), jnp.float32),
        scratch_types=[
            pltpu.VMEM((LPAD,), jnp.int32),
            pltpu.VMEM((LBLK, RBLK), jnp.float32),
            pltpu.VMEM((2, RBLK), jnp.float32),
            pltpu.VMEM((NQ, 2, RBLK), jnp.float32),
            pltpu.VMEM_SHARED((16, 2, RBLK), jnp.float32),
            pltpu.SemaphoreType.DMA,
        ],
    )
    def sc_call(lt_hbm, w_hbm, out_hbm, w_v, vals_v,
                pstat_v, peers_v, stats_sp, sem_in):
        c = lax.axis_index("c")
        s = lax.axis_index("s")
        b = c * 4 + s // 4
        q = s % 4
        row0 = pl.multiple_of(b * RBLK, RBLK)
        lab0 = q * LBLK

        pltpu.sync_copy(w_hbm, w_v.at[pl.ds(0, NLAB)])
        wj = []
        for cc in range(LBLK // 16):
            wc = w_v[pl.ds(lab0 + 16 * cc, 16)]
            for k in range(16):
                slot = lab0 + 16 * cc + k
                wj.append(jnp.where(slot < NLAB, wc[k], 0))

        for j in range(LBLK):
            pltpu.async_copy(
                lt_hbm.at[wj[j], pl.ds(row0, RBLK)],
                vals_v.at[j], sem_in)
        pltpu.make_async_copy(
            lt_hbm.at[pl.ds(0, LBLK), pl.ds(0, RBLK)], vals_v, sem_in).wait()

        def p1_body(j, maxacc):
            valid = (lab0 + j) < NLAB
            out = []
            for h in range(NH):
                xl = vals_v[j, pl.ds(16 * h, 16)]
                out.append(jnp.maximum(maxacc[h], jnp.where(valid, xl, NEG)))
            return tuple(out)

        maxacc = lax.fori_loop(
            0, LBLK, p1_body,
            tuple(jnp.full((16,), NEG, jnp.float32) for _ in range(NH)))
        for h in range(NH):
            pstat_v[0, pl.ds(16 * h, 16)] = maxacc[h]

        def p2_body(j, sumacc):
            valid = (lab0 + j) < NLAB
            out = []
            for h in range(NH):
                e = jnp.exp(vals_v[j, pl.ds(16 * h, 16)] - maxacc[h])
                out.append(sumacc[h] + jnp.where(valid, e, 0.0))
            return tuple(out)

        sumacc = lax.fori_loop(
            0, LBLK, p2_body,
            tuple(jnp.zeros((16,), jnp.float32) for _ in range(NH)))
        for h in range(NH):
            pstat_v[1, pl.ds(16 * h, 16)] = sumacc[h]

        pltpu.sync_copy(pstat_v, stats_sp.at[s])
        plsc.subcore_barrier()
        s0 = (s // 4) * 4
        pltpu.sync_copy(stats_sp.at[pl.ds(s0, NQ)], peers_v)

        def comb_body(h, carry):
            pm = [peers_v[r, 0, pl.ds(16 * h, 16)] for r in range(NQ)]
            m = pm[0]
            for r in range(1, NQ):
                m = jnp.maximum(m, pm[r])
            ssum = jnp.zeros((16,), jnp.float32)
            for r in range(NQ):
                ssum = ssum + (peers_v[r, 1, pl.ds(16 * h, 16)]
                               * jnp.exp(pm[r] - m))
            pstat_v[0, pl.ds(16 * h, 16)] = _log_lanes(ssum) + m
            return carry

        lax.fori_loop(0, NH, comb_body, 0)
        logz = [pstat_v[0, pl.ds(16 * h, 16)] for h in range(NH)]

        def p3_body(j, carry):
            for h in range(NH):
                vals_v[j, pl.ds(16 * h, 16)] = (
                    vals_v[j, pl.ds(16 * h, 16)] - logz[h])
            return carry

        lax.fori_loop(0, LBLK, p3_body, 0)
        pltpu.sync_copy(
            vals_v,
            out_hbm.at[pl.ds(pl.multiple_of(lab0, LBLK), LBLK),
                       pl.ds(row0, RBLK)])

    return sc_call


_SC_CALL = _make_sc_call()


def kernel(logits, word2label):
    lt = logits.T
    w = word2label.astype(jnp.int32)
    out_cm = _SC_CALL(lt, w)
    return out_cm[:NLAB].T

# --- scband reference (transcript-rebuilt; emitter-appended) ---
"""Pipeline reference for scband-adpative-verbalizer-75144747811471 (READ-ONLY COPY).

The authoritative reference and input builder live on the scoring server;
editing this copy changes nothing except your own understanding.
"""

import jax, jax.numpy as jnp
import numpy as np


def setup_inputs(seed: int = 0) -> dict:
    key = jax.random.key(seed)
    k1, k2 = jax.random.split(key)
    logits = jax.random.normal(k1, (1024, 100000), dtype=jnp.float32)
    word2label = jax.random.randint(k2, (100,), 0, 100000, dtype=jnp.int64)
    return {"logits": logits, "word2label": word2label}


def reference(logits, word2label):
    # project: gather the label-word columns from the full-vocab logits
    label_words_logits = jnp.take(logits, word2label, axis=1)
    # post_log_softmax=True: normalize over the label words and take log-probs
    label_words_logprobs = jax.nn.log_softmax(label_words_logits, axis=-1)
    return label_words_logprobs

if __name__ == "__main__":
    import jax
    _d = setup_inputs()
    print(jax.jit(kernel)(*tuple(_d.values())))

</pallas_src>

<mosaic_0001>
#map = affine_map<(d0, d1) -> (0, 0)>
#map1 = affine_map<(d0, d1) -> (0)>
module attributes {stable_mosaic.version = 14 : i64} {
  func.func @sc_call(%arg0: i32, %arg1: i32, %arg2: memref<100000x1024xf32, #tpu.memory_space<hbm>>, %arg3: memref<100xi32, #tpu.memory_space<hbm>>, %arg4: memref<128x1024xf32, #tpu.memory_space<hbm>>, %arg5: memref<128xi32, #tpu.memory_space<vmem>>, %arg6: memref<32x128xf32, #tpu.memory_space<vmem>>, %arg7: memref<2x128xf32, #tpu.memory_space<vmem>>, %arg8: memref<4x2x128xf32, #tpu.memory_space<vmem>>, %arg9: memref<16x2x128xf32, #tpu.memory_space<vmem_shared>>, %arg10: memref<!tpu.dma_semaphore, #tpu.memory_space<semaphore_mem>>) attributes {dimension_semantics = [#tpu.dimension_semantics<core_parallel>, #tpu.dimension_semantics<subcore_parallel>], iteration_bounds = array<i64: 2, 16>, scalar_prefetch = 0 : i64, scratch_operands = 6 : i64, tpu.core_type = #tpu.core_type<sc_vector_subcore>, window_params = [{transform_indices = #map}, {transform_indices = #map1}, {transform_indices = #map}]} {
    %mul3A = arith.constant 4 : i32
    %mul3A_0 = arith.muli %arg0, %mul3A : i32
    %jit3A = arith.constant 4 : i32
    %div3A = arith.divsi %arg1, %jit3A : i32
    %sign3A = arith.constant 0 : i32
    %sign3A_1 = arith.cmpi sgt, %arg1, %sign3A : i32
    %sign3A_2 = arith.extui %sign3A_1 : i1 to i32
    %sign3A_3 = arith.constant 0 : i32
    %sign3A_4 = arith.cmpi slt, %arg1, %sign3A_3 : i32
    %sign3A_5 = arith.extui %sign3A_4 : i1 to i32
    %sign3A_6 = arith.subi %sign3A_2, %sign3A_5 : i32
    %sign3A_7 = arith.constant 0 : i32
    %sign3A_8 = arith.cmpi sgt, %jit3A, %sign3A_7 : i32
    %sign3A_9 = arith.extui %sign3A_8 : i1 to i32
    %sign3A_10 = arith.constant 0 : i32
    %sign3A_11 = arith.cmpi slt, %jit3A, %sign3A_10 : i32
    %sign3A_12 = arith.extui %sign3A_11 : i1 to i32
    %sign3A_13 = arith.subi %sign3A_9, %sign3A_12 : i32
    %ne3A = arith.cmpi ne, %sign3A_6, %sign3A_13 : i32
    %rem3A = arith.remsi %arg1, %jit3A : i32
    %ne3A_14 = arith.constant 0 : i32
    %ne3A_15 = arith.cmpi ne, %rem3A, %ne3A_14 : i32
    %and3A = arith.andi %ne3A, %ne3A_15 : i1
    %sub3A = arith.constant 1 : i32
    %sub3A_16 = arith.subi %div3A, %sub3A : i32
    %select_n3A = arith.select %and3A, %sub3A_16, %div3A : i32
    %add3A = arith.addi %mul3A_0, %select_n3A : i32
    %jit3A_17 = arith.constant 4 : i32
    %eq3A = arith.constant 0 : i32
    %eq3A_18 = arith.cmpi eq, %jit3A_17, %eq3A : i32
    %jit3A_19 = arith.constant 1 : i32
    %select_n3A_20 = arith.select %eq3A_18, %jit3A_19, %jit3A_17 : i32
    %rem3A_21 = arith.remsi %arg1, %select_n3A_20 : i32
    %ne3A_22 = arith.constant 0 : i32
    %ne3A_23 = arith.cmpi ne, %rem3A_21, %ne3A_22 : i32
    %lt3A = arith.constant 0 : i32
    %lt3A_24 = arith.cmpi slt, %rem3A_21, %lt3A : i32
    %lt3A_25 = arith.constant 0 : i32
    %lt3A_26 = arith.cmpi slt, %select_n3A_20, %lt3A_25 : i32
    %ne3A_27 = arith.xori %lt3A_24, %lt3A_26 : i1
    %and3A_28 = arith.andi %ne3A_27, %ne3A_23 : i1
    %add3A_29 = arith.addi %rem3A_21, %select_n3A_20 : i32
    %select_n3A_30 = arith.select %and3A_28, %add3A_29, %rem3A_21 : i32
    %mul3A_31 = arith.constant 128 : i32
    %mul3A_32 = arith.muli %add3A, %mul3A_31 : i32
    %multiple_of3A = tpu.assume_multiple %mul3A_32, 128 : i32
    %mul3A_33 = arith.constant 32 : i32
    %mul3A_34 = arith.muli %select_n3A_30, %mul3A_33 : i32
    "tpu.region"() ({
      %run_scoped3A = tpu.sem_alloc : memref<!tpu.dma_semaphore, #tpu.memory_space<semaphore_mem>>
      %dma_start3A_934 = arith.constant 0 : i32
      %dma_start3A_935 = tpu.memref_slice %arg5[%dma_start3A_934] : memref<128xi32, #tpu.memory_space<vmem>> -> memref<100xi32, #tpu.memory_space<vmem>>
      %dma_start3A_936 = arith.constant 0 : i32
      %dma_start3A_937 = tpu.memref_slice %arg5[%dma_start3A_936] : memref<128xi32, #tpu.memory_space<vmem>> -> memref<100xi32, #tpu.memory_space<vmem>>
      tpu.enqueue_dma source(%arg3 : memref<100xi32, #tpu.memory_space<hbm>>) target(%dma_start3A_937 : memref<100xi32, #tpu.memory_space<vmem>>) target_semaphore(%run_scoped3A : memref<!tpu.dma_semaphore, #tpu.memory_space<semaphore_mem>>)
      %dma_wait3A_938 = arith.constant 0 : i32
      %dma_wait3A_939 = tpu.memref_slice %arg5[%dma_wait3A_938] : memref<128xi32, #tpu.memory_space<vmem>> -> memref<100xi32, #tpu.memory_space<vmem>>
      %dma_wait3A_940 = arith.constant 0 : i32
      %dma_wait3A_941 = tpu.memref_slice %arg5[%dma_wait3A_940] : memref<128xi32, #tpu.memory_space<vmem>> -> memref<100xi32, #tpu.memory_space<vmem>>
      tpu.wait_dma2 semaphore(%run_scoped3A : memref<!tpu.dma_semaphore, #tpu.memory_space<semaphore_mem>>) src(%arg3 : memref<100xi32, #tpu.memory_space<hbm>>) dst(%dma_wait3A_941 : memref<100xi32, #tpu.memory_space<vmem>>)
      tpu.yield
    }) : () -> ()
    %add3A_35 = arith.constant 0 : i32
    %add3A_36 = arith.addi %mul3A_34, %add3A_35 : i32
    %get3A = arith.index_cast %add3A_36 : i32 to index
    %get3A_37 = tpu.vector_load %arg5[%get3A] {strides = array<i32>} : memref<128xi32, #tpu.memory_space<vmem>>, vector<16xi32>,
    %get3A_38 = vector.shape_cast %get3A_37 : vector<16xi32> to vector<16xi32>
    %add3A_39 = arith.constant 0 : i32
    %add3A_40 = arith.addi %mul3A_34, %add3A_39 : i32
    %add3A_41 = arith.constant 0 : i32
    %add3A_42 = arith.addi %add3A_40, %add3A_41 : i32
    %lt3A_43 = arith.constant 100 : i32
    %lt3A_44 = arith.cmpi slt, %add3A_42, %lt3A_43 : i32
    %slice3A = vector.extract_strided_slice %get3A_38 {offsets = [0], sizes = [1], strides = [1]} : vector<16xi32> to vector<1xi32>
    %squeeze3A = vector.extract %slice3A[0] : i32 from vector<1xi32>
    %jit3A_45 = arith.constant 0 : i32
    %select_n3A_46 = arith.select %lt3A_44, %squeeze3A, %jit3A_45 : i32
    %add3A_47 = arith.constant 0 : i32
    %add3A_48 = arith.addi %mul3A_34, %add3A_47 : i32
    %add3A_49 = arith.constant 1 : i32
    %add3A_50 = arith.addi %add3A_48, %add3A_49 : i32
    %lt3A_51 = arith.constant 100 : i32
    %lt3A_52 = arith.cmpi slt, %add3A_50, %lt3A_51 : i32
    %slice3A_53 = vector.extract_strided_slice %get3A_38 {offsets = [1], sizes = [1], strides = [1]} : vector<16xi32> to vector<1xi32>
    %squeeze3A_54 = vector.extract %slice3A_53[0] : i32 from vector<1xi32>
    %jit3A_55 = arith.constant 0 : i32
    %select_n3A_56 = arith.select %lt3A_52, %squeeze3A_54, %jit3A_55 : i32
    %add3A_57 = arith.constant 0 : i32
    %add3A_58 = arith.addi %mul3A_34, %add3A_57 : i32
    %add3A_59 = arith.constant 2 : i32
    %add3A_60 = arith.addi %add3A_58, %add3A_59 : i32
    %lt3A_61 = arith.constant 100 : i32
    %lt3A_62 = arith.cmpi slt, %add3A_60, %lt3A_61 : i32
    %slice3A_63 = vector.extract_strided_slice %get3A_38 {offsets = [2], sizes = [1], strides = [1]} : vector<16xi32> to vector<1xi32>
    %squeeze3A_64 = vector.extract %slice3A_63[0] : i32 from vector<1xi32>
    %jit3A_65 = arith.constant 0 : i32
    %select_n3A_66 = arith.select %lt3A_62, %squeeze3A_64, %jit3A_65 : i32
    %add3A_67 = arith.constant 0 : i32
    %add3A_68 = arith.addi %mul3A_34, %add3A_67 : i32
    %add3A_69 = arith.constant 3 : i32
    %add3A_70 = arith.addi %add3A_68, %add3A_69 : i32
    %lt3A_71 = arith.constant 100 : i32
    %lt3A_72 = arith.cmpi slt, %add3A_70, %lt3A_71 : i32
    %slice3A_73 = vector.extract_strided_slice %get3A_38 {offsets = [3], sizes = [1], strides = [1]} : vector<16xi32> to vector<1xi32>
    %squeeze3A_74 = vector.extract %slice3A_73[0] : i32 from vector<1xi32>
    %jit3A_75 = arith.constant 0 : i32
    %select_n3A_76 = arith.select %lt3A_72, %squeeze3A_74, %jit3A_75 : i32
    %add3A_77 = arith.constant 0 : i32
    %add3A_78 = arith.addi %mul3A_34, %add3A_77 : i32
    %add3A_79 = arith.constant 4 : i32
    %add3A_80 = arith.addi %add3A_78, %add3A_79 : i32
    %lt3A_81 = arith.constant 100 : i32
    %lt3A_82 = arith.cmpi slt, %add3A_80, %lt3A_81 : i32
    %slice3A_83 = vector.extract_strided_slice %get3A_38 {offsets = [4], sizes = [1], strides = [1]} : vector<16xi32> to vector<1xi32>
    %squeeze3A_84 = vector.extract %slice3A_83[0] : i32 from vector<1xi32>
    %jit3A_85 = arith.constant 0 : i32
    %select_n3A_86 = arith.select %lt3A_82, %squeeze3A_84, %jit3A_85 : i32
    %add3A_87 = arith.constant 0 : i32
    %add3A_88 = arith.addi %mul3A_34, %add3A_87 : i32
    %add3A_89 = arith.constant 5 : i32
    %add3A_90 = arith.addi %add3A_88, %add3A_89 : i32
    %lt3A_91 = arith.constant 100 : i32
    %lt3A_92 = arith.cmpi slt, %add3A_90, %lt3A_91 : i32
    %slice3A_93 = vector.extract_strided_slice %get3A_38 {offsets = [5], sizes = [1], strides = [1]} : vector<16xi32> to vector<1xi32>
    %squeeze3A_94 = vector.extract %slice3A_93[0] : i32 from vector<1xi32>
    %jit3A_95 = arith.constant 0 : i32
    %select_n3A_96 = arith.select %lt3A_92, %squeeze3A_94, %jit3A_95 : i32
    %add3A_97 = arith.constant 0 : i32
    %add3A_98 = arith.addi %mul3A_34, %add3A_97 : i32
    %add3A_99 = arith.constant 6 : i32
    %add3A_100 = arith.addi %add3A_98, %add3A_99 : i32
    %lt3A_101 = arith.constant 100 : i32
    %lt3A_102 = arith.cmpi slt, %add3A_100, %lt3A_101 : i32
    %slice3A_103 = vector.extract_strided_slice %get3A_38 {offsets = [6], sizes = [1], strides = [1]} : vector<16xi32> to vector<1xi32>
    %squeeze3A_104 = vector.extract %slice3A_103[0] : i32 from vector<1xi32>
    %jit3A_105 = arith.constant 0 : i32
    %select_n3A_106 = arith.select %lt3A_102, %squeeze3A_104, %jit3A_105 : i32
    %add3A_107 = arith.constant 0 : i32
    %add3A_108 = arith.addi %mul3A_34, %add3A_107 : i32
    %add3A_109 = arith.constant 7 : i32
    %add3A_110 = arith.addi %add3A_108, %add3A_109 : i32
    %lt3A_111 = arith.constant 100 : i32
    %lt3A_112 = arith.cmpi slt, %add3A_110, %lt3A_111 : i32
    %slice3A_113 = vector.extract_strided_slice %get3A_38 {offsets = [7], sizes = [1], strides = [1]} : vector<16xi32> to vector<1xi32>
    %squeeze3A_114 = vector.extract %slice3A_113[0] : i32 from vector<1xi32>
    %jit3A_115 = arith.constant 0 : i32
    %select_n3A_116 = arith.select %lt3A_112, %squeeze3A_114, %jit3A_115 : i32
    %add3A_117 = arith.constant 0 : i32
    %add3A_118 = arith.addi %mul3A_34, %add3A_117 : i32
    %add3A_119 = arith.constant 8 : i32
    %add3A_120 = arith.addi %add3A_118, %add3A_119 : i32
    %lt3A_121 = arith.constant 100 : i32
    %lt3A_122 = arith.cmpi slt, %add3A_120, %lt3A_121 : i32
    %slice3A_123 = vector.extract_strided_slice %get3A_38 {offsets = [8], sizes = [1], strides = [1]} : vector<16xi32> to vector<1xi32>
    %squeeze3A_124 = vector.extract %slice3A_123[0] : i32 from vector<1xi32>
    %jit3A_125 = arith.constant 0 : i32
    %select_n3A_126 = arith.select %lt3A_122, %squeeze3A_124, %jit3A_125 : i32
    %add3A_127 = arith.constant 0 : i32
    %add3A_128 = arith.addi %mul3A_34, %add3A_127 : i32
    %add3A_129 = arith.constant 9 : i32
    %add3A_130 = arith.addi %add3A_128, %add3A_129 : i32
    %lt3A_131 = arith.constant 100 : i32
    %lt3A_132 = arith.cmpi slt, %add3A_130, %lt3A_131 : i32
    %slice3A_133 = vector.extract_strided_slice %get3A_38 {offsets = [9], sizes = [1], strides = [1]} : vector<16xi32> to vector<1xi32>
    %squeeze3A_134 = vector.extract %slice3A_133[0] : i32 from vector<1xi32>
    %jit3A_135 = arith.constant 0 : i32
    %select_n3A_136 = arith.select %lt3A_132, %squeeze3A_134, %jit3A_135 : i32
    %add3A_137 = arith.constant 0 : i32
    %add3A_138 = arith.addi %mul3A_34, %add3A_137 : i32
    %add3A_139 = arith.constant 10 : i32
    %add3A_140 = arith.addi %add3A_138, %add3A_139 : i32
    %lt3A_141 = arith.constant 100 : i32
    %lt3A_142 = arith.cmpi slt, %add3A_140, %lt3A_141 : i32
    %slice3A_143 = vector.extract_strided_slice %get3A_38 {offsets = [10], sizes = [1], strides = [1]} : vector<16xi32> to vector<1xi32>
    %squeeze3A_144 = vector.extract %slice3A_143[0] : i32 from vector<1xi32>
    %jit3A_145 = arith.constant 0 : i32
    %select_n3A_146 = arith.select %lt3A_142, %squeeze3A_144, %jit3A_145 : i32
    %add3A_147 = arith.constant 0 : i32
    %add3A_148 = arith.addi %mul3A_34, %add3A_147 : i32
    %add3A_149 = arith.constant 11 : i32
    %add3A_150 = arith.addi %add3A_148, %add3A_149 : i32
    %lt3A_151 = arith.constant 100 : i32
    %lt3A_152 = arith.cmpi slt, %add3A_150, %lt3A_151 : i32
    %slice3A_153 = vector.extract_strided_slice %get3A_38 {offsets = [11], sizes = [1], strides = [1]} : vector<16xi32> to vector<1xi32>
    %squeeze3A_154 = vector.extract %slice3A_153[0] : i32 from vector<1xi32>
    %jit3A_155 = arith.constant 0 : i32
    %select_n3A_156 = arith.select %lt3A_152, %squeeze3A_154, %jit3A_155 : i32
    %add3A_157 = arith.constant 0 : i32
    %add3A_158 = arith.addi %mul3A_34, %add3A_157 : i32
    %add3A_159 = arith.constant 12 : i32
    %add3A_160 = arith.addi %add3A_158, %add3A_159 : i32
    %lt3A_161 = arith.constant 100 : i32
    %lt3A_162 = arith.cmpi slt, %add3A_160, %lt3A_161 : i32
    %slice3A_163 = vector.extract_strided_slice %get3A_38 {offsets = [12], sizes = [1], strides = [1]} : vector<16xi32> to vector<1xi32>
    %squeeze3A_164 = vector.extract %slice3A_163[0] : i32 from vector<1xi32>
    %jit3A_165 = arith.constant 0 : i32
    %select_n3A_166 = arith.select %lt3A_162, %squeeze3A_164, %jit3A_165 : i32
    %add3A_167 = arith.constant 0 : i32
    %add3A_168 = arith.addi %mul3A_34, %add3A_167 : i32
    %add3A_169 = arith.constant 13 : i32
    %add3A_170 = arith.addi %add3A_168, %add3A_169 : i32
    %lt3A_171 = arith.constant 100 : i32
    %lt3A_172 = arith.cmpi slt, %add3A_170, %lt3A_171 : i32
    %slice3A_173 = vector.extract_strided_slice %get3A_38 {offsets = [13], sizes = [1], strides = [1]} : vector<16xi32> to vector<1xi32>
    %squeeze3A_174 = vector.extract %slice3A_173[0] : i32 from vector<1xi32>
    %jit3A_175 = arith.constant 0 : i32
    %select_n3A_176 = arith.select %lt3A_172, %squeeze3A_174, %jit3A_175 : i32
    %add3A_177 = arith.constant 0 : i32
    %add3A_178 = arith.addi %mul3A_34, %add3A_177 : i32
    %add3A_179 = arith.constant 14 : i32
    %add3A_180 = arith.addi %add3A_178, %add3A_179 : i32
    %lt3A_181 = arith.constant 100 : i32
    %lt3A_182 = arith.cmpi slt, %add3A_180, %lt3A_181 : i32
    %slice3A_183 = vector.extract_strided_slice %get3A_38 {offsets = [14], sizes = [1], strides = [1]} : vector<16xi32> to vector<1xi32>
    %squeeze3A_184 = vector.extract %slice3A_183[0] : i32 from vector<1xi32>
    %jit3A_185 = arith.constant 0 : i32
    %select_n3A_186 = arith.select %lt3A_182, %squeeze3A_184, %jit3A_185 : i32
    %add3A_187 = arith.constant 0 : i32
    %add3A_188 = arith.addi %mul3A_34, %add3A_187 : i32
    %add3A_189 = arith.constant 15 : i32
    %add3A_190 = arith.addi %add3A_188, %add3A_189 : i32
    %lt3A_191 = arith.constant 100 : i32
    %lt3A_192 = arith.cmpi slt, %add3A_190, %lt3A_191 : i32
    %slice3A_193 = vector.extract_strided_slice %get3A_38 {offsets = [15], sizes = [1], strides = [1]} : vector<16xi32> to vector<1xi32>
    %squeeze3A_194 = vector.extract %slice3A_193[0] : i32 from vector<1xi32>
    %jit3A_195 = arith.constant 0 : i32
    %select_n3A_196 = arith.select %lt3A_192, %squeeze3A_194, %jit3A_195 : i32
    %add3A_197 = arith.constant 16 : i32
    %add3A_198 = arith.addi %mul3A_34, %add3A_197 : i32
    %get3A_199 = arith.index_cast %add3A_198 : i32 to index
    %get3A_200 = tpu.vector_load %arg5[%get3A_199] {strides = array<i32>} : memref<128xi32, #tpu.memory_space<vmem>>, vector<16xi32>,
    %get3A_201 = vector.shape_cast %get3A_200 : vector<16xi32> to vector<16xi32>
    %add3A_202 = arith.constant 16 : i32
    %add3A_203 = arith.addi %mul3A_34, %add3A_202 : i32
    %add3A_204 = arith.constant 0 : i32
    %add3A_205 = arith.addi %add3A_203, %add3A_204 : i32
    %lt3A_206 = arith.constant 100 : i32
    %lt3A_207 = arith.cmpi slt, %add3A_205, %lt3A_206 : i32
    %slice3A_208 = vector.extract_strided_slice %get3A_201 {offsets = [0], sizes = [1], strides = [1]} : vector<16xi32> to vector<1xi32>
    %squeeze3A_209 = vector.extract %slice3A_208[0] : i32 from vector<1xi32>
    %jit3A_210 = arith.constant 0 : i32
    %select_n3A_211 = arith.select %lt3A_207, %squeeze3A_209, %jit3A_210 : i32
    %add3A_212 = arith.constant 16 : i32
    %add3A_213 = arith.addi %mul3A_34, %add3A_212 : i32
    %add3A_214 = arith.constant 1 : i32
    %add3A_215 = arith.addi %add3A_213, %add3A_214 : i32
    %lt3A_216 = arith.constant 100 : i32
    %lt3A_217 = arith.cmpi slt, %add3A_215, %lt3A_216 : i32
    %slice3A_218 = vector.extract_strided_slice %get3A_201 {offsets = [1], sizes = [1], strides = [1]} : vector<16xi32> to vector<1xi32>
    %squeeze3A_219 = vector.extract %slice3A_218[0] : i32 from vector<1xi32>
    %jit3A_220 = arith.constant 0 : i32
    %select_n3A_221 = arith.select %lt3A_217, %squeeze3A_219, %jit3A_220 : i32
    %add3A_222 = arith.constant 16 : i32
    %add3A_223 = arith.addi %mul3A_34, %add3A_222 : i32
    %add3A_224 = arith.constant 2 : i32
    %add3A_225 = arith.addi %add3A_223, %add3A_224 : i32
    %lt3A_226 = arith.constant 100 : i32
    %lt3A_227 = arith.cmpi slt, %add3A_225, %lt3A_226 : i32
    %slice3A_228 = vector.extract_strided_slice %get3A_201 {offsets = [2], sizes = [1], strides = [1]} : vector<16xi32> to vector<1xi32>
    %squeeze3A_229 = vector.extract %slice3A_228[0] : i32 from vector<1xi32>
    %jit3A_230 = arith.constant 0 : i32
    %select_n3A_231 = arith.select %lt3A_227, %squeeze3A_229, %jit3A_230 : i32
    %add3A_232 = arith.constant 16 : i32
    %add3A_233 = arith.addi %mul3A_34, %add3A_232 : i32
    %add3A_234 = arith.constant 3 : i32
    %add3A_235 = arith.addi %add3A_233, %add3A_234 : i32
    %lt3A_236 = arith.constant 100 : i32
    %lt3A_237 = arith.cmpi slt, %add3A_235, %lt3A_236 : i32
    %slice3A_238 = vector.extract_strided_slice %get3A_201 {offsets = [3], sizes = [1], strides = [1]} : vector<16xi32> to vector<1xi32>
    %squeeze3A_239 = vector.extract %slice3A_238[0] : i32 from vector<1xi32>
    %jit3A_240 = arith.constant 0 : i32
    %select_n3A_241 = arith.select %lt3A_237, %squeeze3A_239, %jit3A_240 : i32
    %add3A_242 = arith.constant 16 : i32
    %add3A_243 = arith.addi %mul3A_34, %add3A_242 : i32
    %add3A_244 = arith.constant 4 : i32
    %add3A_245 = arith.addi %add3A_243, %add3A_244 : i32
    %lt3A_246 = arith.constant 100 : i32
    %lt3A_247 = arith.cmpi slt, %add3A_245, %lt3A_246 : i32
    %slice3A_248 = vector.extract_strided_slice %get3A_201 {offsets = [4], sizes = [1], strides = [1]} : vector<16xi32> to vector<1xi32>
    %squeeze3A_249 = vector.extract %slice3A_248[0] : i32 from vector<1xi32>
    %jit3A_250 = arith.constant 0 : i32
    %select_n3A_251 = arith.select %lt3A_247, %squeeze3A_249, %jit3A_250 : i32
    %add3A_252 = arith.constant 16 : i32
    %add3A_253 = arith.addi %mul3A_34, %add3A_252 : i32
    %add3A_254 = arith.constant 5 : i32
    %add3A_255 = arith.addi %add3A_253, %add3A_254 : i32
    %lt3A_256 = arith.constant 100 : i32
    %lt3A_257 = arith.cmpi slt, %add3A_255, %lt3A_256 : i32
    %slice3A_258 = vector.extract_strided_slice %get3A_201 {offsets = [5], sizes = [1], strides = [1]} : vector<16xi32> to vector<1xi32>
    %squeeze3A_259 = vector.extract %slice3A_258[0] : i32 from vector<1xi32>
    %jit3A_260 = arith.constant 0 : i32
    %select_n3A_261 = arith.select %lt3A_257, %squeeze3A_259, %jit3A_260 : i32
    %add3A_262 = arith.constant 16 : i32
    %add3A_263 = arith.addi %mul3A_34, %add3A_262 : i32
    %add3A_264 = arith.constant 6 : i32
    %add3A_265 = arith.addi %add3A_263, %add3A_264 : i32
    %lt3A_266 = arith.constant 100 : i32
    %lt3A_267 = arith.cmpi slt, %add3A_265, %lt3A_266 : i32
    %slice3A_268 = vector.extract_strided_slice %get3A_201 {offsets = [6], sizes = [1], strides = [1]} : vector<16xi32> to vector<1xi32>
    %squeeze3A_269 = vector.extract %slice3A_268[0] : i32 from vector<1xi32>
    %jit3A_270 = arith.constant 0 : i32
    %select_n3A_271 = arith.select %lt3A_267, %squeeze3A_269, %jit3A_270 : i32
    %add3A_272 = arith.constant 16 : i32
    %add3A_273 = arith.addi %mul3A_34, %add3A_272 : i32
    %add3A_274 = arith.constant 7 : i32
    %add3A_275 = arith.addi %add3A_273, %add3A_274 : i32
    %lt3A_276 = arith.constant 100 : i32
    %lt3A_277 = arith.cmpi slt, %add3A_275, %lt3A_276 : i32
    %slice3A_278 = vector.extract_strided_slice %get3A_201 {offsets = [7], sizes = [1], strides = [1]} : vector<16xi32> to vector<1xi32>
    %squeeze3A_279 = vector.extract %slice3A_278[0] : i32 from vector<1xi32>
    %jit3A_280 = arith.constant 0 : i32
    %select_n3A_281 = arith.select %lt3A_277, %squeeze3A_279, %jit3A_280 : i32
    %add3A_282 = arith.constant 16 : i32
    %add3A_283 = arith.addi %mul3A_34, %add3A_282 : i32
    %add3A_284 = arith.constant 8 : i32
    %add3A_285 = arith.addi %add3A_283, %add3A_284 : i32
    %lt3A_286 = arith.constant 100 : i32
    %lt3A_287 = arith.cmpi slt, %add3A_285, %lt3A_286 : i32
    %slice3A_288 = vector.extract_strided_slice %get3A_201 {offsets = [8], sizes = [1], strides = [1]} : vector<16xi32> to vector<1xi32>
    %squeeze3A_289 = vector.extract %slice3A_288[0] : i32 from vector<1xi32>
    %jit3A_290 = arith.constant 0 : i32
    %select_n3A_291 = arith.select %lt3A_287, %squeeze3A_289, %jit3A_290 : i32
    %add3A_292 = arith.constant 16 : i32
    %add3A_293 = arith.addi %mul3A_34, %add3A_292 : i32
    %add3A_294 = arith.constant 9 : i32
    %add3A_295 = arith.addi %add3A_293, %add3A_294 : i32
    %lt3A_296 = arith.constant 100 : i32
    %lt3A_297 = arith.cmpi slt, %add3A_295, %lt3A_296 : i32
    %slice3A_298 = vector.extract_strided_slice %get3A_201 {offsets = [9], sizes = [1], strides = [1]} : vector<16xi32> to vector<1xi32>
    %squeeze3A_299 = vector.extract %slice3A_298[0] : i32 from vector<1xi32>
    %jit3A_300 = arith.constant 0 : i32
    %select_n3A_301 = arith.select %lt3A_297, %squeeze3A_299, %jit3A_300 : i32
    %add3A_302 = arith.constant 16 : i32
    %add3A_303 = arith.addi %mul3A_34, %add3A_302 : i32
    %add3A_304 = arith.constant 10 : i32
    %add3A_305 = arith.addi %add3A_303, %add3A_304 : i32
    %lt3A_306 = arith.constant 100 : i32
    %lt3A_307 = arith.cmpi slt, %add3A_305, %lt3A_306 : i32
    %slice3A_308 = vector.extract_strided_slice %get3A_201 {offsets = [10], sizes = [1], strides = [1]} : vector<16xi32> to vector<1xi32>
    %squeeze3A_309 = vector.extract %slice3A_308[0] : i32 from vector<1xi32>
    %jit3A_310 = arith.constant 0 : i32
    %select_n3A_311 = arith.select %lt3A_307, %squeeze3A_309, %jit3A_310 : i32
    %add3A_312 = arith.constant 16 : i32
    %add3A_313 = arith.addi %mul3A_34, %add3A_312 : i32
    %add3A_314 = arith.constant 11 : i32
    %add3A_315 = arith.addi %add3A_313, %add3A_314 : i32
    %lt3A_316 = arith.constant 100 : i32
    %lt3A_317 = arith.cmpi slt, %add3A_315, %lt3A_316 : i32
    %slice3A_318 = vector.extract_strided_slice %get3A_201 {offsets = [11], sizes = [1], strides = [1]} : vector<16xi32> to vector<1xi32>
    %squeeze3A_319 = vector.extract %slice3A_318[0] : i32 from vector<1xi32>
    %jit3A_320 = arith.constant 0 : i32
    %select_n3A_321 = arith.select %lt3A_317, %squeeze3A_319, %jit3A_320 : i32
    %add3A_322 = arith.constant 16 : i32
    %add3A_323 = arith.addi %mul3A_34, %add3A_322 : i32
    %add3A_324 = arith.constant 12 : i32
    %add3A_325 = arith.addi %add3A_323, %add3A_324 : i32
    %lt3A_326 = arith.constant 100 : i32
    %lt3A_327 = arith.cmpi slt, %add3A_325, %lt3A_326 : i32
    %slice3A_328 = vector.extract_strided_slice %get3A_201 {offsets = [12], sizes = [1], strides = [1]} : vector<16xi32> to vector<1xi32>
    %squeeze3A_329 = vector.extract %slice3A_328[0] : i32 from vector<1xi32>
    %jit3A_330 = arith.constant 0 : i32
    %select_n3A_331 = arith.select %lt3A_327, %squeeze3A_329, %jit3A_330 : i32
    %add3A_332 = arith.constant 16 : i32
    %add3A_333 = arith.addi %mul3A_34, %add3A_332 : i32
    %add3A_334 = arith.constant 13 : i32
    %add3A_335 = arith.addi %add3A_333, %add3A_334 : i32
    %lt3A_336 = arith.constant 100 : i32
    %lt3A_337 = arith.cmpi slt, %add3A_335, %lt3A_336 : i32
    %slice3A_338 = vector.extract_strided_slice %get3A_201 {offsets = [13], sizes = [1], strides = [1]} : vector<16xi32> to vector<1xi32>
    %squeeze3A_339 = vector.extract %slice3A_338[0] : i32 from vector<1xi32>
    %jit3A_340 = arith.constant 0 : i32
    %select_n3A_341 = arith.select %lt3A_337, %squeeze3A_339, %jit3A_340 : i32
    %add3A_342 = arith.constant 16 : i32
    %add3A_343 = arith.addi %mul3A_34, %add3A_342 : i32
    %add3A_344 = arith.constant 14 : i32
    %add3A_345 = arith.addi %add3A_343, %add3A_344 : i32
    %lt3A_346 = arith.constant 100 : i32
    %lt3A_347 = arith.cmpi slt, %add3A_345, %lt3A_346 : i32
    %slice3A_348 = vector.extract_strided_slice %get3A_201 {offsets = [14], sizes = [1], strides = [1]} : vector<16xi32> to vector<1xi32>
    %squeeze3A_349 = vector.extract %slice3A_348[0] : i32 from vector<1xi32>
    %jit3A_350 = arith.constant 0 : i32
    %select_n3A_351 = arith.select %lt3A_347, %squeeze3A_349, %jit3A_350 : i32
    %add3A_352 = arith.constant 16 : i32
    %add3A_353 = arith.addi %mul3A_34, %add3A_352 : i32
    %add3A_354 = arith.constant 15 : i32
    %add3A_355 = arith.addi %add3A_353, %add3A_354 : i32
    %lt3A_356 = arith.constant 100 : i32
    %lt3A_357 = arith.cmpi slt, %add3A_355, %lt3A_356 : i32
    %slice3A_358 = vector.extract_strided_slice %get3A_201 {offsets = [15], sizes = [1], strides = [1]} : vector<16xi32> to vector<1xi32>
    %squeeze3A_359 = vector.extract %slice3A_358[0] : i32 from vector<1xi32>
    %jit3A_360 = arith.constant 0 : i32
    %select_n3A_361 = arith.select %lt3A_357, %squeeze3A_359, %jit3A_360 : i32
    %dma_start3A = arith.constant 0 : i32
    %dma_start3A_362 = arith.constant 0 : i32
    %dma_start3A_363 = tpu.memref_slice %arg6[%dma_start3A, %dma_start3A_362] : memref<32x128xf32, #tpu.memory_space<vmem>> -> memref<1x128xf32, #tpu.memory_space<vmem>>
    %dma_start3A_364 = tpu.memref_squeeze %dma_start3A_363 : memref<1x128xf32, #tpu.memory_space<vmem>> -> memref<128xf32, #tpu.memory_space<vmem>>
    %dma_start3A_365 = tpu.memref_slice %arg2[%select_n3A_46, %multiple_of3A] : memref<100000x1024xf32, #tpu.memory_space<hbm>> -> memref<1x128xf32, #tpu.memory_space<hbm>>
    %dma_start3A_366 = tpu.memref_squeeze %dma_start3A_365 : memref<1x128xf32, #tpu.memory_space<hbm>> -> memref<128xf32, #tpu.memory_space<hbm>>
    %dma_start3A_367 = arith.constant 0 : i32
    %dma_start3A_368 = tpu.memref_slice %arg6[%dma_start3A, %dma_start3A_367] : memref<32x128xf32, #tpu.memory_space<vmem>> -> memref<1x128xf32, #tpu.memory_space<vmem>>
    %dma_start3A_369 = tpu.memref_squeeze %dma_start3A_368 : memref<1x128xf32, #tpu.memory_space<vmem>> -> memref<128xf32, #tpu.memory_space<vmem>>
    %dma_start3A_370 = tpu.memref_slice %arg2[%select_n3A_46, %multiple_of3A] : memref<100000x1024xf32, #tpu.memory_space<hbm>> -> memref<1x128xf32, #tpu.memory_space<hbm>>
    %dma_start3A_371 = tpu.memref_squeeze %dma_start3A_370 : memref<1x128xf32, #tpu.memory_space<hbm>> -> memref<128xf32, #tpu.memory_space<hbm>>
    tpu.enqueue_dma source(%dma_start3A_371 : memref<128xf32, #tpu.memory_space<hbm>>) target(%dma_start3A_369 : memref<128xf32, #tpu.memory_space<vmem>>) target_semaphore(%arg10 : memref<!tpu.dma_semaphore, #tpu.memory_space<semaphore_mem>>)
    %dma_start3A_372 = arith.constant 1 : i32
    %dma_start3A_373 = arith.constant 0 : i32
    %dma_start3A_374 = tpu.memref_slice %arg6[%dma_start3A_372, %dma_start3A_373] : memref<32x128xf32, #tpu.memory_space<vmem>> -> memref<1x128xf32, #tpu.memory_space<vmem>>
    %dma_start3A_375 = tpu.memref_squeeze %dma_start3A_374 : memref<1x128xf32, #tpu.memory_space<vmem>> -> memref<128xf32, #tpu.memory_space<vmem>>
    %dma_start3A_376 = tpu.memref_slice %arg2[%select_n3A_56, %multiple_of3A] : memref<100000x1024xf32, #tpu.memory_space<hbm>> -> memref<1x128xf32, #tpu.memory_space<hbm>>
    %dma_start3A_377 = tpu.memref_squeeze %dma_start3A_376 : memref<1x128xf32, #tpu.memory_space<hbm>> -> memref<128xf32, #tpu.memory_space<hbm>>
    %dma_start3A_378 = arith.constant 0 : i32
    %dma_start3A_379 = tpu.memref_slice %arg6[%dma_start3A_372, %dma_start3A_378] : memref<32x128xf32, #tpu.memory_space<vmem>> -> memref<1x128xf32, #tpu.memory_space<vmem>>
    %dma_start3A_380 = tpu.memref_squeeze %dma_start3A_379 : memref<1x128xf32, #tpu.memory_space<vmem>> -> memref<128xf32, #tpu.memory_space<vmem>>
    %dma_start3A_381 = tpu.memref_slice %arg2[%select_n3A_56, %multiple_of3A] : memref<100000x1024xf32, #tpu.memory_space<hbm>> -> memref<1x128xf32, #tpu.memory_space<hbm>>
    %dma_start3A_382 = tpu.memref_squeeze %dma_start3A_381 : memref<1x128xf32, #tpu.memory_space<hbm>> -> memref<128xf32, #tpu.memory_space<hbm>>
    tpu.enqueue_dma source(%dma_start3A_382 : memref<128xf32, #tpu.memory_space<hbm>>) target(%dma_start3A_380 : memref<128xf32, #tpu.memory_space<vmem>>) target_semaphore(%arg10 : memref<!tpu.dma_semaphore, #tpu.memory_space<semaphore_mem>>)
    %dma_start3A_383 = arith.constant 2 : i32
    %dma_start3A_384 = arith.constant 0 : i32
    %dma_start3A_385 = tpu.memref_slice %arg6[%dma_start3A_383, %dma_start3A_384] : memref<32x128xf32, #tpu.memory_space<vmem>> -> memref<1x128xf32, #tpu.memory_space<vmem>>
    %dma_start3A_386 = tpu.memref_squeeze %dma_start3A_385 : memref<1x128xf32, #tpu.memory_space<vmem>> -> memref<128xf32, #tpu.memory_space<vmem>>
    %dma_start3A_387 = tpu.memref_slice %arg2[%select_n3A_66, %multiple_of3A] : memref<100000x1024xf32, #tpu.memory_space<hbm>> -> memref<1x128xf32, #tpu.memory_space<hbm>>
    %dma_start3A_388 = tpu.memref_squeeze %dma_start3A_387 : memref<1x128xf32, #tpu.memory_space<hbm>> -> memref<128xf32, #tpu.memory_space<hbm>>
    %dma_start3A_389 = arith.constant 0 : i32
    %dma_start3A_390 = tpu.memref_slice %arg6[%dma_start3A_383, %dma_start3A_389] : memref<32x128xf32, #tpu.memory_space<vmem>> -> memref<1x128xf32, #tpu.memory_space<vmem>>
    %dma_start3A_391 = tpu.memref_squeeze %dma_start3A_390 : memref<1x128xf32, #tpu.memory_space<vmem>> -> memref<128xf32, #tpu.memory_space<vmem>>
    %dma_start3A_392 = tpu.memref_slice %arg2[%select_n3A_66, %multiple_of3A] : memref<100000x1024xf32, #tpu.memory_space<hbm>> -> memref<1x128xf32, #tpu.memory_space<hbm>>
    %dma_start3A_393 = tpu.memref_squeeze %dma_start3A_392 : memref<1x128xf32, #tpu.memory_space<hbm>> -> memref<128xf32, #tpu.memory_space<hbm>>
    tpu.enqueue_dma source(%dma_start3A_393 : memref<128xf32, #tpu.memory_space<hbm>>) target(%dma_start3A_391 : memref<128xf32, #tpu.memory_space<vmem>>) target_semaphore(%arg10 : memref<!tpu.dma_semaphore, #tpu.memory_space<semaphore_mem>>)
    %dma_start3A_394 = arith.constant 3 : i32
    %dma_start3A_395 = arith.constant 0 : i32
    %dma_start3A_396 = tpu.memref_slice %arg6[%dma_start3A_394, %dma_start3A_395] : memref<32x128xf32, #tpu.memory_space<vmem>> -> memref<1x128xf32, #tpu.memory_space<vmem>>
    %dma_start3A_397 = tpu.memref_squeeze %dma_start3A_396 : memref<1x128xf32, #tpu.memory_space<vmem>> -> memref<128xf32, #tpu.memory_space<vmem>>
    %dma_start3A_398 = tpu.memref_slice %arg2[%select_n3A_76, %multiple_of3A] : memref<100000x1024xf32, #tpu.memory_space<hbm>> -> memref<1x128xf32, #tpu.memory_space<hbm>>
    %dma_start3A_399 = tpu.memref_squeeze %dma_start3A_398 : memref<1x128xf32, #tpu.memory_space<hbm>> -> memref<128xf32, #tpu.memory_space<hbm>>
    %dma_start3A_400 = arith.constant 0 : i32
    %dma_start3A_401 = tpu.memref_slice %arg6[%dma_start3A_394, %dma_start3A_400] : memref<32x128xf32, #tpu.memory_space<vmem>> -> memref<1x128xf32, #tpu.memory_space<vmem>>
    %dma_start3A_402 = tpu.memref_squeeze %dma_start3A_401 : memref<1x128xf32, #tpu.memory_space<vmem>> -> memref<128xf32, #tpu.memory_space<vmem>>
    %dma_start3A_403 = tpu.memref_slice %arg2[%select_n3A_76, %multiple_of3A] : memref<100000x1024xf32, #tpu.memory_space<hbm>> -> memref<1x128xf32, #tpu.memory_space<hbm>>
    %dma_start3A_404 = tpu.memref_squeeze %dma_start3A_403 : memref<1x128xf32, #tpu.memory_space<hbm>> -> memref<128xf32, #tpu.memory_space<hbm>>
    tpu.enqueue_dma source(%dma_start3A_404 : memref<128xf32, #tpu.memory_space<hbm>>) target(%dma_start3A_402 : memref<128xf32, #tpu.memory_space<vmem>>) target_semaphore(%arg10 : memref<!tpu.dma_semaphore, #tpu.memory_space<semaphore_mem>>)
    %dma_start3A_405 = arith.constant 4 : i32
    %dma_start3A_406 = arith.constant 0 : i32
    %dma_start3A_407 = tpu.memref_slice %arg6[%dma_start3A_405, %dma_start3A_406] : memref<32x128xf32, #tpu.memory_space<vmem>> -> memref<1x128xf32, #tpu.memory_space<vmem>>
    %dma_start3A_408 = tpu.memref_squeeze %dma_start3A_407 : memref<1x128xf32, #tpu.memory_space<vmem>> -> memref<128xf32, #tpu.memory_space<vmem>>
    %dma_start3A_409 = tpu.memref_slice %arg2[%select_n3A_86, %multiple_of3A] : memref<100000x1024xf32, #tpu.memory_space<hbm>> -> memref<1x128xf32, #tpu.memory_space<hbm>>
    %dma_start3A_410 = tpu.memref_squeeze %dma_start3A_409 : memref<1x128xf32, #tpu.memory_space<hbm>> -> memref<128xf32, #tpu.memory_space<hbm>>
    %dma_start3A_411 = arith.constant 0 : i32
    %dma_start3A_412 = tpu.memref_slice %arg6[%dma_start3A_405, %dma_start3A_411] : memref<32x128xf32, #tpu.memory_space<vmem>> -> memref<1x128xf32, #tpu.memory_space<vmem>>
    %dma_start3A_413 = tpu.memref_squeeze %dma_start3A_412 : memref<1x128xf32, #tpu.memory_space<vmem>> -> memref<128xf32, #tpu.memory_space<vmem>>
    %dma_start3A_414 = tpu.memref_slice %arg2[%select_n3A_86, %multiple_of3A] : memref<100000x1024xf32, #tpu.memory_space<hbm>> -> memref<1x128xf32, #tpu.memory_space<hbm>>
    %dma_start3A_415 = tpu.memref_squeeze %dma_start3A_414 : memref<1x128xf32, #tpu.memory_space<hbm>> -> memref<128xf32, #tpu.memory_space<hbm>>
    tpu.enqueue_dma source(%dma_start3A_415 : memref<128xf32, #tpu.memory_space<hbm>>) target(%dma_start3A_413 : memref<128xf32, #tpu.memory_space<vmem>>) target_semaphore(%arg10 : memref<!tpu.dma_semaphore, #tpu.memory_space<semaphore_mem>>)
    %dma_start3A_416 = arith.constant 5 : i32
    %dma_start3A_417 = arith.constant 0 : i32
    %dma_start3A_418 = tpu.memref_slice %arg6[%dma_start3A_416, %dma_start3A_417] : memref<32x128xf32, #tpu.memory_space<vmem>> -> memref<1x128xf32, #tpu.memory_space<vmem>>
    %dma_start3A_419 = tpu.memref_squeeze %dma_start3A_418 : memref<1x128xf32, #tpu.memory_space<vmem>> -> memref<128xf32, #tpu.memory_space<vmem>>
    %dma_start3A_420 = tpu.memref_slice %arg2[%select_n3A_96, %multiple_of3A] : memref<100000x1024xf32, #tpu.memory_space<hbm>> -> memref<1x128xf32, #tpu.memory_space<hbm>>
    %dma_start3A_421 = tpu.memref_squeeze %dma_start3A_420 : memref<1x128xf32, #tpu.memory_space<hbm>> -> memref<128xf32, #tpu.memory_space<hbm>>
    %dma_start3A_422 = arith.constant 0 : i32
    %dma_start3A_423 = tpu.memref_slice %arg6[%dma_start3A_416, %dma_start3A_422] : memref<32x128xf32, #tpu.memory_space<vmem>> -> memref<1x128xf32, #tpu.memory_space<vmem>>
    %dma_start3A_424 = tpu.memref_squeeze %dma_start3A_423 : memref<1x128xf32, #tpu.memory_space<vmem>> -> memref<128xf32, #tpu.memory_space<vmem>>
    %dma_start3A_425 = tpu.memref_slice %arg2[%select_n3A_96, %multiple_of3A] : memref<100000x1024xf32, #tpu.memory_space<hbm>> -> memref<1x128xf32, #tpu.memory_space<hbm>>
    %dma_start3A_426 = tpu.memref_squeeze %dma_start3A_425 : memref<1x128xf32, #tpu.memory_space<hbm>> -> memref<128xf32, #tpu.memory_space<hbm>>
    tpu.enqueue_dma source(%dma_start3A_426 : memref<128xf32, #tpu.memory_space<hbm>>) target(%dma_start3A_424 : memref<128xf32, #tpu.memory_space<vmem>>) target_semaphore(%arg10 : memref<!tpu.dma_semaphore, #tpu.memory_space<semaphore_mem>>)
    %dma_start3A_427 = arith.constant 6 : i32
    %dma_start3A_428 = arith.constant 0 : i32
    %dma_start3A_429 = tpu.memref_slice %arg6[%dma_start3A_427, %dma_start3A_428] : memref<32x128xf32, #tpu.memory_space<vmem>> -> memref<1x128xf32, #tpu.memory_space<vmem>>
    %dma_start3A_430 = tpu.memref_squeeze %dma_start3A_429 : memref<1x128xf32, #tpu.memory_space<vmem>> -> memref<128xf32, #tpu.memory_space<vmem>>
    %dma_start3A_431 = tpu.memref_slice %arg2[%select_n3A_106, %multiple_of3A] : memref<100000x1024xf32, #tpu.memory_space<hbm>> -> memref<1x128xf32, #tpu.memory_space<hbm>>
    %dma_start3A_432 = tpu.memref_squeeze %dma_start3A_431 : memref<1x128xf32, #tpu.memory_space<hbm>> -> memref<128xf32, #tpu.memory_space<hbm>>
    %dma_start3A_433 = arith.constant 0 : i32
    %dma_start3A_434 = tpu.memref_slice %arg6[%dma_start3A_427, %dma_start3A_433] : memref<32x128xf32, #tpu.memory_space<vmem>> -> memref<1x128xf32, #tpu.memory_space<vmem>>
    %dma_start3A_435 = tpu.memref_squeeze %dma_start3A_434 : memref<1x128xf32, #tpu.memory_space<vmem>> -> memref<128xf32, #tpu.memory_space<vmem>>
    %dma_start3A_436 = tpu.memref_slice %arg2[%select_n3A_106, %multiple_of3A] : memref<100000x1024xf32, #tpu.memory_space<hbm>> -> memref<1x128xf32, #tpu.memory_space<hbm>>
    %dma_start3A_437 = tpu.memref_squeeze %dma_start3A_436 : memref<1x128xf32, #tpu.memory_space<hbm>> -> memref<128xf32, #tpu.memory_space<hbm>>
    tpu.enqueue_dma source(%dma_start3A_437 : memref<128xf32, #tpu.memory_space<hbm>>) target(%dma_start3A_435 : memref<128xf32, #tpu.memory_space<vmem>>) target_semaphore(%arg10 : memref<!tpu.dma_semaphore, #tpu.memory_space<semaphore_mem>>)
    %dma_start3A_438 = arith.constant 7 : i32
    %dma_start3A_439 = arith.constant 0 : i32
    %dma_start3A_440 = tpu.memref_slice %arg6[%dma_start3A_438, %dma_start3A_439] : memref<32x128xf32, #tpu.memory_space<vmem>> -> memref<1x128xf32, #tpu.memory_space<vmem>>
    %dma_start3A_441 = tpu.memref_squeeze %dma_start3A_440 : memref<1x128xf32, #tpu.memory_space<vmem>> -> memref<128xf32, #tpu.memory_space<vmem>>
    %dma_start3A_442 = tpu.memref_slice %arg2[%select_n3A_116, %multiple_of3A] : memref<100000x1024xf32, #tpu.memory_space<hbm>> -> memref<1x128xf32, #tpu.memory_space<hbm>>
    %dma_start3A_443 = tpu.memref_squeeze %dma_start3A_442 : memref<1x128xf32, #tpu.memory_space<hbm>> -> memref<128xf32, #tpu.memory_space<hbm>>
    %dma_start3A_444 = arith.constant 0 : i32
    %dma_start3A_445 = tpu.memref_slice %arg6[%dma_start3A_438, %dma_start3A_444] : memref<32x128xf32, #tpu.memory_space<vmem>> -> memref<1x128xf32, #tpu.memory_space<vmem>>
    %dma_start3A_446 = tpu.memref_squeeze %dma_start3A_445 : memref<1x128xf32, #tpu.memory_space<vmem>> -> memref<128xf32, #tpu.memory_space<vmem>>
    %dma_start3A_447 = tpu.memref_slice %arg2[%select_n3A_116, %multiple_of3A] : memref<100000x1024xf32, #tpu.memory_space<hbm>> -> memref<1x128xf32, #tpu.memory_space<hbm>>
    %dma_start3A_448 = tpu.memref_squeeze %dma_start3A_447 : memref<1x128xf32, #tpu.memory_space<hbm>> -> memref<128xf32, #tpu.memory_space<hbm>>
    tpu.enqueue_dma source(%dma_start3A_448 : memref<128xf32, #tpu.memory_space<hbm>>) target(%dma_start3A_446 : memref<128xf32, #tpu.memory_space<vmem>>) target_semaphore(%arg10 : memref<!tpu.dma_semaphore, #tpu.memory_space<semaphore_mem>>)
    %dma_start3A_449 = arith.constant 8 : i32
    %dma_start3A_450 = arith.constant 0 : i32
    %dma_start3A_451 = tpu.memref_slice %arg6[%dma_start3A_449, %dma_start3A_450] : memref<32x128xf32, #tpu.memory_space<vmem>> -> memref<1x128xf32, #tpu.memory_space<vmem>>
    %dma_start3A_452 = tpu.memref_squeeze %dma_start3A_451 : memref<1x128xf32, #tpu.memory_space<vmem>> -> memref<128xf32, #tpu.memory_space<vmem>>
    %dma_start3A_453 = tpu.memref_slice %arg2[%select_n3A_126, %multiple_of3A] : memref<100000x1024xf32, #tpu.memory_space<hbm>> -> memref<1x128xf32, #tpu.memory_space<hbm>>
    %dma_start3A_454 = tpu.memref_squeeze %dma_start3A_453 : memref<1x128xf32, #tpu.memory_space<hbm>> -> memref<128xf32, #tpu.memory_space<hbm>>
    %dma_start3A_455 = arith.constant 0 : i32
    %dma_start3A_456 = tpu.memref_slice %arg6[%dma_start3A_449, %dma_start3A_455] : memref<32x128xf32, #tpu.memory_space<vmem>> -> memref<1x128xf32, #tpu.memory_space<vmem>>
    %dma_start3A_457 = tpu.memref_squeeze %dma_start3A_456 : memref<1x128xf32, #tpu.memory_space<vmem>> -> memref<128xf32, #tpu.memory_space<vmem>>
    %dma_start3A_458 = tpu.memref_slice %arg2[%select_n3A_126, %multiple_of3A] : memref<100000x1024xf32, #tpu.memory_space<hbm>> -> memref<1x128xf32, #tpu.memory_space<hbm>>
    %dma_start3A_459 = tpu.memref_squeeze %dma_start3A_458 : memref<1x128xf32, #tpu.memory_space<hbm>> -> memref<128xf32, #tpu.memory_space<hbm>>
    tpu.enqueue_dma source(%dma_start3A_459 : memref<128xf32, #tpu.memory_space<hbm>>) target(%dma_start3A_457 : memref<128xf32, #tpu.memory_space<vmem>>) target_semaphore(%arg10 : memref<!tpu.dma_semaphore, #tpu.memory_space<semaphore_mem>>)
    %dma_start3A_460 = arith.constant 9 : i32
    %dma_start3A_461 = arith.constant 0 : i32
    %dma_start3A_462 = tpu.memref_slice %arg6[%dma_start3A_460, %dma_start3A_461] : memref<32x128xf32, #tpu.memory_space<vmem>> -> memref<1x128xf32, #tpu.memory_space<vmem>>
    %dma_start3A_463 = tpu.memref_squeeze %dma_start3A_462 : memref<1x128xf32, #tpu.memory_space<vmem>> -> memref<128xf32, #tpu.memory_space<vmem>>
    %dma_start3A_464 = tpu.memref_slice %arg2[%select_n3A_136, %multiple_of3A] : memref<100000x1024xf32, #tpu.memory_space<hbm>> -> memref<1x128xf32, #tpu.memory_space<hbm>>
    %dma_start3A_465 = tpu.memref_squeeze %dma_start3A_464 : memref<1x128xf32, #tpu.memory_space<hbm>> -> memref<128xf32, #tpu.memory_space<hbm>>
    %dma_start3A_466 = arith.constant 0 : i32
    %dma_start3A_467 = tpu.memref_slice %arg6[%dma_start3A_460, %dma_start3A_466] : memref<32x128xf32, #tpu.memory_space<vmem>> -> memref<1x128xf32, #tpu.memory_space<vmem>>
    %dma_start3A_468 = tpu.memref_squeeze %dma_start3A_467 : memref<1x128xf32, #tpu.memory_space<vmem>> -> memref<128xf32, #tpu.memory_space<vmem>>
    %dma_start3A_469 = tpu.memref_slice %arg2[%select_n3A_136, %multiple_of3A] : memref<100000x1024xf32, #tpu.memory_space<hbm>> -> memref<1x128xf32, #tpu.memory_space<hbm>>
    %dma_start3A_470 = tpu.memref_squeeze %dma_start3A_469 : memref<1x128xf32, #tpu.memory_space<hbm>> -> memref<128xf32, #tpu.memory_space<hbm>>
    tpu.enqueue_dma source(%dma_start3A_470 : memref<128xf32, #tpu.memory_space<hbm>>) target(%dma_start3A_468 : memref<128xf32, #tpu.memory_space<vmem>>) target_semaphore(%arg10 : memref<!tpu.dma_semaphore, #tpu.memory_space<semaphore_mem>>)
    %dma_start3A_471 = arith.constant 10 : i32
    %dma_start3A_472 = arith.constant 0 : i32
    %dma_start3A_473 = tpu.memref_slice %arg6[%dma_start3A_471, %dma_start3A_472] : memref<32x128xf32, #tpu.memory_space<vmem>> -> memref<1x128xf32, #tpu.memory_space<vmem>>
    %dma_start3A_474 = tpu.memref_squeeze %dma_start3A_473 : memref<1x128xf32, #tpu.memory_space<vmem>> -> memref<128xf32, #tpu.memory_space<vmem>>
    %dma_start3A_475 = tpu.memref_slice %arg2[%select_n3A_146, %multiple_of3A] : memref<100000x1024xf32, #tpu.memory_space<hbm>> -> memref<1x128xf32, #tpu.memory_space<hbm>>
    %dma_start3A_476 = tpu.memref_squeeze %dma_start3A_475 : memref<1x128xf32, #tpu.memory_space<hbm>> -> memref<128xf32, #tpu.memory_space<hbm>>
    %dma_start3A_477 = arith.constant 0 : i32
    %dma_start3A_478 = tpu.memref_slice %arg6[%dma_start3A_471, %dma_start3A_477] : memref<32x128xf32, #tpu.memory_space<vmem>> -> memref<1x128xf32, #tpu.memory_space<vmem>>
    %dma_start3A_479 = tpu.memref_squeeze %dma_start3A_478 : memref<1x128xf32, #tpu.memory_space<vmem>> -> memref<128xf32, #tpu.memory_space<vmem>>
    %dma_start3A_480 = tpu.memref_slice %arg2[%select_n3A_146, %multiple_of3A] : memref<100000x1024xf32, #tpu.memory_space<hbm>> -> memref<1x128xf32, #tpu.memory_space<hbm>>
    %dma_start3A_481 = tpu.memref_squeeze %dma_start3A_480 : memref<1x128xf32, #tpu.memory_space<hbm>> -> memref<128xf32, #tpu.memory_space<hbm>>
    tpu.enqueue_dma source(%dma_start3A_481 : memref<128xf32, #tpu.memory_space<hbm>>) target(%dma_start3A_479 : memref<128xf32, #tpu.memory_space<vmem>>) target_semaphore(%arg10 : memref<!tpu.dma_semaphore, #tpu.memory_space<semaphore_mem>>)
    %dma_start3A_482 = arith.constant 11 : i32
    %dma_start3A_483 = arith.constant 0 : i32
    %dma_start3A_484 = tpu.memref_slice %arg6[%dma_start3A_482, %dma_start3A_483] : memref<32x128xf32, #tpu.memory_space<vmem>> -> memref<1x128xf32, #tpu.memory_space<vmem>>
    %dma_start3A_485 = tpu.memref_squeeze %dma_start3A_484 : memref<1x128xf32, #tpu.memory_space<vmem>> -> memref<128xf32, #tpu.memory_space<vmem>>
    %dma_start3A_486 = tpu.memref_slice %arg2[%select_n3A_156, %multiple_of3A] : memref<100000x1024xf32, #tpu.memory_space<hbm>> -> memref<1x128xf32, #tpu.memory_space<hbm>>
    %dma_start3A_487 = tpu.memref_squeeze %dma_start3A_486 : memref<1x128xf32, #tpu.memory_space<hbm>> -> memref<128xf32, #tpu.memory_space<hbm>>
    %dma_start3A_488 = arith.constant 0 : i32
    %dma_start3A_489 = tpu.memref_slice %arg6[%dma_start3A_482, %dma_start3A_488] : memref<32x128xf32, #tpu.memory_space<vmem>> -> memref<1x128xf32, #tpu.memory_space<vmem>>
    %dma_start3A_490 = tpu.memref_squeeze %dma_start3A_489 : memref<1x128xf32, #tpu.memory_space<vmem>> -> memref<128xf32, #tpu.memory_space<vmem>>
    %dma_start3A_491 = tpu.memref_slice %arg2[%select_n3A_156, %multiple_of3A] : memref<100000x1024xf32, #tpu.memory_space<hbm>> -> memref<1x128xf32, #tpu.memory_space<hbm>>
    %dma_start3A_492 = tpu.memref_squeeze %dma_start3A_491 : memref<1x128xf32, #tpu.memory_space<hbm>> -> memref<128xf32, #tpu.memory_space<hbm>>
    tpu.enqueue_dma source(%dma_start3A_492 : memref<128xf32, #tpu.memory_space<hbm>>) target(%dma_start3A_490 : memref<128xf32, #tpu.memory_space<vmem>>) target_semaphore(%arg10 : memref<!tpu.dma_semaphore, #tpu.memory_space<semaphore_mem>>)
    %dma_start3A_493 = arith.constant 12 : i32
    %dma_start3A_494 = arith.constant 0 : i32
    %dma_start3A_495 = tpu.memref_slice %arg6[%dma_start3A_493, %dma_start3A_494] : memref<32x128xf32, #tpu.memory_space<vmem>> -> memref<1x128xf32, #tpu.memory_space<vmem>>
    %dma_start3A_496 = tpu.memref_squeeze %dma_start3A_495 : memref<1x128xf32, #tpu.memory_space<vmem>> -> memref<128xf32, #tpu.memory_space<vmem>>
    %dma_start3A_497 = tpu.memref_slice %arg2[%select_n3A_166, %multiple_of3A] : memref<100000x1024xf32, #tpu.memory_space<hbm>> -> memref<1x128xf32, #tpu.memory_space<hbm>>
    %dma_start3A_498 = tpu.memref_squeeze %dma_start3A_497 : memref<1x128xf32, #tpu.memory_space<hbm>> -> memref<128xf32, #tpu.memory_space<hbm>>
    %dma_start3A_499 = arith.constant 0 : i32
    %dma_start3A_500 = tpu.memref_slice %arg6[%dma_start3A_493, %dma_start3A_499] : memref<32x128xf32, #tpu.memory_space<vmem>> -> memref<1x128xf32, #tpu.memory_space<vmem>>
    %dma_start3A_501 = tpu.memref_squeeze %dma_start3A_500 : memref<1x128xf32, #tpu.memory_space<vmem>> -> memref<128xf32, #tpu.memory_space<vmem>>
    %dma_start3A_502 = tpu.memref_slice %arg2[%select_n3A_166, %multiple_of3A] : memref<100000x1024xf32, #tpu.memory_space<hbm>> -> memref<1x128xf32, #tpu.memory_space<hbm>>
    %dma_start3A_503 = tpu.memref_squeeze %dma_start3A_502 : memref<1x128xf32, #tpu.memory_space<hbm>> -> memref<128xf32, #tpu.memory_space<hbm>>
    tpu.enqueue_dma source(%dma_start3A_503 : memref<128xf32, #tpu.memory_space<hbm>>) target(%dma_start3A_501 : memref<128xf32, #tpu.memory_space<vmem>>) target_semaphore(%arg10 : memref<!tpu.dma_semaphore, #tpu.memory_space<semaphore_mem>>)
    %dma_start3A_504 = arith.constant 13 : i32
    %dma_start3A_505 = arith.constant 0 : i32
    %dma_start3A_506 = tpu.memref_slice %arg6[%dma_start3A_504, %dma_start3A_505] : memref<32x128xf32, #tpu.memory_space<vmem>> -> memref<1x128xf32, #tpu.memory_space<vmem>>
    %dma_start3A_507 = tpu.memref_squeeze %dma_start3A_506 : memref<1x128xf32, #tpu.memory_space<vmem>> -> memref<128xf32, #tpu.memory_space<vmem>>
    %dma_start3A_508 = tpu.memref_slice %arg2[%select_n3A_176, %multiple_of3A] : memref<100000x1024xf32, #tpu.memory_space<hbm>> -> memref<1x128xf32, #tpu.memory_space<hbm>>
    %dma_start3A_509 = tpu.memref_squeeze %dma_start3A_508 : memref<1x128xf32, #tpu.memory_space<hbm>> -> memref<128xf32, #tpu.memory_space<hbm>>
    %dma_start3A_510 = arith.constant 0 : i32
    %dma_start3A_511 = tpu.memref_slice %arg6[%dma_start3A_504, %dma_start3A_510] : memref<32x128xf32, #tpu.memory_space<vmem>> -> memref<1x128xf32, #tpu.memory_space<vmem>>
    %dma_start3A_512 = tpu.memref_squeeze %dma_start3A_511 : memref<1x128xf32, #tpu.memory_space<vmem>> -> memref<128xf32, #tpu.memory_space<vmem>>
    %dma_start3A_513 = tpu.memref_slice %arg2[%select_n3A_176, %multiple_of3A] : memref<100000x1024xf32, #tpu.memory_space<hbm>> -> memref<1x128xf32, #tpu.memory_space<hbm>>
    %dma_start3A_514 = tpu.memref_squeeze %dma_start3A_513 : memref<1x128xf32, #tpu.memory_space<hbm>> -> memref<128xf32, #tpu.memory_space<hbm>>
    tpu.enqueue_dma source(%dma_start3A_514 : memref<128xf32, #tpu.memory_space<hbm>>) target(%dma_start3A_512 : memref<128xf32, #tpu.memory_space<vmem>>) target_semaphore(%arg10 : memref<!tpu.dma_semaphore, #tpu.memory_space<semaphore_mem>>)
    %dma_start3A_515 = arith.constant 14 : i32
    %dma_start3A_516 = arith.constant 0 : i32
    %dma_start3A_517 = tpu.memref_slice %arg6[%dma_start3A_515, %dma_start3A_516] : memref<32x128xf32, #tpu.memory_space<vmem>> -> memref<1x128xf32, #tpu.memory_space<vmem>>
    %dma_start3A_518 = tpu.memref_squeeze %dma_start3A_517 : memref<1x128xf32, #tpu.memory_space<vmem>> -> memref<128xf32, #tpu.memory_space<vmem>>
    %dma_start3A_519 = tpu.memref_slice %arg2[%select_n3A_186, %multiple_of3A] : memref<100000x1024xf32, #tpu.memory_space<hbm>> -> memref<1x128xf32, #tpu.memory_space<hbm>>
    %dma_start3A_520 = tpu.memref_squeeze %dma_start3A_519 : memref<1x128xf32, #tpu.memory_space<hbm>> -> memref<128xf32, #tpu.memory_space<hbm>>
    %dma_start3A_521 = arith.constant 0 : i32
    %dma_start3A_522 = tpu.memref_slice %arg6[%dma_start3A_515, %dma_start3A_521] : memref<32x128xf32, #tpu.memory_space<vmem>> -> memref<1x128xf32, #tpu.memory_space<vmem>>
    %dma_start3A_523 = tpu.memref_squeeze %dma_start3A_522 : memref<1x128xf32, #tpu.memory_space<vmem>> -> memref<128xf32, #tpu.memory_space<vmem>>
    %dma_start3A_524 = tpu.memref_slice %arg2[%select_n3A_186, %multiple_of3A] : memref<100000x1024xf32, #tpu.memory_space<hbm>> -> memref<1x128xf32, #tpu.memory_space<hbm>>
    %dma_start3A_525 = tpu.memref_squeeze %dma_start3A_524 : memref<1x128xf32, #tpu.memory_space<hbm>> -> memref<128xf32, #tpu.memory_space<hbm>>
    tpu.enqueue_dma source(%dma_start3A_525 : memref<128xf32, #tpu.memory_space<hbm>>) target(%dma_start3A_523 : memref<128xf32, #tpu.memory_space<vmem>>) target_semaphore(%arg10 : memref<!tpu.dma_semaphore, #tpu.memory_space<semaphore_mem>>)
    %dma_start3A_526 = arith.constant 15 : i32
    %dma_start3A_527 = arith.constant 0 : i32
    %dma_start3A_528 = tpu.memref_slice %arg6[%dma_start3A_526, %dma_start3A_527] : memref<32x128xf32, #tpu.memory_space<vmem>> -> memref<1x128xf32, #tpu.memory_space<vmem>>
    %dma_start3A_529 = tpu.memref_squeeze %dma_start3A_528 : memref<1x128xf32, #tpu.memory_space<vmem>> -> memref<128xf32, #tpu.memory_space<vmem>>
    %dma_start3A_530 = tpu.memref_slice %arg2[%select_n3A_196, %multiple_of3A] : memref<100000x1024xf32, #tpu.memory_space<hbm>> -> memref<1x128xf32, #tpu.memory_space<hbm>>
    %dma_start3A_531 = tpu.memref_squeeze %dma_start3A_530 : memref<1x128xf32, #tpu.memory_space<hbm>> -> memref<128xf32, #tpu.memory_space<hbm>>
    %dma_start3A_532 = arith.constant 0 : i32
    %dma_start3A_533 = tpu.memref_slice %arg6[%dma_start3A_526, %dma_start3A_532] : memref<32x128xf32, #tpu.memory_space<vmem>> -> memref<1x128xf32, #tpu.memory_space<vmem>>
    %dma_start3A_534 = tpu.memref_squeeze %dma_start3A_533 : memref<1x128xf32, #tpu.memory_space<vmem>> -> memref<128xf32, #tpu.memory_space<vmem>>
    %dma_start3A_535 = tpu.memref_slice %arg2[%select_n3A_196, %multiple_of3A] : memref<100000x1024xf32, #tpu.memory_space<hbm>> -> memref<1x128xf32, #tpu.memory_space<hbm>>
    %dma_start3A_536 = tpu.memref_squeeze %dma_start3A_535 : memref<1x128xf32, #tpu.memory_space<hbm>> -> memref<128xf32, #tpu.memory_space<hbm>>
    tpu.enqueue_dma source(%dma_start3A_536 : memref<128xf32, #tpu.memory_space<hbm>>) target(%dma_start3A_534 : memref<128xf32, #tpu.memory_space<vmem>>) target_semaphore(%arg10 : memref<!tpu.dma_semaphore, #tpu.memory_space<semaphore_mem>>)
    %dma_start3A_537 = arith.constant 16 : i32
    %dma_start3A_538 = arith.constant 0 : i32
    %dma_start3A_539 = tpu.memref_slice %arg6[%dma_start3A_537, %dma_start3A_538] : memref<32x128xf32, #tpu.memory_space<vmem>> -> memref<1x128xf32, #tpu.memory_space<vmem>>
    %dma_start3A_540 = tpu.memref_squeeze %dma_start3A_539 : memref<1x128xf32, #tpu.memory_space<vmem>> -> memref<128xf32, #tpu.memory_space<vmem>>
    %dma_start3A_541 = tpu.memref_slice %arg2[%select_n3A_211, %multiple_of3A] : memref<100000x1024xf32, #tpu.memory_space<hbm>> -> memref<1x128xf32, #tpu.memory_space<hbm>>
    %dma_start3A_542 = tpu.memref_squeeze %dma_start3A_541 : memref<1x128xf32, #tpu.memory_space<hbm>> -> memref<128xf32, #tpu.memory_space<hbm>>
    %dma_start3A_543 = arith.constant 0 : i32
    %dma_start3A_544 = tpu.memref_slice %arg6[%dma_start3A_537, %dma_start3A_543] : memref<32x128xf32, #tpu.memory_space<vmem>> -> memref<1x128xf32, #tpu.memory_space<vmem>>
    %dma_start3A_545 = tpu.memref_squeeze %dma_start3A_544 : memref<1x128xf32, #tpu.memory_space<vmem>> -> memref<128xf32, #tpu.memory_space<vmem>>
    %dma_start3A_546 = tpu.memref_slice %arg2[%select_n3A_211, %multiple_of3A] : memref<100000x1024xf32, #tpu.memory_space<hbm>> -> memref<1x128xf32, #tpu.memory_space<hbm>>
    %dma_start3A_547 = tpu.memref_squeeze %dma_start3A_546 : memref<1x128xf32, #tpu.memory_space<hbm>> -> memref<128xf32, #tpu.memory_space<hbm>>
    tpu.enqueue_dma source(%dma_start3A_547 : memref<128xf32, #tpu.memory_space<hbm>>) target(%dma_start3A_545 : memref<128xf32, #tpu.memory_space<vmem>>) target_semaphore(%arg10 : memref<!tpu.dma_semaphore, #tpu.memory_space<semaphore_mem>>)
    %dma_start3A_548 = arith.constant 17 : i32
    %dma_start3A_549 = arith.constant 0 : i32
    %dma_start3A_550 = tpu.memref_slice %arg6[%dma_start3A_548, %dma_start3A_549] : memref<32x128xf32, #tpu.memory_space<vmem>> -> memref<1x128xf32, #tpu.memory_space<vmem>>
    %dma_start3A_551 = tpu.memref_squeeze %dma_start3A_550 : memref<1x128xf32, #tpu.memory_space<vmem>> -> memref<128xf32, #tpu.memory_space<vmem>>
    %dma_start3A_552 = tpu.memref_slice %arg2[%select_n3A_221, %multiple_of3A] : memref<100000x1024xf32, #tpu.memory_space<hbm>> -> memref<1x128xf32, #tpu.memory_space<hbm>>
    %dma_start3A_553 = tpu.memref_squeeze %dma_start3A_552 : memref<1x128xf32, #tpu.memory_space<hbm>> -> memref<128xf32, #tpu.memory_space<hbm>>
    %dma_start3A_554 = arith.constant 0 : i32
    %dma_start3A_555 = tpu.memref_slice %arg6[%dma_start3A_548, %dma_start3A_554] : memref<32x128xf32, #tpu.memory_space<vmem>> -> memref<1x128xf32, #tpu.memory_space<vmem>>
    %dma_start3A_556 = tpu.memref_squeeze %dma_start3A_555 : memref<1x128xf32, #tpu.memory_space<vmem>> -> memref<128xf32, #tpu.memory_space<vmem>>
    %dma_start3A_557 = tpu.memref_slice %arg2[%select_n3A_221, %multiple_of3A] : memref<100000x1024xf32, #tpu.memory_space<hbm>> -> memref<1x128xf32, #tpu.memory_space<hbm>>
    %dma_start3A_558 = tpu.memref_squeeze %dma_start3A_557 : memref<1x128xf32, #tpu.memory_space<hbm>> -> memref<128xf32, #tpu.memory_space<hbm>>
    tpu.enqueue_dma source(%dma_start3A_558 : memref<128xf32, #tpu.memory_space<hbm>>) target(%dma_start3A_556 : memref<128xf32, #tpu.memory_space<vmem>>) target_semaphore(%arg10 : memref<!tpu.dma_semaphore, #tpu.memory_space<semaphore_mem>>)
    %dma_start3A_559 = arith.constant 18 : i32
    %dma_start3A_560 = arith.constant 0 : i32
    %dma_start3A_561 = tpu.memref_slice %arg6[%dma_start3A_559, %dma_start3A_560] : memref<32x128xf32, #tpu.memory_space<vmem>> -> memref<1x128xf32, #tpu.memory_space<vmem>>
    %dma_start3A_562 = tpu.memref_squeeze %dma_start3A_561 : memref<1x128xf32, #tpu.memory_space<vmem>> -> memref<128xf32, #tpu.memory_space<vmem>>
    %dma_start3A_563 = tpu.memref_slice %arg2[%select_n3A_231, %multiple_of3A] : memref<100000x1024xf32, #tpu.memory_space<hbm>> -> memref<1x128xf32, #tpu.memory_space<hbm>>
    %dma_start3A_564 = tpu.memref_squeeze %dma_start3A_563 : memref<1x128xf32, #tpu.memory_space<hbm>> -> memref<128xf32, #tpu.memory_space<hbm>>
    %dma_start3A_565 = arith.constant 0 : i32
    %dma_start3A_566 = tpu.memref_slice %arg6[%dma_start3A_559, %dma_start3A_565] : memref<32x128xf32, #tpu.memory_space<vmem>> -> memref<1x128xf32, #tpu.memory_space<vmem>>
    %dma_start3A_567 = tpu.memref_squeeze %dma_start3A_566 : memref<1x128xf32, #tpu.memory_space<vmem>> -> memref<128xf32, #tpu.memory_space<vmem>>
    %dma_start3A_568 = tpu.memref_slice %arg2[%select_n3A_231, %multiple_of3A] : memref<100000x1024xf32, #tpu.memory_space<hbm>> -> memref<1x128xf32, #tpu.memory_space<hbm>>
    %dma_start3A_569 = tpu.memref_squeeze %dma_start3A_568 : memref<1x128xf32, #tpu.memory_space<hbm>> -> memref<128xf32, #tpu.memory_space<hbm>>
    tpu.enqueue_dma source(%dma_start3A_569 : memref<128xf32, #tpu.memory_space<hbm>>) target(%dma_start3A_567 : memref<128xf32, #tpu.memory_space<vmem>>) target_semaphore(%arg10 : memref<!tpu.dma_semaphore, #tpu.memory_space<semaphore_mem>>)
    %dma_start3A_570 = arith.constant 19 : i32
    %dma_start3A_571 = arith.constant 0 : i32
    %dma_start3A_572 = tpu.memref_slice %arg6[%dma_start3A_570, %dma_start3A_571] : memref<32x128xf32, #tpu.memory_space<vmem>> -> memref<1x128xf32, #tpu.memory_space<vmem>>
    %dma_start3A_573 = tpu.memref_squeeze %dma_start3A_572 : memref<1x128xf32, #tpu.memory_space<vmem>> -> memref<128xf32, #tpu.memory_space<vmem>>
    %dma_start3A_574 = tpu.memref_slice %arg2[%select_n3A_241, %multiple_of3A] : memref<100000x1024xf32, #tpu.memory_space<hbm>> -> memref<1x128xf32, #tpu.memory_space<hbm>>
    %dma_start3A_575 = tpu.memref_squeeze %dma_start3A_574 : memref<1x128xf32, #tpu.memory_space<hbm>> -> memref<128xf32, #tpu.memory_space<hbm>>
    %dma_start3A_576 = arith.constant 0 : i32
    %dma_start3A_577 = tpu.memref_slice %arg6[%dma_start3A_570, %dma_start3A_576] : memref<32x128xf32, #tpu.memory_space<vmem>> -> memref<1x128xf32, #tpu.memory_space<vmem>>
    %dma_start3A_578 = tpu.memref_squeeze %dma_start3A_577 : memref<1x128xf32, #tpu.memory_space<vmem>> -> memref<128xf32, #tpu.memory_space<vmem>>
    %dma_start3A_579 = tpu.memref_slice %arg2[%select_n3A_241, %multiple_of3A] : memref<100000x1024xf32, #tpu.memory_space<hbm>> -> memref<1x128xf32, #tpu.memory_space<hbm>>
    %dma_start3A_580 = tpu.memref_squeeze %dma_start3A_579 : memref<1x128xf32, #tpu.memory_space<hbm>> -> memref<128xf32, #tpu.memory_space<hbm>>
    tpu.enqueue_dma source(%dma_start3A_580 : memref<128xf32, #tpu.memory_space<hbm>>) target(%dma_start3A_578 : memref<128xf32, #tpu.memory_space<vmem>>) target_semaphore(%arg10 : memref<!tpu.dma_semaphore, #tpu.memory_space<semaphore_mem>>)
    %dma_start3A_581 = arith.constant 20 : i32
    %dma_start3A_582 = arith.constant 0 : i32
    %dma_start3A_583 = tpu.memref_slice %arg6[%dma_start3A_581, %dma_start3A_582] : memref<32x128xf32, #tpu.memory_space<vmem>> -> memref<1x128xf32, #tpu.memory_space<vmem>>
    %dma_start3A_584 = tpu.memref_squeeze %dma_start3A_583 : memref<1x128xf32, #tpu.memory_space<vmem>> -> memref<128xf32, #tpu.memory_space<vmem>>
    %dma_start3A_585 = tpu.memref_slice %arg2[%select_n3A_251, %multiple_of3A] : memref<100000x1024xf32, #tpu.memory_space<hbm>> -> memref<1x128xf32, #tpu.memory_space<hbm>>
    %dma_start3A_586 = tpu.memref_squeeze %dma_start3A_585 : memref<1x128xf32, #tpu.memory_space<hbm>> -> memref<128xf32, #tpu.memory_space<hbm>>
    %dma_start3A_587 = arith.constant 0 : i32
    %dma_start3A_588 = tpu.memref_slice %arg6[%dma_start3A_581, %dma_start3A_587] : memref<32x128xf32, #tpu.memory_space<vmem>> -> memref<1x128xf32, #tpu.memory_space<vmem>>
    %dma_start3A_589 = tpu.memref_squeeze %dma_start3A_588 : memref<1x128xf32, #tpu.memory_space<vmem>> -> memref<128xf32, #tpu.memory_space<vmem>>
    %dma_start3A_590 = tpu.memref_slice %arg2[%select_n3A_251, %multiple_of3A] : memref<100000x1024xf32, #tpu.memory_space<hbm>> -> memref<1x128xf32, #tpu.memory_space<hbm>>
    %dma_start3A_591 = tpu.memref_squeeze %dma_start3A_590 : memref<1x128xf32, #tpu.memory_space<hbm>> -> memref<128xf32, #tpu.memory_space<hbm>>
    tpu.enqueue_dma source(%dma_start3A_591 : memref<128xf32, #tpu.memory_space<hbm>>) target(%dma_start3A_589 : memref<128xf32, #tpu.memory_space<vmem>>) target_semaphore(%arg10 : memref<!tpu.dma_semaphore, #tpu.memory_space<semaphore_mem>>)
    %dma_start3A_592 = arith.constant 21 : i32
    %dma_start3A_593 = arith.constant 0 : i32
    %dma_start3A_594 = tpu.memref_slice %arg6[%dma_start3A_592, %dma_start3A_593] : memref<32x128xf32, #tpu.memory_space<vmem>> -> memref<1x128xf32, #tpu.memory_space<vmem>>
    %dma_start3A_595 = tpu.memref_squeeze %dma_start3A_594 : memref<1x128xf32, #tpu.memory_space<vmem>> -> memref<128xf32, #tpu.memory_space<vmem>>
    %dma_start3A_596 = tpu.memref_slice %arg2[%select_n3A_261, %multiple_of3A] : memref<100000x1024xf32, #tpu.memory_space<hbm>> -> memref<1x128xf32, #tpu.memory_space<hbm>>
    %dma_start3A_597 = tpu.memref_squeeze %dma_start3A_596 : memref<1x128xf32, #tpu.memory_space<hbm>> -> memref<128xf32, #tpu.memory_space<hbm>>
    %dma_start3A_598 = arith.constant 0 : i32
    %dma_start3A_599 = tpu.memref_slice %arg6[%dma_start3A_592, %dma_start3A_598] : memref<32x128xf32, #tpu.memory_space<vmem>> -> memref<1x128xf32, #tpu.memory_space<vmem>>
    %dma_start3A_600 = tpu.memref_squeeze %dma_start3A_599 : memref<1x128xf32, #tpu.memory_space<vmem>> -> memref<128xf32, #tpu.memory_space<vmem>>
    %dma_start3A_601 = tpu.memref_slice %arg2[%select_n3A_261, %multiple_of3A] : memref<100000x1024xf32, #tpu.memory_space<hbm>> -> memref<1x128xf32, #tpu.memory_space<hbm>>
    %dma_start3A_602 = tpu.memref_squeeze %dma_start3A_601 : memref<1x128xf32, #tpu.memory_space<hbm>> -> memref<128xf32, #tpu.memory_space<hbm>>
    tpu.enqueue_dma source(%dma_start3A_602 : memref<128xf32, #tpu.memory_space<hbm>>) target(%dma_start3A_600 : memref<128xf32, #tpu.memory_space<vmem>>) target_semaphore(%arg10 : memref<!tpu.dma_semaphore, #tpu.memory_space<semaphore_mem>>)
    %dma_start3A_603 = arith.constant 22 : i32
    %dma_start3A_604 = arith.constant 0 : i32
    %dma_start3A_605 = tpu.memref_slice %arg6[%dma_start3A_603, %dma_start3A_604] : memref<32x128xf32, #tpu.memory_space<vmem>> -> memref<1x128xf32, #tpu.memory_space<vmem>>
    %dma_start3A_606 = tpu.memref_squeeze %dma_start3A_605 : memref<1x128xf32, #tpu.memory_space<vmem>> -> memref<128xf32, #tpu.memory_space<vmem>>
    %dma_start3A_607 = tpu.memref_slice %arg2[%select_n3A_271, %multiple_of3A] : memref<100000x1024xf32, #tpu.memory_space<hbm>> -> memref<1x128xf32, #tpu.memory_space<hbm>>
    %dma_start3A_608 = tpu.memref_squeeze %dma_start3A_607 : memref<1x128xf32, #tpu.memory_space<hbm>> -> memref<128xf32, #tpu.memory_space<hbm>>
    %dma_start3A_609 = arith.constant 0 : i32
    %dma_start3A_610 = tpu.memref_slice %arg6[%dma_start3A_603, %dma_start3A_609] : memref<32x128xf32, #tpu.memory_space<vmem>> -> memref<1x128xf32, #tpu.memory_space<vmem>>
    %dma_start3A_611 = tpu.memref_squeeze %dma_start3A_610 : memref<1x128xf32, #tpu.memory_space<vmem>> -> memref<128xf32, #tpu.memory_space<vmem>>
    %dma_start3A_612 = tpu.memref_slice %arg2[%select_n3A_271, %multiple_of3A] : memref<100000x1024xf32, #tpu.memory_space<hbm>> -> memref<1x128xf32, #tpu.memory_space<hbm>>
    %dma_start3A_613 = tpu.memref_squeeze %dma_start3A_612 : memref<1x128xf32, #tpu.memory_space<hbm>> -> memref<128xf32, #tpu.memory_space<hbm>>
    tpu.enqueue_dma source(%dma_start3A_613 : memref<128xf32, #tpu.memory_space<hbm>>) target(%dma_start3A_611 : memref<128xf32, #tpu.memory_space<vmem>>) target_semaphore(%arg10 : memref<!tpu.dma_semaphore, #tpu.memory_space<semaphore_mem>>)
    %dma_start3A_614 = arith.constant 23 : i32
    %dma_start3A_615 = arith.constant 0 : i32
    %dma_start3A_616 = tpu.memref_slice %arg6[%dma_start3A_614, %dma_start3A_615] : memref<32x128xf32, #tpu.memory_space<vmem>> -> memref<1x128xf32, #tpu.memory_space<vmem>>
    %dma_start3A_617 = tpu.memref_squeeze %dma_start3A_616 : memref<1x128xf32, #tpu.memory_space<vmem>> -> memref<128xf32, #tpu.memory_space<vmem>>
    %dma_start3A_618 = tpu.memref_slice %arg2[%select_n3A_281, %multiple_of3A] : memref<100000x1024xf32, #tpu.memory_space<hbm>> -> memref<1x128xf32, #tpu.memory_space<hbm>>
    %dma_start3A_619 = tpu.memref_squeeze %dma_start3A_618 : memref<1x128xf32, #tpu.memory_space<hbm>> -> memref<128xf32, #tpu.memory_space<hbm>>
    %dma_start3A_620 = arith.constant 0 : i32
    %dma_start3A_621 = tpu.memref_slice %arg6[%dma_start3A_614, %dma_start3A_620] : memref<32x128xf32, #tpu.memory_space<vmem>> -> memref<1x128xf32, #tpu.memory_space<vmem>>
    %dma_start3A_622 = tpu.memref_squeeze %dma_start3A_621 : memref<1x128xf32, #tpu.memory_space<vmem>> -> memref<128xf32, #tpu.memory_space<vmem>>
    %dma_start3A_623 = tpu.memref_slice %arg2[%select_n3A_281, %multiple_of3A] : memref<100000x1024xf32, #tpu.memory_space<hbm>> -> memref<1x128xf32, #tpu.memory_space<hbm>>
    %dma_start3A_624 = tpu.memref_squeeze %dma_start3A_623 : memref<1x128xf32, #tpu.memory_space<hbm>> -> memref<128xf32, #tpu.memory_space<hbm>>
    tpu.enqueue_dma source(%dma_start3A_624 : memref<128xf32, #tpu.memory_space<hbm>>) target(%dma_start3A_622 : memref<128xf32, #tpu.memory_space<vmem>>) target_semaphore(%arg10 : memref<!tpu.dma_semaphore, #tpu.memory_space<semaphore_mem>>)
    %dma_start3A_625 = arith.constant 24 : i32
    %dma_start3A_626 = arith.constant 0 : i32
    %dma_start3A_627 = tpu.memref_slice %arg6[%dma_start3A_625, %dma_start3A_626] : memref<32x128xf32, #tpu.memory_space<vmem>> -> memref<1x128xf32, #tpu.memory_space<vmem>>
    %dma_start3A_628 = tpu.memref_squeeze %dma_start3A_627 : memref<1x128xf32, #tpu.memory_space<vmem>> -> memref<128xf32, #tpu.memory_space<vmem>>
    %dma_start3A_629 = tpu.memref_slice %arg2[%select_n3A_291, %multiple_of3A] : memref<100000x1024xf32, #tpu.memory_space<hbm>> -> memref<1x128xf32, #tpu.memory_space<hbm>>
    %dma_start3A_630 = tpu.memref_squeeze %dma_start3A_629 : memref<1x128xf32, #tpu.memory_space<hbm>> -> memref<128xf32, #tpu.memory_space<hbm>>
    %dma_start3A_631 = arith.constant 0 : i32
    %dma_start3A_632 = tpu.memref_slice %arg6[%dma_start3A_625, %dma_start3A_631] : memref<32x128xf32, #tpu.memory_space<vmem>> -> memref<1x128xf32, #tpu.memory_space<vmem>>
    %dma_start3A_633 = tpu.memref_squeeze %dma_start3A_632 : memref<1x128xf32, #tpu.memory_space<vmem>> -> memref<128xf32, #tpu.memory_space<vmem>>
    %dma_start3A_634 = tpu.memref_slice %arg2[%select_n3A_291, %multiple_of3A] : memref<100000x1024xf32, #tpu.memory_space<hbm>> -> memref<1x128xf32, #tpu.memory_space<hbm>>
    %dma_start3A_635 = tpu.memref_squeeze %dma_start3A_634 : memref<1x128xf32, #tpu.memory_space<hbm>> -> memref<128xf32, #tpu.memory_space<hbm>>
    tpu.enqueue_dma source(%dma_start3A_635 : memref<128xf32, #tpu.memory_space<hbm>>) target(%dma_start3A_633 : memref<128xf32, #tpu.memory_space<vmem>>) target_semaphore(%arg10 : memref<!tpu.dma_semaphore, #tpu.memory_space<semaphore_mem>>)
    %dma_start3A_636 = arith.constant 25 : i32
    %dma_start3A_637 = arith.constant 0 : i32
    %dma_start3A_638 = tpu.memref_slice %arg6[%dma_start3A_636, %dma_start3A_637] : memref<32x128xf32, #tpu.memory_space<vmem>> -> memref<1x128xf32, #tpu.memory_space<vmem>>
    %dma_start3A_639 = tpu.memref_squeeze %dma_start3A_638 : memref<1x128xf32, #tpu.memory_space<vmem>> -> memref<128xf32, #tpu.memory_space<vmem>>
    %dma_start3A_640 = tpu.memref_slice %arg2[%select_n3A_301, %multiple_of3A] : memref<100000x1024xf32, #tpu.memory_space<hbm>> -> memref<1x128xf32, #tpu.memory_space<hbm>>
    %dma_start3A_641 = tpu.memref_squeeze %dma_start3A_640 : memref<1x128xf32, #tpu.memory_space<hbm>> -> memref<128xf32, #tpu.memory_space<hbm>>
    %dma_start3A_642 = arith.constant 0 : i32
    %dma_start3A_643 = tpu.memref_slice %arg6[%dma_start3A_636, %dma_start3A_642] : memref<32x128xf32, #tpu.memory_space<vmem>> -> memref<1x128xf32, #tpu.memory_space<vmem>>
    %dma_start3A_644 = tpu.memref_squeeze %dma_start3A_643 : memref<1x128xf32, #tpu.memory_space<vmem>> -> memref<128xf32, #tpu.memory_space<vmem>>
    %dma_start3A_645 = tpu.memref_slice %arg2[%select_n3A_301, %multiple_of3A] : memref<100000x1024xf32, #tpu.memory_space<hbm>> -> memref<1x128xf32, #tpu.memory_space<hbm>>
    %dma_start3A_646 = tpu.memref_squeeze %dma_start3A_645 : memref<1x128xf32, #tpu.memory_space<hbm>> -> memref<128xf32, #tpu.memory_space<hbm>>
    tpu.enqueue_dma source(%dma_start3A_646 : memref<128xf32, #tpu.memory_space<hbm>>) target(%dma_start3A_644 : memref<128xf32, #tpu.memory_space<vmem>>) target_semaphore(%arg10 : memref<!tpu.dma_semaphore, #tpu.memory_space<semaphore_mem>>)
    %dma_start3A_647 = arith.constant 26 : i32
    %dma_start3A_648 = arith.constant 0 : i32
    %dma_start3A_649 = tpu.memref_slice %arg6[%dma_start3A_647, %dma_start3A_648] : memref<32x128xf32, #tpu.memory_space<vmem>> -> memref<1x128xf32, #tpu.memory_space<vmem>>
    %dma_start3A_650 = tpu.memref_squeeze %dma_start3A_649 : memref<1x128xf32, #tpu.memory_space<vmem>> -> memref<128xf32, #tpu.memory_space<vmem>>
    %dma_start3A_651 = tpu.memref_slice %arg2[%select_n3A_311, %multiple_of3A] : memref<100000x1024xf32, #tpu.memory_space<hbm>> -> memref<1x128xf32, #tpu.memory_space<hbm>>
    %dma_start3A_652 = tpu.memref_squeeze %dma_start3A_651 : memref<1x128xf32, #tpu.memory_space<hbm>> -> memref<128xf32, #tpu.memory_space<hbm>>
    %dma_start3A_653 = arith.constant 0 : i32
    %dma_start3A_654 = tpu.memref_slice %arg6[%dma_start3A_647, %dma_start3A_653] : memref<32x128xf32, #tpu.memory_space<vmem>> -> memref<1x128xf32, #tpu.memory_space<vmem>>
    %dma_start3A_655 = tpu.memref_squeeze %dma_start3A_654 : memref<1x128xf32, #tpu.memory_space<vmem>> -> memref<128xf32, #tpu.memory_space<vmem>>
    %dma_start3A_656 = tpu.memref_slice %arg2[%select_n3A_311, %multiple_of3A] : memref<100000x1024xf32, #tpu.memory_space<hbm>> -> memref<1x128xf32, #tpu.memory_space<hbm>>
    %dma_start3A_657 = tpu.memref_squeeze %dma_start3A_656 : memref<1x128xf32, #tpu.memory_space<hbm>> -> memref<128xf32, #tpu.memory_space<hbm>>
    tpu.enqueue_dma source(%dma_start3A_657 : memref<128xf32, #tpu.memory_space<hbm>>) target(%dma_start3A_655 : memref<128xf32, #tpu.memory_space<vmem>>) target_semaphore(%arg10 : memref<!tpu.dma_semaphore, #tpu.memory_space<semaphore_mem>>)
    %dma_start3A_658 = arith.constant 27 : i32
    %dma_start3A_659 = arith.constant 0 : i32
    %dma_start3A_660 = tpu.memref_slice %arg6[%dma_start3A_658, %dma_start3A_659] : memref<32x128xf32, #tpu.memory_space<vmem>> -> memref<1x128xf32, #tpu.memory_space<vmem>>
    %dma_start3A_661 = tpu.memref_squeeze %dma_start3A_660 : memref<1x128xf32, #tpu.memory_space<vmem>> -> memref<128xf32, #tpu.memory_space<vmem>>
    %dma_start3A_662 = tpu.memref_slice %arg2[%select_n3A_321, %multiple_of3A] : memref<100000x1024xf32, #tpu.memory_space<hbm>> -> memref<1x128xf32, #tpu.memory_space<hbm>>
    %dma_start3A_663 = tpu.memref_squeeze %dma_start3A_662 : memref<1x128xf32, #tpu.memory_space<hbm>> -> memref<128xf32, #tpu.memory_space<hbm>>
    %dma_start3A_664 = arith.constant 0 : i32
    %dma_start3A_665 = tpu.memref_slice %arg6[%dma_start3A_658, %dma_start3A_664] : memref<32x128xf32, #tpu.memory_space<vmem>> -> memref<1x128xf32, #tpu.memory_space<vmem>>
    %dma_start3A_666 = tpu.memref_squeeze %dma_start3A_665 : memref<1x128xf32, #tpu.memory_space<vmem>> -> memref<128xf32, #tpu.memory_space<vmem>>
    %dma_start3A_667 = tpu.memref_slice %arg2[%select_n3A_321, %multiple_of3A] : memref<100000x1024xf32, #tpu.memory_space<hbm>> -> memref<1x128xf32, #tpu.memory_space<hbm>>
    %dma_start3A_668 = tpu.memref_squeeze %dma_start3A_667 : memref<1x128xf32, #tpu.memory_space<hbm>> -> memref<128xf32, #tpu.memory_space<hbm>>
    tpu.enqueue_dma source(%dma_start3A_668 : memref<128xf32, #tpu.memory_space<hbm>>) target(%dma_start3A_666 : memref<128xf32, #tpu.memory_space<vmem>>) target_semaphore(%arg10 : memref<!tpu.dma_semaphore, #tpu.memory_space<semaphore_mem>>)
    %dma_start3A_669 = arith.constant 28 : i32
    %dma_start3A_670 = arith.constant 0 : i32
    %dma_start3A_671 = tpu.memref_slice %arg6[%dma_start3A_669, %dma_start3A_670] : memref<32x128xf32, #tpu.memory_space<vmem>> -> memref<1x128xf32, #tpu.memory_space<vmem>>
    %dma_start3A_672 = tpu.memref_squeeze %dma_start3A_671 : memref<1x128xf32, #tpu.memory_space<vmem>> -> memref<128xf32, #tpu.memory_space<vmem>>
    %dma_start3A_673 = tpu.memref_slice %arg2[%select_n3A_331, %multiple_of3A] : memref<100000x1024xf32, #tpu.memory_space<hbm>> -> memref<1x128xf32, #tpu.memory_space<hbm>>
    %dma_start3A_674 = tpu.memref_squeeze %dma_start3A_673 : memref<1x128xf32, #tpu.memory_space<hbm>> -> memref<128xf32, #tpu.memory_space<hbm>>
    %dma_start3A_675 = arith.constant 0 : i32
    %dma_start3A_676 = tpu.memref_slice %arg6[%dma_start3A_669, %dma_start3A_675] : memref<32x128xf32, #tpu.memory_space<vmem>> -> memref<1x128xf32, #tpu.memory_space<vmem>>
    %dma_start3A_677 = tpu.memref_squeeze %dma_start3A_676 : memref<1x128xf32, #tpu.memory_space<vmem>> -> memref<128xf32, #tpu.memory_space<vmem>>
    %dma_start3A_678 = tpu.memref_slice %arg2[%select_n3A_331, %multiple_of3A] : memref<100000x1024xf32, #tpu.memory_space<hbm>> -> memref<1x128xf32, #tpu.memory_space<hbm>>
    %dma_start3A_679 = tpu.memref_squeeze %dma_start3A_678 : memref<1x128xf32, #tpu.memory_space<hbm>> -> memref<128xf32, #tpu.memory_space<hbm>>
    tpu.enqueue_dma source(%dma_start3A_679 : memref<128xf32, #tpu.memory_space<hbm>>) target(%dma_start3A_677 : memref<128xf32, #tpu.memory_space<vmem>>) target_semaphore(%arg10 : memref<!tpu.dma_semaphore, #tpu.memory_space<semaphore_mem>>)
    %dma_start3A_680 = arith.constant 29 : i32
    %dma_start3A_681 = arith.constant 0 : i32
    %dma_start3A_682 = tpu.memref_slice %arg6[%dma_start3A_680, %dma_start3A_681] : memref<32x128xf32, #tpu.memory_space<vmem>> -> memref<1x128xf32, #tpu.memory_space<vmem>>
    %dma_start3A_683 = tpu.memref_squeeze %dma_start3A_682 : memref<1x128xf32, #tpu.memory_space<vmem>> -> memref<128xf32, #tpu.memory_space<vmem>>
    %dma_start3A_684 = tpu.memref_slice %arg2[%select_n3A_341, %multiple_of3A] : memref<100000x1024xf32, #tpu.memory_space<hbm>> -> memref<1x128xf32, #tpu.memory_space<hbm>>
    %dma_start3A_685 = tpu.memref_squeeze %dma_start3A_684 : memref<1x128xf32, #tpu.memory_space<hbm>> -> memref<128xf32, #tpu.memory_space<hbm>>
    %dma_start3A_686 = arith.constant 0 : i32
    %dma_start3A_687 = tpu.memref_slice %arg6[%dma_start3A_680, %dma_start3A_686] : memref<32x128xf32, #tpu.memory_space<vmem>> -> memref<1x128xf32, #tpu.memory_space<vmem>>
    %dma_start3A_688 = tpu.memref_squeeze %dma_start3A_687 : memref<1x128xf32, #tpu.memory_space<vmem>> -> memref<128xf32, #tpu.memory_space<vmem>>
    %dma_start3A_689 = tpu.memref_slice %arg2[%select_n3A_341, %multiple_of3A] : memref<100000x1024xf32, #tpu.memory_space<hbm>> -> memref<1x128xf32, #tpu.memory_space<hbm>>
    %dma_start3A_690 = tpu.memref_squeeze %dma_start3A_689 : memref<1x128xf32, #tpu.memory_space<hbm>> -> memref<128xf32, #tpu.memory_space<hbm>>
    tpu.enqueue_dma source(%dma_start3A_690 : memref<128xf32, #tpu.memory_space<hbm>>) target(%dma_start3A_688 : memref<128xf32, #tpu.memory_space<vmem>>) target_semaphore(%arg10 : memref<!tpu.dma_semaphore, #tpu.memory_space<semaphore_mem>>)
    %dma_start3A_691 = arith.constant 30 : i32
    %dma_start3A_692 = arith.constant 0 : i32
    %dma_start3A_693 = tpu.memref_slice %arg6[%dma_start3A_691, %dma_start3A_692] : memref<32x128xf32, #tpu.memory_space<vmem>> -> memref<1x128xf32, #tpu.memory_space<vmem>>
    %dma_start3A_694 = tpu.memref_squeeze %dma_start3A_693 : memref<1x128xf32, #tpu.memory_space<vmem>> -> memref<128xf32, #tpu.memory_space<vmem>>
    %dma_start3A_695 = tpu.memref_slice %arg2[%select_n3A_351, %multiple_of3A] : memref<100000x1024xf32, #tpu.memory_space<hbm>> -> memref<1x128xf32, #tpu.memory_space<hbm>>
    %dma_start3A_696 = tpu.memref_squeeze %dma_start3A_695 : memref<1x128xf32, #tpu.memory_space<hbm>> -> memref<128xf32, #tpu.memory_space<hbm>>
    %dma_start3A_697 = arith.constant 0 : i32
    %dma_start3A_698 = tpu.memref_slice %arg6[%dma_start3A_691, %dma_start3A_697] : memref<32x128xf32, #tpu.memory_space<vmem>> -> memref<1x128xf32, #tpu.memory_space<vmem>>
    %dma_start3A_699 = tpu.memref_squeeze %dma_start3A_698 : memref<1x128xf32, #tpu.memory_space<vmem>> -> memref<128xf32, #tpu.memory_space<vmem>>
    %dma_start3A_700 = tpu.memref_slice %arg2[%select_n3A_351, %multiple_of3A] : memref<100000x1024xf32, #tpu.memory_space<hbm>> -> memref<1x128xf32, #tpu.memory_space<hbm>>
    %dma_start3A_701 = tpu.memref_squeeze %dma_start3A_700 : memref<1x128xf32, #tpu.memory_space<hbm>> -> memref<128xf32, #tpu.memory_space<hbm>>
    tpu.enqueue_dma source(%dma_start3A_701 : memref<128xf32, #tpu.memory_space<hbm>>) target(%dma_start3A_699 : memref<128xf32, #tpu.memory_space<vmem>>) target_semaphore(%arg10 : memref<!tpu.dma_semaphore, #tpu.memory_space<semaphore_mem>>)
    %dma_start3A_702 = arith.constant 31 : i32
    %dma_start3A_703 = arith.constant 0 : i32
    %dma_start3A_704 = tpu.memref_slice %arg6[%dma_start3A_702, %dma_start3A_703] : memref<32x128xf32, #tpu.memory_space<vmem>> -> memref<1x128xf32, #tpu.memory_space<vmem>>
    %dma_start3A_705 = tpu.memref_squeeze %dma_start3A_704 : memref<1x128xf32, #tpu.memory_space<vmem>> -> memref<128xf32, #tpu.memory_space<vmem>>
    %dma_start3A_706 = tpu.memref_slice %arg2[%select_n3A_361, %multiple_of3A] : memref<100000x1024xf32, #tpu.memory_space<hbm>> -> memref<1x128xf32, #tpu.memory_space<hbm>>
    %dma_start3A_707 = tpu.memref_squeeze %dma_start3A_706 : memref<1x128xf32, #tpu.memory_space<hbm>> -> memref<128xf32, #tpu.memory_space<hbm>>
    %dma_start3A_708 = arith.constant 0 : i32
    %dma_start3A_709 = tpu.memref_slice %arg6[%dma_start3A_702, %dma_start3A_708] : memref<32x128xf32, #tpu.memory_space<vmem>> -> memref<1x128xf32, #tpu.memory_space<vmem>>
    %dma_start3A_710 = tpu.memref_squeeze %dma_start3A_709 : memref<1x128xf32, #tpu.memory_space<vmem>> -> memref<128xf32, #tpu.memory_space<vmem>>
    %dma_start3A_711 = tpu.memref_slice %arg2[%select_n3A_361, %multiple_of3A] : memref<100000x1024xf32, #tpu.memory_space<hbm>> -> memref<1x128xf32, #tpu.memory_space<hbm>>
    %dma_start3A_712 = tpu.memref_squeeze %dma_start3A_711 : memref<1x128xf32, #tpu.memory_space<hbm>> -> memref<128xf32, #tpu.memory_space<hbm>>
    tpu.enqueue_dma source(%dma_start3A_712 : memref<128xf32, #tpu.memory_space<hbm>>) target(%dma_start3A_710 : memref<128xf32, #tpu.memory_space<vmem>>) target_semaphore(%arg10 : memref<!tpu.dma_semaphore, #tpu.memory_space<semaphore_mem>>)
    %dma_wait3A = arith.constant 0 : i32
    %dma_wait3A_713 = arith.constant 0 : i32
    %dma_wait3A_714 = tpu.memref_slice %arg2[%dma_wait3A, %dma_wait3A_713] : memref<100000x1024xf32, #tpu.memory_space<hbm>> -> memref<32x128xf32, #tpu.memory_space<hbm>>
    %dma_wait3A_715 = arith.constant 0 : i32
    %dma_wait3A_716 = arith.constant 0 : i32
    %dma_wait3A_717 = tpu.memref_slice %arg2[%dma_wait3A_715, %dma_wait3A_716] : memref<100000x1024xf32, #tpu.memory_space<hbm>> -> memref<32x128xf32, #tpu.memory_space<hbm>>
    tpu.wait_dma2 semaphore(%arg10 : memref<!tpu.dma_semaphore, #tpu.memory_space<semaphore_mem>>) src(%dma_wait3A_717 : memref<32x128xf32, #tpu.memory_space<hbm>>) dst(%arg6 : memref<32x128xf32, #tpu.memory_space<vmem>>)
    %broadcast_in_dim3A = arith.constant -3.400000e+38 : f32
    %broadcast_in_dim3A_718 = vector.broadcast %broadcast_in_dim3A : f32 to vector<16xf32>
    %broadcast_in_dim3A_719 = arith.constant -3.400000e+38 : f32
    %broadcast_in_dim3A_720 = vector.broadcast %broadcast_in_dim3A_719 : f32 to vector<16xf32>
    %broadcast_in_dim3A_721 = arith.constant -3.400000e+38 : f32
    %broadcast_in_dim3A_722 = vector.broadcast %broadcast_in_dim3A_721 : f32 to vector<16xf32>
    %broadcast_in_dim3A_723 = arith.constant -3.400000e+38 : f32
    %broadcast_in_dim3A_724 = vector.broadcast %broadcast_in_dim3A_723 : f32 to vector<16xf32>
    %broadcast_in_dim3A_725 = arith.constant -3.400000e+38 : f32
    %broadcast_in_dim3A_726 = vector.broadcast %broadcast_in_dim3A_725 : f32 to vector<16xf32>
    %broadcast_in_dim3A_727 = arith.constant -3.400000e+38 : f32
    %broadcast_in_dim3A_728 = vector.broadcast %broadcast_in_dim3A_727 : f32 to vector<16xf32>
    %broadcast_in_dim3A_729 = arith.constant -3.400000e+38 : f32
    %broadcast_in_dim3A_730 = vector.broadcast %broadcast_in_dim3A_729 : f32 to vector<16xf32>
    %broadcast_in_dim3A_731 = arith.constant -3.400000e+38 : f32
    %broadcast_in_dim3A_732 = vector.broadcast %broadcast_in_dim3A_731 : f32 to vector<16xf32>
    %scan3A = arith.constant 0 : i32
    %scan3A_733 = arith.constant 32 : i32
    %scan3A_734 = arith.addi %scan3A, %scan3A_733 : i32
    %scan3A_735 = arith.constant 1 : i32
    %scan3A_736:8 = scf.for %scan3A_934 = %scan3A to %scan3A_734 step %scan3A_735 iter_args(%scan3A_935 = %broadcast_in_dim3A_718, %scan3A_936 = %broadcast_in_dim3A_720, %scan3A_937 = %broadcast_in_dim3A_722, %scan3A_938 = %broadcast_in_dim3A_724, %scan3A_939 = %broadcast_in_dim3A_726, %scan3A_940 = %broadcast_in_dim3A_728, %scan3A_941 = %broadcast_in_dim3A_730, %scan3A_942 = %broadcast_in_dim3A_732) -> (vector<16xf32>, vector<16xf32>, vector<16xf32>, vector<16xf32>, vector<16xf32>, vector<16xf32>, vector<16xf32>, vector<16xf32>)  : i32 {
      %add3A_943 = arith.addi %mul3A_34, %scan3A_934 : i32
      %lt3A_944 = arith.constant 100 : i32
      %lt3A_945 = arith.cmpi slt, %add3A_943, %lt3A_944 : i32
      %get3A_946 = arith.index_cast %scan3A_934 : i32 to index
      %get3A_947 = arith.constant 0 : index
      %get3A_948 = tpu.vector_load %arg6[%get3A_946, %get3A_947] {strides = array<i32>} : memref<32x128xf32, #tpu.memory_space<vmem>>, vector<1x16xf32>,
      %get3A_949 = vector.shape_cast %get3A_948 : vector<1x16xf32> to vector<16xf32>
      %jit3A_950 = arith.constant -3.400000e+38 : f32
      %broadcast_in_dim3A_951 = vector.broadcast %jit3A_950 : f32 to vector<16xf32>
      %select_n3A_952 = arith.select %lt3A_945, %get3A_949, %broadcast_in_dim3A_951 : vector<16xf32>
      %max3A = arith.maximumf %scan3A_935, %select_n3A_952 : vector<16xf32>
      %get3A_953 = arith.index_cast %scan3A_934 : i32 to index
      %get3A_954 = arith.constant 16 : index
      %get3A_955 = tpu.vector_load %arg6[%get3A_953, %get3A_954] {strides = array<i32>} : memref<32x128xf32, #tpu.memory_space<vmem>>, vector<1x16xf32>,
      %get3A_956 = vector.shape_cast %get3A_955 : vector<1x16xf32> to vector<16xf32>
      %jit3A_957 = arith.constant -3.400000e+38 : f32
      %broadcast_in_dim3A_958 = vector.broadcast %jit3A_957 : f32 to vector<16xf32>
      %select_n3A_959 = arith.select %lt3A_945, %get3A_956, %broadcast_in_dim3A_958 : vector<16xf32>
      %max3A_960 = arith.maximumf %scan3A_936, %select_n3A_959 : vector<16xf32>
      %get3A_961 = arith.index_cast %scan3A_934 : i32 to index
      %get3A_962 = arith.constant 32 : index
      %get3A_963 = tpu.vector_load %arg6[%get3A_961, %get3A_962] {strides = array<i32>} : memref<32x128xf32, #tpu.memory_space<vmem>>, vector<1x16xf32>,
      %get3A_964 = vector.shape_cast %get3A_963 : vector<1x16xf32> to vector<16xf32>
      %jit3A_965 = arith.constant -3.400000e+38 : f32
      %broadcast_in_dim3A_966 = vector.broadcast %jit3A_965 : f32 to vector<16xf32>
      %select_n3A_967 = arith.select %lt3A_945, %get3A_964, %broadcast_in_dim3A_966 : vector<16xf32>
      %max3A_968 = arith.maximumf %scan3A_937, %select_n3A_967 : vector<16xf32>
      %get3A_969 = arith.index_cast %scan3A_934 : i32 to index
      %get3A_970 = arith.constant 48 : index
      %get3A_971 = tpu.vector_load %arg6[%get3A_969, %get3A_970] {strides = array<i32>} : memref<32x128xf32, #tpu.memory_space<vmem>>, vector<1x16xf32>,
      %get3A_972 = vector.shape_cast %get3A_971 : vector<1x16xf32> to vector<16xf32>
      %jit3A_973 = arith.constant -3.400000e+38 : f32
      %broadcast_in_dim3A_974 = vector.broadcast %jit3A_973 : f32 to vector<16xf32>
      %select_n3A_975 = arith.select %lt3A_945, %get3A_972, %broadcast_in_dim3A_974 : vector<16xf32>
      %max3A_976 = arith.maximumf %scan3A_938, %select_n3A_975 : vector<16xf32>
      %get3A_977 = arith.index_cast %scan3A_934 : i32 to index
      %get3A_978 = arith.constant 64 : index
      %get3A_979 = tpu.vector_load %arg6[%get3A_977, %get3A_978] {strides = array<i32>} : memref<32x128xf32, #tpu.memory_space<vmem>>, vector<1x16xf32>,
      %get3A_980 = vector.shape_cast %get3A_979 : vector<1x16xf32> to vector<16xf32>
      %jit3A_981 = arith.constant -3.400000e+38 : f32
      %broadcast_in_dim3A_982 = vector.broadcast %jit3A_981 : f32 to vector<16xf32>
      %select_n3A_983 = arith.select %lt3A_945, %get3A_980, %broadcast_in_dim3A_982 : vector<16xf32>
      %max3A_984 = arith.maximumf %scan3A_939, %select_n3A_983 : vector<16xf32>
      %get3A_985 = arith.index_cast %scan3A_934 : i32 to index
      %get3A_986 = arith.constant 80 : index
      %get3A_987 = tpu.vector_load %arg6[%get3A_985, %get3A_986] {strides = array<i32>} : memref<32x128xf32, #tpu.memory_space<vmem>>, vector<1x16xf32>,
      %get3A_988 = vector.shape_cast %get3A_987 : vector<1x16xf32> to vector<16xf32>
      %jit3A_989 = arith.constant -3.400000e+38 : f32
      %broadcast_in_dim3A_990 = vector.broadcast %jit3A_989 : f32 to vector<16xf32>
      %select_n3A_991 = arith.select %lt3A_945, %get3A_988, %broadcast_in_dim3A_990 : vector<16xf32>
      %max3A_992 = arith.maximumf %scan3A_940, %select_n3A_991 : vector<16xf32>
      %get3A_993 = arith.index_cast %scan3A_934 : i32 to index
      %get3A_994 = arith.constant 96 : index
      %get3A_995 = tpu.vector_load %arg6[%get3A_993, %get3A_994] {strides = array<i32>} : memref<32x128xf32, #tpu.memory_space<vmem>>, vector<1x16xf32>,
      %get3A_996 = vector.shape_cast %get3A_995 : vector<1x16xf32> to vector<16xf32>
      %jit3A_997 = arith.constant -3.400000e+38 : f32
      %broadcast_in_dim3A_998 = vector.broadcast %jit3A_997 : f32 to vector<16xf32>
      %select_n3A_999 = arith.select %lt3A_945, %get3A_996, %broadcast_in_dim3A_998 : vector<16xf32>
      %max3A_1000 = arith.maximumf %scan3A_941, %select_n3A_999 : vector<16xf32>
      %get3A_1001 = arith.index_cast %scan3A_934 : i32 to index
      %get3A_1002 = arith.constant 112 : index
      %get3A_1003 = tpu.vector_load %arg6[%get3A_1001, %get3A_1002] {strides = array<i32>} : memref<32x128xf32, #tpu.memory_space<vmem>>, vector<1x16xf32>,
      %get3A_1004 = vector.shape_cast %get3A_1003 : vector<1x16xf32> to vector<16xf32>
      %jit3A_1005 = arith.constant -3.400000e+38 : f32
      %broadcast_in_dim3A_1006 = vector.broadcast %jit3A_1005 : f32 to vector<16xf32>
      %select_n3A_1007 = arith.select %lt3A_945, %get3A_1004, %broadcast_in_dim3A_1006 : vector<16xf32>
      %max3A_1008 = arith.maximumf %scan3A_942, %select_n3A_1007 : vector<16xf32>
      scf.yield %max3A, %max3A_960, %max3A_968, %max3A_976, %max3A_984, %max3A_992, %max3A_1000, %max3A_1008 : vector<16xf32>, vector<16xf32>, vector<16xf32>, vector<16xf32>, vector<16xf32>, vector<16xf32>, vector<16xf32>, vector<16xf32>
    }
    %scan3A_737 = arith.constant 32 : i32
    %swap3A = arith.constant 0 : i32
    %swap3A_738 = arith.index_cast %swap3A : i32 to index
    %swap3A_739 = arith.constant 0 : index
    %swap3A_740 = tpu.vector_load %arg7[%swap3A_738, %swap3A_739] {strides = array<i32>} : memref<2x128xf32, #tpu.memory_space<vmem>>, vector<1x16xf32>,
    %swap3A_741 = vector.shape_cast %swap3A_740 : vector<1x16xf32> to vector<16xf32>
    %swap3A_742 = vector.shape_cast %scan3A_736#0 : vector<16xf32> to vector<1x16xf32>
    tpu.vector_store %arg7[%swap3A_738, %swap3A_739], %swap3A_742 {strides = array<i32>} : memref<2x128xf32, #tpu.memory_space<vmem>>, vector<1x16xf32>,
    %swap3A_743 = arith.constant 0 : i32
    %swap3A_744 = arith.index_cast %swap3A_743 : i32 to index
    %swap3A_745 = arith.constant 16 : index
    %swap3A_746 = tpu.vector_load %arg7[%swap3A_744, %swap3A_745] {strides = array<i32>} : memref<2x128xf32, #tpu.memory_space<vmem>>, vector<1x16xf32>,
    %swap3A_747 = vector.shape_cast %swap3A_746 : vector<1x16xf32> to vector<16xf32>
    %swap3A_748 = vector.shape_cast %scan3A_736#1 : vector<16xf32> to vector<1x16xf32>
    tpu.vector_store %arg7[%swap3A_744, %swap3A_745], %swap3A_748 {strides = array<i32>} : memref<2x128xf32, #tpu.memory_space<vmem>>, vector<1x16xf32>,
    %swap3A_749 = arith.constant 0 : i32
    %swap3A_750 = arith.index_cast %swap3A_749 : i32 to index
    %swap3A_751 = arith.constant 32 : index
    %swap3A_752 = tpu.vector_load %arg7[%swap3A_750, %swap3A_751] {strides = array<i32>} : memref<2x128xf32, #tpu.memory_space<vmem>>, vector<1x16xf32>,
    %swap3A_753 = vector.shape_cast %swap3A_752 : vector<1x16xf32> to vector<16xf32>
    %swap3A_754 = vector.shape_cast %scan3A_736#2 : vector<16xf32> to vector<1x16xf32>
    tpu.vector_store %arg7[%swap3A_750, %swap3A_751], %swap3A_754 {strides = array<i32>} : memref<2x128xf32, #tpu.memory_space<vmem>>, vector<1x16xf32>,
    %swap3A_755 = arith.constant 0 : i32
    %swap3A_756 = arith.index_cast %swap3A_755 : i32 to index
    %swap3A_757 = arith.constant 48 : index
    %swap3A_758 = tpu.vector_load %arg7[%swap3A_756, %swap3A_757] {strides = array<i32>} : memref<2x128xf32, #tpu.memory_space<vmem>>, vector<1x16xf32>,
    %swap3A_759 = vector.shape_cast %swap3A_758 : vector<1x16xf32> to vector<16xf32>
    %swap3A_760 = vector.shape_cast %scan3A_736#3 : vector<16xf32> to vector<1x16xf32>
    tpu.vector_store %arg7[%swap3A_756, %swap3A_757], %swap3A_760 {strides = array<i32>} : memref<2x128xf32, #tpu.memory_space<vmem>>, vector<1x16xf32>,
    %swap3A_761 = arith.constant 0 : i32
    %swap3A_762 = arith.index_cast %swap3A_761 : i32 to index
    %swap3A_763 = arith.constant 64 : index
    %swap3A_764 = tpu.vector_load %arg7[%swap3A_762, %swap3A_763] {strides = array<i32>} : memref<2x128xf32, #tpu.memory_space<vmem>>, vector<1x16xf32>,
    %swap3A_765 = vector.shape_cast %swap3A_764 : vector<1x16xf32> to vector<16xf32>
    %swap3A_766 = vector.shape_cast %scan3A_736#4 : vector<16xf32> to vector<1x16xf32>
    tpu.vector_store %arg7[%swap3A_762, %swap3A_763], %swap3A_766 {strides = array<i32>} : memref<2x128xf32, #tpu.memory_space<vmem>>, vector<1x16xf32>,
    %swap3A_767 = arith.constant 0 : i32
    %swap3A_768 = arith.index_cast %swap3A_767 : i32 to index
    %swap3A_769 = arith.constant 80 : index
    %swap3A_770 = tpu.vector_load %arg7[%swap3A_768, %swap3A_769] {strides = array<i32>} : memref<2x128xf32, #tpu.memory_space<vmem>>, vector<1x16xf32>,
    %swap3A_771 = vector.shape_cast %swap3A_770 : vector<1x16xf32> to vector<16xf32>
    %swap3A_772 = vector.shape_cast %scan3A_736#5 : vector<16xf32> to vector<1x16xf32>
    tpu.vector_store %arg7[%swap3A_768, %swap3A_769], %swap3A_772 {strides = array<i32>} : memref<2x128xf32, #tpu.memory_space<vmem>>, vector<1x16xf32>,
    %swap3A_773 = arith.constant 0 : i32
    %swap3A_774 = arith.index_cast %swap3A_773 : i32 to index
    %swap3A_775 = arith.constant 96 : index
    %swap3A_776 = tpu.vector_load %arg7[%swap3A_774, %swap3A_775] {strides = array<i32>} : memref<2x128xf32, #tpu.memory_space<vmem>>, vector<1x16xf32>,
    %swap3A_777 = vector.shape_cast %swap3A_776 : vector<1x16xf32> to vector<16xf32>
    %swap3A_778 = vector.shape_cast %scan3A_736#6 : vector<16xf32> to vector<1x16xf32>
    tpu.vector_store %arg7[%swap3A_774, %swap3A_775], %swap3A_778 {strides = array<i32>} : memref<2x128xf32, #tpu.memory_space<vmem>>, vector<1x16xf32>,
    %swap3A_779 = arith.constant 0 : i32
    %swap3A_780 = arith.index_cast %swap3A_779 : i32 to index
    %swap3A_781 = arith.constant 112 : index
    %swap3A_782 = tpu.vector_load %arg7[%swap3A_780, %swap3A_781] {strides = array<i32>} : memref<2x128xf32, #tpu.memory_space<vmem>>, vector<1x16xf32>,
    %swap3A_783 = vector.shape_cast %swap3A_782 : vector<1x16xf32> to vector<16xf32>
    %swap3A_784 = vector.shape_cast %scan3A_736#7 : vector<16xf32> to vector<1x16xf32>
    tpu.vector_store %arg7[%swap3A_780, %swap3A_781], %swap3A_784 {strides = array<i32>} : memref<2x128xf32, #tpu.memory_space<vmem>>, vector<1x16xf32>,
    %broadcast_in_dim3A_785 = arith.constant 0.000000e+00 : f32
    %broadcast_in_dim3A_786 = vector.broadcast %broadcast_in_dim3A_785 : f32 to vector<16xf32>
    %broadcast_in_dim3A_787 = arith.constant 0.000000e+00 : f32
    %broadcast_in_dim3A_788 = vector.broadcast %broadcast_in_dim3A_787 : f32 to vector<16xf32>
    %broadcast_in_dim3A_789 = arith.constant 0.000000e+00 : f32
    %broadcast_in_dim3A_790 = vector.broadcast %broadcast_in_dim3A_789 : f32 to vector<16xf32>
    %broadcast_in_dim3A_791 = arith.constant 0.000000e+00 : f32
    %broadcast_in_dim3A_792 = vector.broadcast %broadcast_in_dim3A_791 : f32 to vector<16xf32>
    %broadcast_in_dim3A_793 = arith.constant 0.000000e+00 : f32
    %broadcast_in_dim3A_794 = vector.broadcast %broadcast_in_dim3A_793 : f32 to vector<16xf32>
    %broadcast_in_dim3A_795 = arith.constant 0.000000e+00 : f32
    %broadcast_in_dim3A_796 = vector.broadcast %broadcast_in_dim3A_795 : f32 to vector<16xf32>
    %broadcast_in_dim3A_797 = arith.constant 0.000000e+00 : f32
    %broadcast_in_dim3A_798 = vector.broadcast %broadcast_in_dim3A_797 : f32 to vector<16xf32>
    %broadcast_in_dim3A_799 = arith.constant 0.000000e+00 : f32
    %broadcast_in_dim3A_800 = vector.broadcast %broadcast_in_dim3A_799 : f32 to vector<16xf32>
    %scan3A_801 = arith.constant 0 : i32
    %scan3A_802 = arith.constant 32 : i32
    %scan3A_803 = arith.addi %scan3A_801, %scan3A_802 : i32
    %scan3A_804 = arith.constant 1 : i32
    %scan3A_805:8 = scf.for %scan3A_934 = %scan3A_801 to %scan3A_803 step %scan3A_804 iter_args(%scan3A_935 = %broadcast_in_dim3A_786, %scan3A_936 = %broadcast_in_dim3A_788, %scan3A_937 = %broadcast_in_dim3A_790, %scan3A_938 = %broadcast_in_dim3A_792, %scan3A_939 = %broadcast_in_dim3A_794, %scan3A_940 = %broadcast_in_dim3A_796, %scan3A_941 = %broadcast_in_dim3A_798, %scan3A_942 = %broadcast_in_dim3A_800) -> (vector<16xf32>, vector<16xf32>, vector<16xf32>, vector<16xf32>, vector<16xf32>, vector<16xf32>, vector<16xf32>, vector<16xf32>)  : i32 {
      %add3A_943 = arith.addi %mul3A_34, %scan3A_934 : i32
      %lt3A_944 = arith.constant 100 : i32
      %lt3A_945 = arith.cmpi slt, %add3A_943, %lt3A_944 : i32
      %get3A_946 = arith.index_cast %scan3A_934 : i32 to index
      %get3A_947 = arith.constant 0 : index
      %get3A_948 = tpu.vector_load %arg6[%get3A_946, %get3A_947] {strides = array<i32>} : memref<32x128xf32, #tpu.memory_space<vmem>>, vector<1x16xf32>,
      %get3A_949 = vector.shape_cast %get3A_948 : vector<1x16xf32> to vector<16xf32>
      %sub3A_950 = arith.subf %get3A_949, %scan3A_736#0 : vector<16xf32>
      %exp3A = math.exp %sub3A_950 : vector<16xf32>
      %jit3A_951 = arith.constant 0.000000e+00 : f32
      %broadcast_in_dim3A_952 = vector.broadcast %jit3A_951 : f32 to vector<16xf32>
      %select_n3A_953 = arith.select %lt3A_945, %exp3A, %broadcast_in_dim3A_952 : vector<16xf32>
      %add3A_954 = arith.addf %scan3A_935, %select_n3A_953 : vector<16xf32>
      %get3A_955 = arith.index_cast %scan3A_934 : i32 to index
      %get3A_956 = arith.constant 16 : index
      %get3A_957 = tpu.vector_load %arg6[%get3A_955, %get3A_956] {strides = array<i32>} : memref<32x128xf32, #tpu.memory_space<vmem>>, vector<1x16xf32>,
      %get3A_958 = vector.shape_cast %get3A_957 : vector<1x16xf32> to vector<16xf32>
      %sub3A_959 = arith.subf %get3A_958, %scan3A_736#1 : vector<16xf32>
      %exp3A_960 = math.exp %sub3A_959 : vector<16xf32>
      %jit3A_961 = arith.constant 0.000000e+00 : f32
      %broadcast_in_dim3A_962 = vector.broadcast %jit3A_961 : f32 to vector<16xf32>
      %select_n3A_963 = arith.select %lt3A_945, %exp3A_960, %broadcast_in_dim3A_962 : vector<16xf32>
      %add3A_964 = arith.addf %scan3A_936, %select_n3A_963 : vector<16xf32>
      %get3A_965 = arith.index_cast %scan3A_934 : i32 to index
      %get3A_966 = arith.constant 32 : index
      %get3A_967 = tpu.vector_load %arg6[%get3A_965, %get3A_966] {strides = array<i32>} : memref<32x128xf32, #tpu.memory_space<vmem>>, vector<1x16xf32>,
      %get3A_968 = vector.shape_cast %get3A_967 : vector<1x16xf32> to vector<16xf32>
      %sub3A_969 = arith.subf %get3A_968, %scan3A_736#2 : vector<16xf32>
      %exp3A_970 = math.exp %sub3A_969 : vector<16xf32>
      %jit3A_971 = arith.constant 0.000000e+00 : f32
      %broadcast_in_dim3A_972 = vector.broadcast %jit3A_971 : f32 to vector<16xf32>
      %select_n3A_973 = arith.select %lt3A_945, %exp3A_970, %broadcast_in_dim3A_972 : vector<16xf32>
      %add3A_974 = arith.addf %scan3A_937, %select_n3A_973 : vector<16xf32>
      %get3A_975 = arith.index_cast %scan3A_934 : i32 to index
      %get3A_976 = arith.constant 48 : index
      %get3A_977 = tpu.vector_load %arg6[%get3A_975, %get3A_976] {strides = array<i32>} : memref<32x128xf32, #tpu.memory_space<vmem>>, vector<1x16xf32>,
      %get3A_978 = vector.shape_cast %get3A_977 : vector<1x16xf32> to vector<16xf32>
      %sub3A_979 = arith.subf %get3A_978, %scan3A_736#3 : vector<16xf32>
      %exp3A_980 = math.exp %sub3A_979 : vector<16xf32>
      %jit3A_981 = arith.constant 0.000000e+00 : f32
      %broadcast_in_dim3A_982 = vector.broadcast %jit3A_981 : f32 to vector<16xf32>
      %select_n3A_983 = arith.select %lt3A_945, %exp3A_980, %broadcast_in_dim3A_982 : vector<16xf32>
      %add3A_984 = arith.addf %scan3A_938, %select_n3A_983 : vector<16xf32>
      %get3A_985 = arith.index_cast %scan3A_934 : i32 to index
      %get3A_986 = arith.constant 64 : index
      %get3A_987 = tpu.vector_load %arg6[%get3A_985, %get3A_986] {strides = array<i32>} : memref<32x128xf32, #tpu.memory_space<vmem>>, vector<1x16xf32>,
      %get3A_988 = vector.shape_cast %get3A_987 : vector<1x16xf32> to vector<16xf32>
      %sub3A_989 = arith.subf %get3A_988, %scan3A_736#4 : vector<16xf32>
      %exp3A_990 = math.exp %sub3A_989 : vector<16xf32>
      %jit3A_991 = arith.constant 0.000000e+00 : f32
      %broadcast_in_dim3A_992 = vector.broadcast %jit3A_991 : f32 to vector<16xf32>
      %select_n3A_993 = arith.select %lt3A_945, %exp3A_990, %broadcast_in_dim3A_992 : vector<16xf32>
      %add3A_994 = arith.addf %scan3A_939, %select_n3A_993 : vector<16xf32>
      %get3A_995 = arith.index_cast %scan3A_934 : i32 to index
      %get3A_996 = arith.constant 80 : index
      %get3A_997 = tpu.vector_load %arg6[%get3A_995, %get3A_996] {strides = array<i32>} : memref<32x128xf32, #tpu.memory_space<vmem>>, vector<1x16xf32>,
      %get3A_998 = vector.shape_cast %get3A_997 : vector<1x16xf32> to vector<16xf32>
      %sub3A_999 = arith.subf %get3A_998, %scan3A_736#5 : vector<16xf32>
      %exp3A_1000 = math.exp %sub3A_999 : vector<16xf32>
      %jit3A_1001 = arith.constant 0.000000e+00 : f32
      %broadcast_in_dim3A_1002 = vector.broadcast %jit3A_1001 : f32 to vector<16xf32>
      %select_n3A_1003 = arith.select %lt3A_945, %exp3A_1000, %broadcast_in_dim3A_1002 : vector<16xf32>
      %add3A_1004 = arith.addf %scan3A_940, %select_n3A_1003 : vector<16xf32>
      %get3A_1005 = arith.index_cast %scan3A_934 : i32 to index
      %get3A_1006 = arith.constant 96 : index
      %get3A_1007 = tpu.vector_load %arg6[%get3A_1005, %get3A_1006] {strides = array<i32>} : memref<32x128xf32, #tpu.memory_space<vmem>>, vector<1x16xf32>,
      %get3A_1008 = vector.shape_cast %get3A_1007 : vector<1x16xf32> to vector<16xf32>
      %sub3A_1009 = arith.subf %get3A_1008, %scan3A_736#6 : vector<16xf32>
      %exp3A_1010 = math.exp %sub3A_1009 : vector<16xf32>
      %jit3A_1011 = arith.constant 0.000000e+00 : f32
      %broadcast_in_dim3A_1012 = vector.broadcast %jit3A_1011 : f32 to vector<16xf32>
      %select_n3A_1013 = arith.select %lt3A_945, %exp3A_1010, %broadcast_in_dim3A_1012 : vector<16xf32>
      %add3A_1014 = arith.addf %scan3A_941, %select_n3A_1013 : vector<16xf32>
      %get3A_1015 = arith.index_cast %scan3A_934 : i32 to index
      %get3A_1016 = arith.constant 112 : index
      %get3A_1017 = tpu.vector_load %arg6[%get3A_1015, %get3A_1016] {strides = array<i32>} : memref<32x128xf32, #tpu.memory_space<vmem>>, vector<1x16xf32>,
      %get3A_1018 = vector.shape_cast %get3A_1017 : vector<1x16xf32> to vector<16xf32>
      %sub3A_1019 = arith.subf %get3A_1018, %scan3A_736#7 : vector<16xf32>
      %exp3A_1020 = math.exp %sub3A_1019 : vector<16xf32>
      %jit3A_1021 = arith.constant 0.000000e+00 : f32
      %broadcast_in_dim3A_1022 = vector.broadcast %jit3A_1021 : f32 to vector<16xf32>
      %select_n3A_1023 = arith.select %lt3A_945, %exp3A_1020, %broadcast_in_dim3A_1022 : vector<16xf32>
      %add3A_1024 = arith.addf %scan3A_942, %select_n3A_1023 : vector<16xf32>
      scf.yield %add3A_954, %add3A_964, %add3A_974, %add3A_984, %add3A_994, %add3A_1004, %add3A_1014, %add3A_1024 : vector<16xf32>, vector<16xf32>, vector<16xf32>, vector<16xf32>, vector<16xf32>, vector<16xf32>, vector<16xf32>, vector<16xf32>
    }
    %scan3A_806 = arith.constant 32 : i32
    %swap3A_807 = arith.constant 1 : i32
    %swap3A_808 = arith.index_cast %swap3A_807 : i32 to index
    %swap3A_809 = arith.constant 0 : index
    %swap3A_810 = tpu.vector_load %arg7[%swap3A_808, %swap3A_809] {strides = array<i32>} : memref<2x128xf32, #tpu.memory_space<vmem>>, vector<1x16xf32>,
    %swap3A_811 = vector.shape_cast %swap3A_810 : vector<1x16xf32> to vector<16xf32>
    %swap3A_812 = vector.shape_cast %scan3A_805#0 : vector<16xf32> to vector<1x16xf32>
    tpu.vector_store %arg7[%swap3A_808, %swap3A_809], %swap3A_812 {strides = array<i32>} : memref<2x128xf32, #tpu.memory_space<vmem>>, vector<1x16xf32>,
    %swap3A_813 = arith.constant 1 : i32
    %swap3A_814 = arith.index_cast %swap3A_813 : i32 to index
    %swap3A_815 = arith.constant 16 : index
    %swap3A_816 = tpu.vector_load %arg7[%swap3A_814, %swap3A_815] {strides = array<i32>} : memref<2x128xf32, #tpu.memory_space<vmem>>, vector<1x16xf32>,
    %swap3A_817 = vector.shape_cast %swap3A_816 : vector<1x16xf32> to vector<16xf32>
    %swap3A_818 = vector.shape_cast %scan3A_805#1 : vector<16xf32> to vector<1x16xf32>
    tpu.vector_store %arg7[%swap3A_814, %swap3A_815], %swap3A_818 {strides = array<i32>} : memref<2x128xf32, #tpu.memory_space<vmem>>, vector<1x16xf32>,
    %swap3A_819 = arith.constant 1 : i32
    %swap3A_820 = arith.index_cast %swap3A_819 : i32 to index
    %swap3A_821 = arith.constant 32 : index
    %swap3A_822 = tpu.vector_load %arg7[%swap3A_820, %swap3A_821] {strides = array<i32>} : memref<2x128xf32, #tpu.memory_space<vmem>>, vector<1x16xf32>,
    %swap3A_823 = vector.shape_cast %swap3A_822 : vector<1x16xf32> to vector<16xf32>
    %swap3A_824 = vector.shape_cast %scan3A_805#2 : vector<16xf32> to vector<1x16xf32>
    tpu.vector_store %arg7[%swap3A_820, %swap3A_821], %swap3A_824 {strides = array<i32>} : memref<2x128xf32, #tpu.memory_space<vmem>>, vector<1x16xf32>,
    %swap3A_825 = arith.constant 1 : i32
    %swap3A_826 = arith.index_cast %swap3A_825 : i32 to index
    %swap3A_827 = arith.constant 48 : index
    %swap3A_828 = tpu.vector_load %arg7[%swap3A_826, %swap3A_827] {strides = array<i32>} : memref<2x128xf32, #tpu.memory_space<vmem>>, vector<1x16xf32>,
    %swap3A_829 = vector.shape_cast %swap3A_828 : vector<1x16xf32> to vector<16xf32>
    %swap3A_830 = vector.shape_cast %scan3A_805#3 : vector<16xf32> to vector<1x16xf32>
    tpu.vector_store %arg7[%swap3A_826, %swap3A_827], %swap3A_830 {strides = array<i32>} : memref<2x128xf32, #tpu.memory_space<vmem>>, vector<1x16xf32>,
    %swap3A_831 = arith.constant 1 : i32
    %swap3A_832 = arith.index_cast %swap3A_831 : i32 to index
    %swap3A_833 = arith.constant 64 : index
    %swap3A_834 = tpu.vector_load %arg7[%swap3A_832, %swap3A_833] {strides = array<i32>} : memref<2x128xf32, #tpu.memory_space<vmem>>, vector<1x16xf32>,
    %swap3A_835 = vector.shape_cast %swap3A_834 : vector<1x16xf32> to vector<16xf32>
    %swap3A_836 = vector.shape_cast %scan3A_805#4 : vector<16xf32> to vector<1x16xf32>
    tpu.vector_store %arg7[%swap3A_832, %swap3A_833], %swap3A_836 {strides = array<i32>} : memref<2x128xf32, #tpu.memory_space<vmem>>, vector<1x16xf32>,
    %swap3A_837 = arith.constant 1 : i32
    %swap3A_838 = arith.index_cast %swap3A_837 : i32 to index
    %swap3A_839 = arith.constant 80 : index
    %swap3A_840 = tpu.vector_load %arg7[%swap3A_838, %swap3A_839] {strides = array<i32>} : memref<2x128xf32, #tpu.memory_space<vmem>>, vector<1x16xf32>,
    %swap3A_841 = vector.shape_cast %swap3A_840 : vector<1x16xf32> to vector<16xf32>
    %swap3A_842 = vector.shape_cast %scan3A_805#5 : vector<16xf32> to vector<1x16xf32>
    tpu.vector_store %arg7[%swap3A_838, %swap3A_839], %swap3A_842 {strides = array<i32>} : memref<2x128xf32, #tpu.memory_space<vmem>>, vector<1x16xf32>,
    %swap3A_843 = arith.constant 1 : i32
    %swap3A_844 = arith.index_cast %swap3A_843 : i32 to index
    %swap3A_845 = arith.constant 96 : index
    %swap3A_846 = tpu.vector_load %arg7[%swap3A_844, %swap3A_845] {strides = array<i32>} : memref<2x128xf32, #tpu.memory_space<vmem>>, vector<1x16xf32>,
    %swap3A_847 = vector.shape_cast %swap3A_846 : vector<1x16xf32> to vector<16xf32>
    %swap3A_848 = vector.shape_cast %scan3A_805#6 : vector<16xf32> to vector<1x16xf32>
    tpu.vector_store %arg7[%swap3A_844, %swap3A_845], %swap3A_848 {strides = array<i32>} : memref<2x128xf32, #tpu.memory_space<vmem>>, vector<1x16xf32>,
    %swap3A_849 = arith.constant 1 : i32
    %swap3A_850 = arith.index_cast %swap3A_849 : i32 to index
    %swap3A_851 = arith.constant 112 : index
    %swap3A_852 = tpu.vector_load %arg7[%swap3A_850, %swap3A_851] {strides = array<i32>} : memref<2x128xf32, #tpu.memory_space<vmem>>, vector<1x16xf32>,
    %swap3A_853 = vector.shape_cast %swap3A_852 : vector<1x16xf32> to vector<16xf32>
    %swap3A_854 = vector.shape_cast %scan3A_805#7 : vector<16xf32> to vector<1x16xf32>
    tpu.vector_store %arg7[%swap3A_850, %swap3A_851], %swap3A_854 {strides = array<i32>} : memref<2x128xf32, #tpu.memory_space<vmem>>, vector<1x16xf32>,
    "tpu.region"() ({
      %run_scoped3A = tpu.sem_alloc : memref<!tpu.dma_semaphore, #tpu.memory_space<semaphore_mem>>
      %dma_start3A_934 = arith.constant 0 : i32
      %dma_start3A_935 = arith.constant 0 : i32
      %dma_start3A_936 = tpu.memref_slice %arg9[%arg1, %dma_start3A_934, %dma_start3A_935] : memref<16x2x128xf32, #tpu.memory_space<vmem_shared>> -> memref<1x2x128xf32, #tpu.memory_space<vmem_shared>>
      %dma_start3A_937 = tpu.memref_squeeze %dma_start3A_936 : memref<1x2x128xf32, #tpu.memory_space<vmem_shared>> -> memref<2x128xf32, #tpu.memory_space<vmem_shared>>
      %dma_start3A_938 = arith.constant 0 : i32
      %dma_start3A_939 = arith.constant 0 : i32
      %dma_start3A_940 = tpu.memref_slice %arg9[%arg1, %dma_start3A_938, %dma_start3A_939] : memref<16x2x128xf32, #tpu.memory_space<vmem_shared>> -> memref<1x2x128xf32, #tpu.memory_space<vmem_shared>>
      %dma_start3A_941 = tpu.memref_squeeze %dma_start3A_940 : memref<1x2x128xf32, #tpu.memory_space<vmem_shared>> -> memref<2x128xf32, #tpu.memory_space<vmem_shared>>
      tpu.enqueue_dma source(%arg7 : memref<2x128xf32, #tpu.memory_space<vmem>>) target(%dma_start3A_941 : memref<2x128xf32, #tpu.memory_space<vmem_shared>>) target_semaphore(%run_scoped3A : memref<!tpu.dma_semaphore, #tpu.memory_space<semaphore_mem>>)
      %dma_wait3A_942 = arith.constant 0 : i32
      %dma_wait3A_943 = arith.constant 0 : i32
      %dma_wait3A_944 = tpu.memref_slice %arg9[%arg1, %dma_wait3A_942, %dma_wait3A_943] : memref<16x2x128xf32, #tpu.memory_space<vmem_shared>> -> memref<1x2x128xf32, #tpu.memory_space<vmem_shared>>
      %dma_wait3A_945 = tpu.memref_squeeze %dma_wait3A_944 : memref<1x2x128xf32, #tpu.memory_space<vmem_shared>> -> memref<2x128xf32, #tpu.memory_space<vmem_shared>>
      %dma_wait3A_946 = arith.constant 0 : i32
      %dma_wait3A_947 = arith.constant 0 : i32
      %dma_wait3A_948 = tpu.memref_slice %arg9[%arg1, %dma_wait3A_946, %dma_wait3A_947] : memref<16x2x128xf32, #tpu.memory_space<vmem_shared>> -> memref<1x2x128xf32, #tpu.memory_space<vmem_shared>>
      %dma_wait3A_949 = tpu.memref_squeeze %dma_wait3A_948 : memref<1x2x128xf32, #tpu.memory_space<vmem_shared>> -> memref<2x128xf32, #tpu.memory_space<vmem_shared>>
      tpu.wait_dma2 semaphore(%run_scoped3A : memref<!tpu.dma_semaphore, #tpu.memory_space<semaphore_mem>>) src(%arg7 : memref<2x128xf32, #tpu.memory_space<vmem>>) dst(%dma_wait3A_949 : memref<2x128xf32, #tpu.memory_space<vmem_shared>>)
      tpu.yield
    }) : () -> ()
    %barrier3A = arith.constant 0 : index
    tpu.barrier barrier_id(%barrier3A)
    %jit3A_855 = arith.constant 4 : i32
    %div3A_856 = arith.divsi %arg1, %jit3A_855 : i32
    %sign3A_857 = arith.constant 0 : i32
    %sign3A_858 = arith.cmpi sgt, %arg1, %sign3A_857 : i32
    %sign3A_859 = arith.extui %sign3A_858 : i1 to i32
    %sign3A_860 = arith.constant 0 : i32
    %sign3A_861 = arith.cmpi slt, %arg1, %sign3A_860 : i32
    %sign3A_862 = arith.extui %sign3A_861 : i1 to i32
    %sign3A_863 = arith.subi %sign3A_859, %sign3A_862 : i32
    %sign3A_864 = arith.constant 0 : i32
    %sign3A_865 = arith.cmpi sgt, %jit3A_855, %sign3A_864 : i32
    %sign3A_866 = arith.extui %sign3A_865 : i1 to i32
    %sign3A_867 = arith.constant 0 : i32
    %sign3A_868 = arith.cmpi slt, %jit3A_855, %sign3A_867 : i32
    %sign3A_869 = arith.extui %sign3A_868 : i1 to i32
    %sign3A_870 = arith.subi %sign3A_866, %sign3A_869 : i32
    %ne3A_871 = arith.cmpi ne, %sign3A_863, %sign3A_870 : i32
    %rem3A_872 = arith.remsi %arg1, %jit3A_855 : i32
    %ne3A_873 = arith.constant 0 : i32
    %ne3A_874 = arith.cmpi ne, %rem3A_872, %ne3A_873 : i32
    %and3A_875 = arith.andi %ne3A_871, %ne3A_874 : i1
    %sub3A_876 = arith.constant 1 : i32
    %sub3A_877 = arith.subi %div3A_856, %sub3A_876 : i32
    %select_n3A_878 = arith.select %and3A_875, %sub3A_877, %div3A_856 : i32
    %mul3A_879 = arith.constant 4 : i32
    %mul3A_880 = arith.muli %select_n3A_878, %mul3A_879 : i32
    "tpu.region"() ({
      %run_scoped3A = tpu.sem_alloc : memref<!tpu.dma_semaphore, #tpu.memory_space<semaphore_mem>>
      %dma_start3A_934 = arith.constant 0 : i32
      %dma_start3A_935 = arith.constant 0 : i32
      %dma_start3A_936 = tpu.memref_slice %arg9[%mul3A_880, %dma_start3A_934, %dma_start3A_935] : memref<16x2x128xf32, #tpu.memory_space<vmem_shared>> -> memref<4x2x128xf32, #tpu.memory_space<vmem_shared>>
      %dma_start3A_937 = arith.constant 0 : i32
      %dma_start3A_938 = arith.constant 0 : i32
      %dma_start3A_939 = tpu.memref_slice %arg9[%mul3A_880, %dma_start3A_937, %dma_start3A_938] : memref<16x2x128xf32, #tpu.memory_space<vmem_shared>> -> memref<4x2x128xf32, #tpu.memory_space<vmem_shared>>
      tpu.enqueue_dma source(%dma_start3A_939 : memref<4x2x128xf32, #tpu.memory_space<vmem_shared>>) target(%arg8 : memref<4x2x128xf32, #tpu.memory_space<vmem>>) target_semaphore(%run_scoped3A : memref<!tpu.dma_semaphore, #tpu.memory_space<semaphore_mem>>)
      %dma_wait3A_940 = arith.constant 0 : i32
      %dma_wait3A_941 = arith.constant 0 : i32
      %dma_wait3A_942 = tpu.memref_slice %arg9[%mul3A_880, %dma_wait3A_940, %dma_wait3A_941] : memref<16x2x128xf32, #tpu.memory_space<vmem_shared>> -> memref<4x2x128xf32, #tpu.memory_space<vmem_shared>>
      %dma_wait3A_943 = arith.constant 0 : i32
      %dma_wait3A_944 = arith.constant 0 : i32
      %dma_wait3A_945 = tpu.memref_slice %arg9[%mul3A_880, %dma_wait3A_943, %dma_wait3A_944] : memref<16x2x128xf32, #tpu.memory_space<vmem_shared>> -> memref<4x2x128xf32, #tpu.memory_space<vmem_shared>>
      tpu.wait_dma2 semaphore(%run_scoped3A : memref<!tpu.dma_semaphore, #tpu.memory_space<semaphore_mem>>) src(%dma_wait3A_945 : memref<4x2x128xf32, #tpu.memory_space<vmem_shared>>) dst(%arg8 : memref<4x2x128xf32, #tpu.memory_space<vmem>>)
      tpu.yield
    }) : () -> ()
    %scan3A_881 = arith.constant 0 : i32
    %scan3A_882 = arith.constant 0 : i32
    %scan3A_883 = arith.constant 8 : i32
    %scan3A_884 = arith.addi %scan3A_882, %scan3A_883 : i32
    %scan3A_885 = arith.constant 1 : i32
    scf.for %scan3A_934 = %scan3A_882 to %scan3A_884 step %scan3A_885  : i32 {
      %mul3A_935 = arith.constant 16 : i32
      %mul3A_936 = arith.muli %mul3A_935, %scan3A_934 : i32
      %get3A_937 = arith.constant 0 : i32
      %get3A_938 = arith.constant 0 : i32
      %get3A_939 = arith.index_cast %get3A_937 : i32 to index
      %get3A_940 = arith.index_cast %get3A_938 : i32 to index
      %get3A_941 = arith.index_cast %mul3A_936 : i32 to index
      %get3A_942 = tpu.vector_load %arg8[%get3A_939, %get3A_940, %get3A_941] {strides = array<i32>} : memref<4x2x128xf32, #tpu.memory_space<vmem>>, vector<1x1x16xf32>,
      %get3A_943 = vector.shape_cast %get3A_942 : vector<1x1x16xf32> to vector<16xf32>
      %mul3A_944 = arith.constant 16 : i32
      %mul3A_945 = arith.muli %mul3A_944, %scan3A_934 : i32
      %get3A_946 = arith.constant 1 : i32
      %get3A_947 = arith.constant 0 : i32
      %get3A_948 = arith.index_cast %get3A_946 : i32 to index
      %get3A_949 = arith.index_cast %get3A_947 : i32 to index
      %get3A_950 = arith.index_cast %mul3A_945 : i32 to index
      %get3A_951 = tpu.vector_load %arg8[%get3A_948, %get3A_949, %get3A_950] {strides = array<i32>} : memref<4x2x128xf32, #tpu.memory_space<vmem>>, vector<1x1x16xf32>,
      %get3A_952 = vector.shape_cast %get3A_951 : vector<1x1x16xf32> to vector<16xf32>
      %mul3A_953 = arith.constant 16 : i32
      %mul3A_954 = arith.muli %mul3A_953, %scan3A_934 : i32
      %get3A_955 = arith.constant 2 : i32
      %get3A_956 = arith.constant 0 : i32
      %get3A_957 = arith.index_cast %get3A_955 : i32 to index
      %get3A_958 = arith.index_cast %get3A_956 : i32 to index
      %get3A_959 = arith.index_cast %mul3A_954 : i32 to index
      %get3A_960 = tpu.vector_load %arg8[%get3A_957, %get3A_958, %get3A_959] {strides = array<i32>} : memref<4x2x128xf32, #tpu.memory_space<vmem>>, vector<1x1x16xf32>,
      %get3A_961 = vector.shape_cast %get3A_960 : vector<1x1x16xf32> to vector<16xf32>
      %mul3A_962 = arith.constant 16 : i32
      %mul3A_963 = arith.muli %mul3A_962, %scan3A_934 : i32
      %get3A_964 = arith.constant 3 : i32
      %get3A_965 = arith.constant 0 : i32
      %get3A_966 = arith.index_cast %get3A_964 : i32 to index
      %get3A_967 = arith.index_cast %get3A_965 : i32 to index
      %get3A_968 = arith.index_cast %mul3A_963 : i32 to index
      %get3A_969 = tpu.vector_load %arg8[%get3A_966, %get3A_967, %get3A_968] {strides = array<i32>} : memref<4x2x128xf32, #tpu.memory_space<vmem>>, vector<1x1x16xf32>,
      %get3A_970 = vector.shape_cast %get3A_969 : vector<1x1x16xf32> to vector<16xf32>
      %max3A = arith.maximumf %get3A_943, %get3A_952 : vector<16xf32>
      %max3A_971 = arith.maximumf %max3A, %get3A_961 : vector<16xf32>
      %max3A_972 = arith.maximumf %max3A_971, %get3A_970 : vector<16xf32>
      %broadcast_in_dim3A_973 = arith.constant 0.000000e+00 : f32
      %broadcast_in_dim3A_974 = vector.broadcast %broadcast_in_dim3A_973 : f32 to vector<16xf32>
      %mul3A_975 = arith.constant 16 : i32
      %mul3A_976 = arith.muli %mul3A_975, %scan3A_934 : i32
      %get3A_977 = arith.constant 0 : i32
      %get3A_978 = arith.constant 1 : i32
      %get3A_979 = arith.index_cast %get3A_977 : i32 to index
      %get3A_980 = arith.index_cast %get3A_978 : i32 to index
      %get3A_981 = arith.index_cast %mul3A_976 : i32 to index
      %get3A_982 = tpu.vector_load %arg8[%get3A_979, %get3A_980, %get3A_981] {strides = array<i32>} : memref<4x2x128xf32, #tpu.memory_space<vmem>>, vector<1x1x16xf32>,
      %get3A_983 = vector.shape_cast %get3A_982 : vector<1x1x16xf32> to vector<16xf32>
      %sub3A_984 = arith.subf %get3A_943, %max3A_972 : vector<16xf32>
      %exp3A = math.exp %sub3A_984 : vector<16xf32>
      %mul3A_985 = arith.mulf %get3A_983, %exp3A : vector<16xf32>
      %add3A_986 = arith.addf %broadcast_in_dim3A_974, %mul3A_985 : vector<16xf32>
      %mul3A_987 = arith.constant 16 : i32
      %mul3A_988 = arith.muli %mul3A_987, %scan3A_934 : i32
      %get3A_989 = arith.constant 1 : i32
      %get3A_990 = arith.constant 1 : i32
      %get3A_991 = arith.index_cast %get3A_989 : i32 to index
      %get3A_992 = arith.index_cast %get3A_990 : i32 to index
      %get3A_993 = arith.index_cast %mul3A_988 : i32 to index
      %get3A_994 = tpu.vector_load %arg8[%get3A_991, %get3A_992, %get3A_993] {strides = array<i32>} : memref<4x2x128xf32, #tpu.memory_space<vmem>>, vector<1x1x16xf32>,
      %get3A_995 = vector.shape_cast %get3A_994 : vector<1x1x16xf32> to vector<16xf32>
      %sub3A_996 = arith.subf %get3A_952, %max3A_972 : vector<16xf32>
      %exp3A_997 = math.exp %sub3A_996 : vector<16xf32>
      %mul3A_998 = arith.mulf %get3A_995, %exp3A_997 : vector<16xf32>
      %add3A_999 = arith.addf %add3A_986, %mul3A_998 : vector<16xf32>
      %mul3A_1000 = arith.constant 16 : i32
      %mul3A_1001 = arith.muli %mul3A_1000, %scan3A_934 : i32
      %get3A_1002 = arith.constant 2 : i32
      %get3A_1003 = arith.constant 1 : i32
      %get3A_1004 = arith.index_cast %get3A_1002 : i32 to index
      %get3A_1005 = arith.index_cast %get3A_1003 : i32 to index
      %get3A_1006 = arith.index_cast %mul3A_1001 : i32 to index
      %get3A_1007 = tpu.vector_load %arg8[%get3A_1004, %get3A_1005, %get3A_1006] {strides = array<i32>} : memref<4x2x128xf32, #tpu.memory_space<vmem>>, vector<1x1x16xf32>,
      %get3A_1008 = vector.shape_cast %get3A_1007 : vector<1x1x16xf32> to vector<16xf32>
      %sub3A_1009 = arith.subf %get3A_961, %max3A_972 : vector<16xf32>
      %exp3A_1010 = math.exp %sub3A_1009 : vector<16xf32>
      %mul3A_1011 = arith.mulf %get3A_1008, %exp3A_1010 : vector<16xf32>
      %add3A_1012 = arith.addf %add3A_999, %mul3A_1011 : vector<16xf32>
      %mul3A_1013 = arith.constant 16 : i32
      %mul3A_1014 = arith.muli %mul3A_1013, %scan3A_934 : i32
      %get3A_1015 = arith.constant 3 : i32
      %get3A_1016 = arith.constant 1 : i32
      %get3A_1017 = arith.index_cast %get3A_1015 : i32 to index
      %get3A_1018 = arith.index_cast %get3A_1016 : i32 to index
      %get3A_1019 = arith.index_cast %mul3A_1014 : i32 to index
      %get3A_1020 = tpu.vector_load %arg8[%get3A_1017, %get3A_1018, %get3A_1019] {strides = array<i32>} : memref<4x2x128xf32, #tpu.memory_space<vmem>>, vector<1x1x16xf32>,
      %get3A_1021 = vector.shape_cast %get3A_1020 : vector<1x1x16xf32> to vector<16xf32>
      %sub3A_1022 = arith.subf %get3A_970, %max3A_972 : vector<16xf32>
      %exp3A_1023 = math.exp %sub3A_1022 : vector<16xf32>
      %mul3A_1024 = arith.mulf %get3A_1021, %exp3A_1023 : vector<16xf32>
      %add3A_1025 = arith.addf %add3A_1012, %mul3A_1024 : vector<16xf32>
      %bitcast_convert_type3A = tpu.bitcast %add3A_1025 : vector<16xf32> -> vector<16xi32>
      %shift_right_logical3A = arith.constant 23 : i32
      %shift_right_logical3A_1026 = vector.broadcast %shift_right_logical3A : i32 to vector<16xi32>
      %shift_right_logical3A_1027 = arith.shrui %bitcast_convert_type3A, %shift_right_logical3A_1026 : vector<16xi32>
      %sub3A_1028 = arith.constant 127 : i32
      %sub3A_1029 = vector.broadcast %sub3A_1028 : i32 to vector<16xi32>
      %sub3A_1030 = arith.subi %shift_right_logical3A_1027, %sub3A_1029 : vector<16xi32>
      %and3A_1031 = arith.constant 8388607 : i32
      %and3A_1032 = vector.broadcast %and3A_1031 : i32 to vector<16xi32>
      %and3A_1033 = arith.andi %bitcast_convert_type3A, %and3A_1032 : vector<16xi32>
      %or3A = arith.constant 1065353216 : i32
      %or3A_1034 = vector.broadcast %or3A : i32 to vector<16xi32>
      %or3A_1035 = arith.ori %and3A_1033, %or3A_1034 : vector<16xi32>
      %bitcast_convert_type3A_1036 = tpu.bitcast %or3A_1035 : vector<16xi32> -> vector<16xf32>
      %gt3A = arith.constant 1.41421354 : f32
      %gt3A_1037 = vector.broadcast %gt3A : f32 to vector<16xf32>
      %gt3A_1038 = arith.cmpf ogt, %bitcast_convert_type3A_1036, %gt3A_1037 : vector<16xf32>
      %mul3A_1039 = arith.constant 5.000000e-01 : f32
      %mul3A_1040 = vector.broadcast %mul3A_1039 : f32 to vector<16xf32>
      %mul3A_1041 = arith.mulf %bitcast_convert_type3A_1036, %mul3A_1040 : vector<16xf32>
      %select_n3A_1042 = arith.select %gt3A_1038, %mul3A_1041, %bitcast_convert_type3A_1036 : vector<16xi1>, vector<16xf32>
      %add3A_1043 = arith.constant 1 : i32
      %add3A_1044 = vector.broadcast %add3A_1043 : i32 to vector<16xi32>
      %add3A_1045 = arith.addi %sub3A_1030, %add3A_1044 : vector<16xi32>
      %select_n3A_1046 = arith.select %gt3A_1038, %add3A_1045, %sub3A_1030 : vector<16xi1>, vector<16xi32>
      %sub3A_1047 = arith.constant 1.000000e+00 : f32
      %sub3A_1048 = vector.broadcast %sub3A_1047 : f32 to vector<16xf32>
      %sub3A_1049 = arith.subf %select_n3A_1042, %sub3A_1048 : vector<16xf32>
      %add3A_1050 = arith.constant 1.000000e+00 : f32
      %add3A_1051 = vector.broadcast %add3A_1050 : f32 to vector<16xf32>
      %add3A_1052 = arith.addf %select_n3A_1042, %add3A_1051 : vector<16xf32>
      %div3A_1053 = arith.divf %sub3A_1049, %add3A_1052 : vector<16xf32>
      %mul3A_1054 = arith.mulf %div3A_1053, %div3A_1053 : vector<16xf32>
      %mul3A_1055 = arith.constant 0.111111112 : f32
      %mul3A_1056 = vector.broadcast %mul3A_1055 : f32 to vector<16xf32>
      %mul3A_1057 = arith.mulf %mul3A_1054, %mul3A_1056 : vector<16xf32>
      %add3A_1058 = arith.constant 0.142857149 : f32
      %add3A_1059 = vector.broadcast %add3A_1058 : f32 to vector<16xf32>
      %add3A_1060 = arith.addf %add3A_1059, %mul3A_1057 : vector<16xf32>
      %mul3A_1061 = arith.mulf %mul3A_1054, %add3A_1060 : vector<16xf32>
      %add3A_1062 = arith.constant 2.000000e-01 : f32
      %add3A_1063 = vector.broadcast %add3A_1062 : f32 to vector<16xf32>
      %add3A_1064 = arith.addf %add3A_1063, %mul3A_1061 : vector<16xf32>
      %mul3A_1065 = arith.mulf %mul3A_1054, %add3A_1064 : vector<16xf32>
      %add3A_1066 = arith.constant 0.333333343 : f32
      %add3A_1067 = vector.broadcast %add3A_1066 : f32 to vector<16xf32>
      %add3A_1068 = arith.addf %add3A_1067, %mul3A_1065 : vector<16xf32>
      %mul3A_1069 = arith.mulf %mul3A_1054, %add3A_1068 : vector<16xf32>
      %add3A_1070 = arith.constant 1.000000e+00 : f32
      %add3A_1071 = vector.broadcast %add3A_1070 : f32 to vector<16xf32>
      %add3A_1072 = arith.addf %add3A_1071, %mul3A_1069 : vector<16xf32>
      %mul3A_1073 = arith.constant 2.000000e+00 : f32
      %mul3A_1074 = vector.broadcast %mul3A_1073 : f32 to vector<16xf32>
      %mul3A_1075 = arith.mulf %mul3A_1074, %div3A_1053 : vector<16xf32>
      %mul3A_1076 = arith.mulf %mul3A_1075, %add3A_1072 : vector<16xf32>
      %convert_element_type3A = arith.sitofp %select_n3A_1046 : vector<16xi32> to vector<16xf32>
      %mul3A_1077 = arith.constant 0.693147182 : f32
      %mul3A_1078 = vector.broadcast %mul3A_1077 : f32 to vector<16xf32>
      %mul3A_1079 = arith.mulf %convert_element_type3A, %mul3A_1078 : vector<16xf32>
      %add3A_1080 = arith.addf %mul3A_1076, %mul3A_1079 : vector<16xf32>
      %add3A_1081 = arith.addf %add3A_1080, %max3A_972 : vector<16xf32>
      %mul3A_1082 = arith.constant 16 : i32
      %mul3A_1083 = arith.muli %mul3A_1082, %scan3A_934 : i32
      %swap3A_1084 = arith.constant 0 : i32
      %swap3A_1085 = arith.index_cast %swap3A_1084 : i32 to index
      %swap3A_1086 = arith.index_cast %mul3A_1083 : i32 to index
      %swap3A_1087 = tpu.vector_load %arg7[%swap3A_1085, %swap3A_1086] {strides = array<i32>} : memref<2x128xf32, #tpu.memory_space<vmem>>, vector<1x16xf32>,
      %swap3A_1088 = vector.shape_cast %swap3A_1087 : vector<1x16xf32> to vector<16xf32>
      %swap3A_1089 = vector.shape_cast %add3A_1081 : vector<16xf32> to vector<1x16xf32>
      tpu.vector_store %arg7[%swap3A_1085, %swap3A_1086], %swap3A_1089 {strides = array<i32>} : memref<2x128xf32, #tpu.memory_space<vmem>>, vector<1x16xf32>,
    }
    %scan3A_886 = arith.constant 8 : i32
    %get3A_887 = arith.constant 0 : i32
    %get3A_888 = arith.index_cast %get3A_887 : i32 to index
    %get3A_889 = arith.constant 0 : index
    %get3A_890 = tpu.vector_load %arg7[%get3A_888, %get3A_889] {strides = array<i32>} : memref<2x128xf32, #tpu.memory_space<vmem>>, vector<1x16xf32>,
    %get3A_891 = vector.shape_cast %get3A_890 : vector<1x16xf32> to vector<16xf32>
    %get3A_892 = arith.constant 0 : i32
    %get3A_893 = arith.index_cast %get3A_892 : i32 to index
    %get3A_894 = arith.constant 16 : index
    %get3A_895 = tpu.vector_load %arg7[%get3A_893, %get3A_894] {strides = array<i32>} : memref<2x128xf32, #tpu.memory_space<vmem>>, vector<1x16xf32>,
    %get3A_896 = vector.shape_cast %get3A_895 : vector<1x16xf32> to vector<16xf32>
    %get3A_897 = arith.constant 0 : i32
    %get3A_898 = arith.index_cast %get3A_897 : i32 to index
    %get3A_899 = arith.constant 32 : index
    %get3A_900 = tpu.vector_load %arg7[%get3A_898, %get3A_899] {strides = array<i32>} : memref<2x128xf32, #tpu.memory_space<vmem>>, vector<1x16xf32>,
    %get3A_901 = vector.shape_cast %get3A_900 : vector<1x16xf32> to vector<16xf32>
    %get3A_902 = arith.constant 0 : i32
    %get3A_903 = arith.index_cast %get3A_902 : i32 to index
    %get3A_904 = arith.constant 48 : index
    %get3A_905 = tpu.vector_load %arg7[%get3A_903, %get3A_904] {strides = array<i32>} : memref<2x128xf32, #tpu.memory_space<vmem>>, vector<1x16xf32>,
    %get3A_906 = vector.shape_cast %get3A_905 : vector<1x16xf32> to vector<16xf32>
    %get3A_907 = arith.constant 0 : i32
    %get3A_908 = arith.index_cast %get3A_907 : i32 to index
    %get3A_909 = arith.constant 64 : index
    %get3A_910 = tpu.vector_load %arg7[%get3A_908, %get3A_909] {strides = array<i32>} : memref<2x128xf32, #tpu.memory_space<vmem>>, vector<1x16xf32>,
    %get3A_911 = vector.shape_cast %get3A_910 : vector<1x16xf32> to vector<16xf32>
    %get3A_912 = arith.constant 0 : i32
    %get3A_913 = arith.index_cast %get3A_912 : i32 to index
    %get3A_914 = arith.constant 80 : index
    %get3A_915 = tpu.vector_load %arg7[%get3A_913, %get3A_914] {strides = array<i32>} : memref<2x128xf32, #tpu.memory_space<vmem>>, vector<1x16xf32>,
    %get3A_916 = vector.shape_cast %get3A_915 : vector<1x16xf32> to vector<16xf32>
    %get3A_917 = arith.constant 0 : i32
    %get3A_918 = arith.index_cast %get3A_917 : i32 to index
    %get3A_919 = arith.constant 96 : index
    %get3A_920 = tpu.vector_load %arg7[%get3A_918, %get3A_919] {strides = array<i32>} : memref<2x128xf32, #tpu.memory_space<vmem>>, vector<1x16xf32>,
    %get3A_921 = vector.shape_cast %get3A_920 : vector<1x16xf32> to vector<16xf32>
    %get3A_922 = arith.constant 0 : i32
    %get3A_923 = arith.index_cast %get3A_922 : i32 to index
    %get3A_924 = arith.constant 112 : index
    %get3A_925 = tpu.vector_load %arg7[%get3A_923, %get3A_924] {strides = array<i32>} : memref<2x128xf32, #tpu.memory_space<vmem>>, vector<1x16xf32>,
    %get3A_926 = vector.shape_cast %get3A_925 : vector<1x16xf32> to vector<16xf32>
    %scan3A_927 = arith.constant 0 : i32
    %scan3A_928 = arith.constant 0 : i32
    %scan3A_929 = arith.constant 32 : i32
    %scan3A_930 = arith.addi %scan3A_928, %scan3A_929 : i32
    %scan3A_931 = arith.constant 1 : i32
    scf.for %scan3A_934 = %scan3A_928 to %scan3A_930 step %scan3A_931  : i32 {
      %get3A_935 = arith.index_cast %scan3A_934 : i32 to index
      %get3A_936 = arith.constant 0 : index
      %get3A_937 = tpu.vector_load %arg6[%get3A_935, %get3A_936] {strides = array<i32>} : memref<32x128xf32, #tpu.memory_space<vmem>>, vector<1x16xf32>,
      %get3A_938 = vector.shape_cast %get3A_937 : vector<1x16xf32> to vector<16xf32>
      %sub3A_939 = arith.subf %get3A_938, %get3A_891 : vector<16xf32>
      %swap3A_940 = arith.index_cast %scan3A_934 : i32 to index
      %swap3A_941 = arith.constant 0 : index
      %swap3A_942 = tpu.vector_load %arg6[%swap3A_940, %swap3A_941] {strides = array<i32>} : memref<32x128xf32, #tpu.memory_space<vmem>>, vector<1x16xf32>,
      %swap3A_943 = vector.shape_cast %swap3A_942 : vector<1x16xf32> to vector<16xf32>
      %swap3A_944 = vector.shape_cast %sub3A_939 : vector<16xf32> to vector<1x16xf32>
      tpu.vector_store %arg6[%swap3A_940, %swap3A_941], %swap3A_944 {strides = array<i32>} : memref<32x128xf32, #tpu.memory_space<vmem>>, vector<1x16xf32>,
      %get3A_945 = arith.index_cast %scan3A_934 : i32 to index
      %get3A_946 = arith.constant 16 : index
      %get3A_947 = tpu.vector_load %arg6[%get3A_945, %get3A_946] {strides = array<i32>} : memref<32x128xf32, #tpu.memory_space<vmem>>, vector<1x16xf32>,
      %get3A_948 = vector.shape_cast %get3A_947 : vector<1x16xf32> to vector<16xf32>
      %sub3A_949 = arith.subf %get3A_948, %get3A_896 : vector<16xf32>
      %swap3A_950 = arith.index_cast %scan3A_934 : i32 to index
      %swap3A_951 = arith.constant 16 : index
      %swap3A_952 = tpu.vector_load %arg6[%swap3A_950, %swap3A_951] {strides = array<i32>} : memref<32x128xf32, #tpu.memory_space<vmem>>, vector<1x16xf32>,
      %swap3A_953 = vector.shape_cast %swap3A_952 : vector<1x16xf32> to vector<16xf32>
      %swap3A_954 = vector.shape_cast %sub3A_949 : vector<16xf32> to vector<1x16xf32>
      tpu.vector_store %arg6[%swap3A_950, %swap3A_951], %swap3A_954 {strides = array<i32>} : memref<32x128xf32, #tpu.memory_space<vmem>>, vector<1x16xf32>,
      %get3A_955 = arith.index_cast %scan3A_934 : i32 to index
      %get3A_956 = arith.constant 32 : index
      %get3A_957 = tpu.vector_load %arg6[%get3A_955, %get3A_956] {strides = array<i32>} : memref<32x128xf32, #tpu.memory_space<vmem>>, vector<1x16xf32>,
      %get3A_958 = vector.shape_cast %get3A_957 : vector<1x16xf32> to vector<16xf32>
      %sub3A_959 = arith.subf %get3A_958, %get3A_901 : vector<16xf32>
      %swap3A_960 = arith.index_cast %scan3A_934 : i32 to index
      %swap3A_961 = arith.constant 32 : index
      %swap3A_962 = tpu.vector_load %arg6[%swap3A_960, %swap3A_961] {strides = array<i32>} : memref<32x128xf32, #tpu.memory_space<vmem>>, vector<1x16xf32>,
      %swap3A_963 = vector.shape_cast %swap3A_962 : vector<1x16xf32> to vector<16xf32>
      %swap3A_964 = vector.shape_cast %sub3A_959 : vector<16xf32> to vector<1x16xf32>
      tpu.vector_store %arg6[%swap3A_960, %swap3A_961], %swap3A_964 {strides = array<i32>} : memref<32x128xf32, #tpu.memory_space<vmem>>, vector<1x16xf32>,
      %get3A_965 = arith.index_cast %scan3A_934 : i32 to index
      %get3A_966 = arith.constant 48 : index
      %get3A_967 = tpu.vector_load %arg6[%get3A_965, %get3A_966] {strides = array<i32>} : memref<32x128xf32, #tpu.memory_space<vmem>>, vector<1x16xf32>,
      %get3A_968 = vector.shape_cast %get3A_967 : vector<1x16xf32> to vector<16xf32>
      %sub3A_969 = arith.subf %get3A_968, %get3A_906 : vector<16xf32>
      %swap3A_970 = arith.index_cast %scan3A_934 : i32 to index
      %swap3A_971 = arith.constant 48 : index
      %swap3A_972 = tpu.vector_load %arg6[%swap3A_970, %swap3A_971] {strides = array<i32>} : memref<32x128xf32, #tpu.memory_space<vmem>>, vector<1x16xf32>,
      %swap3A_973 = vector.shape_cast %swap3A_972 : vector<1x16xf32> to vector<16xf32>
      %swap3A_974 = vector.shape_cast %sub3A_969 : vector<16xf32> to vector<1x16xf32>
      tpu.vector_store %arg6[%swap3A_970, %swap3A_971], %swap3A_974 {strides = array<i32>} : memref<32x128xf32, #tpu.memory_space<vmem>>, vector<1x16xf32>,
      %get3A_975 = arith.index_cast %scan3A_934 : i32 to index
      %get3A_976 = arith.constant 64 : index
      %get3A_977 = tpu.vector_load %arg6[%get3A_975, %get3A_976] {strides = array<i32>} : memref<32x128xf32, #tpu.memory_space<vmem>>, vector<1x16xf32>,
      %get3A_978 = vector.shape_cast %get3A_977 : vector<1x16xf32> to vector<16xf32>
      %sub3A_979 = arith.subf %get3A_978, %get3A_911 : vector<16xf32>
      %swap3A_980 = arith.index_cast %scan3A_934 : i32 to index
      %swap3A_981 = arith.constant 64 : index
      %swap3A_982 = tpu.vector_load %arg6[%swap3A_980, %swap3A_981] {strides = array<i32>} : memref<32x128xf32, #tpu.memory_space<vmem>>, vector<1x16xf32>,
      %swap3A_983 = vector.shape_cast %swap3A_982 : vector<1x16xf32> to vector<16xf32>
      %swap3A_984 = vector.shape_cast %sub3A_979 : vector<16xf32> to vector<1x16xf32>
      tpu.vector_store %arg6[%swap3A_980, %swap3A_981], %swap3A_984 {strides = array<i32>} : memref<32x128xf32, #tpu.memory_space<vmem>>, vector<1x16xf32>,
      %get3A_985 = arith.index_cast %scan3A_934 : i32 to index
      %get3A_986 = arith.constant 80 : index
      %get3A_987 = tpu.vector_load %arg6[%get3A_985, %get3A_986] {strides = array<i32>} : memref<32x128xf32, #tpu.memory_space<vmem>>, vector<1x16xf32>,
      %get3A_988 = vector.shape_cast %get3A_987 : vector<1x16xf32> to vector<16xf32>
      %sub3A_989 = arith.subf %get3A_988, %get3A_916 : vector<16xf32>
      %swap3A_990 = arith.index_cast %scan3A_934 : i32 to index
      %swap3A_991 = arith.constant 80 : index
      %swap3A_992 = tpu.vector_load %arg6[%swap3A_990, %swap3A_991] {strides = array<i32>} : memref<32x128xf32, #tpu.memory_space<vmem>>, vector<1x16xf32>,
      %swap3A_993 = vector.shape_cast %swap3A_992 : vector<1x16xf32> to vector<16xf32>
      %swap3A_994 = vector.shape_cast %sub3A_989 : vector<16xf32> to vector<1x16xf32>
      tpu.vector_store %arg6[%swap3A_990, %swap3A_991], %swap3A_994 {strides = array<i32>} : memref<32x128xf32, #tpu.memory_space<vmem>>, vector<1x16xf32>,
      %get3A_995 = arith.index_cast %scan3A_934 : i32 to index
      %get3A_996 = arith.constant 96 : index
      %get3A_997 = tpu.vector_load %arg6[%get3A_995, %get3A_996] {strides = array<i32>} : memref<32x128xf32, #tpu.memory_space<vmem>>, vector<1x16xf32>,
      %get3A_998 = vector.shape_cast %get3A_997 : vector<1x16xf32> to vector<16xf32>
      %sub3A_999 = arith.subf %get3A_998, %get3A_921 : vector<16xf32>
      %swap3A_1000 = arith.index_cast %scan3A_934 : i32 to index
      %swap3A_1001 = arith.constant 96 : index
      %swap3A_1002 = tpu.vector_load %arg6[%swap3A_1000, %swap3A_1001] {strides = array<i32>} : memref<32x128xf32, #tpu.memory_space<vmem>>, vector<1x16xf32>,
      %swap3A_1003 = vector.shape_cast %swap3A_1002 : vector<1x16xf32> to vector<16xf32>
      %swap3A_1004 = vector.shape_cast %sub3A_999 : vector<16xf32> to vector<1x16xf32>
      tpu.vector_store %arg6[%swap3A_1000, %swap3A_1001], %swap3A_1004 {strides = array<i32>} : memref<32x128xf32, #tpu.memory_space<vmem>>, vector<1x16xf32>,
      %get3A_1005 = arith.index_cast %scan3A_934 : i32 to index
      %get3A_1006 = arith.constant 112 : index
      %get3A_1007 = tpu.vector_load %arg6[%get3A_1005, %get3A_1006] {strides = array<i32>} : memref<32x128xf32, #tpu.memory_space<vmem>>, vector<1x16xf32>,
      %get3A_1008 = vector.shape_cast %get3A_1007 : vector<1x16xf32> to vector<16xf32>
      %sub3A_1009 = arith.subf %get3A_1008, %get3A_926 : vector<16xf32>
      %swap3A_1010 = arith.index_cast %scan3A_934 : i32 to index
      %swap3A_1011 = arith.constant 112 : index
      %swap3A_1012 = tpu.vector_load %arg6[%swap3A_1010, %swap3A_1011] {strides = array<i32>} : memref<32x128xf32, #tpu.memory_space<vmem>>, vector<1x16xf32>,
      %swap3A_1013 = vector.shape_cast %swap3A_1012 : vector<1x16xf32> to vector<16xf32>
      %swap3A_1014 = vector.shape_cast %sub3A_1009 : vector<16xf32> to vector<1x16xf32>
      tpu.vector_store %arg6[%swap3A_1010, %swap3A_1011], %swap3A_1014 {strides = array<i32>} : memref<32x128xf32, #tpu.memory_space<vmem>>, vector<1x16xf32>,
    }
    %scan3A_932 = arith.constant 32 : i32
    %multiple_of3A_933 = tpu.assume_multiple %mul3A_34, 32 : i32
    "tpu.region"() ({
      %run_scoped3A = tpu.sem_alloc : memref<!tpu.dma_semaphore, #tpu.memory_space<semaphore_mem>>
      %dma_start3A_934 = tpu.memref_slice %arg4[%multiple_of3A_933, %multiple_of3A] : memref<128x1024xf32, #tpu.memory_space<hbm>> -> memref<32x128xf32, #tpu.memory_space<hbm>>
      %dma_start3A_935 = tpu.memref_slice %arg4[%multiple_of3A_933, %multiple_of3A] : memref<128x1024xf32, #tpu.memory_space<hbm>> -> memref<32x128xf32, #tpu.memory_space<hbm>>
      tpu.enqueue_dma source(%arg6 : memref<32x128xf32, #tpu.memory_space<vmem>>) target(%dma_start3A_935 : memref<32x128xf32, #tpu.memory_space<hbm>>) target_semaphore(%run_scoped3A : memref<!tpu.dma_semaphore, #tpu.memory_space<semaphore_mem>>)
      %dma_wait3A_936 = tpu.memref_slice %arg4[%multiple_of3A_933, %multiple_of3A] : memref<128x1024xf32, #tpu.memory_space<hbm>> -> memref<32x128xf32, #tpu.memory_space<hbm>>
      %dma_wait3A_937 = tpu.memref_slice %arg4[%multiple_of3A_933, %multiple_of3A] : memref<128x1024xf32, #tpu.memory_space<hbm>> -> memref<32x128xf32, #tpu.memory_space<hbm>>
      tpu.wait_dma2 semaphore(%run_scoped3A : memref<!tpu.dma_semaphore, #tpu.memory_space<semaphore_mem>>) src(%arg6 : memref<32x128xf32, #tpu.memory_space<vmem>>) dst(%dma_wait3A_937 : memref<32x128xf32, #tpu.memory_space<hbm>>)
      tpu.yield
    }) : () -> ()
    return
  }
}

</mosaic_0001>

<sc_bundles>
// kernel: kernel.3.cloned.1.call-start
scs
__scs_entry_jumppad:
0x0: {  	(pc) =	sbr.rel $0x88, $3  }
0x1: {  	(tag) =	ssettag $0x0;
	lr =	simm.s32 $0x1  }
0x2: {  	[smem:$0x3F9F] =	sst lr;
	_ =	strace $0xD0000000  }
0x3: {  	_ = 	snop  }
0x4: {  	_ = 	snop  }
0x5: {  	_ = 	snop  }
0x6: {  	_ = 	snop  }
0x7: {  	_ = 	snop  }
__scs_overlays_trampoline_lowered:
0x8: {  	[smem:$0x3FAE] =	sst s0  }
0x9: {  	[smem:$0x3FAF] =	sst s1  }
0xa: {  	[smem:$0x3FB0] =	sst s2  }
0xb: {  	[smem:$0x3FB1] =	sst s3  }
0xc: {  	[smem:$0x3FB2] =	sst s4  }
0xd: {  	[smem:$0x3FB3] =	sst s5  }
0xe: {  	[smem:$0x3FB4] =	sst s6  }
0xf: {  	[smem:$0x3FB5] =	sst s7  }
0x10: {  	[smem:$0x3FB6] =	sst s8  }
0x11: {  	[smem:$0x3FB7] =	sst s9;
	s0 =	simm.s32 @!p0 $0x0  }
0x12: {  	s1 =	sld [smem:$0x3F9D];
	s0 =	simm.s32 @p0 $0x1  }
0x13: {  	[smem:$0x3FB8] =	sst s0;
	s0 =	simm.s32 @!p1 $0x0  }
0x14: {  	s2 =	sld [smem:$0x3F9C];
	s0 =	simm.s32 @p1 $0x1  }
0x15: {  	[smem:$0x3FB9] =	sst s0;
	s0 =	simm.s32 @!p2 $0x0  }
0x16: {  	s3 =	sld [smem:$0x3FDB];
	s0 =	simm.s32 @p2 $0x1  }
0x17: {  	s4 =	simm.s32 $0x1BF5;
	[smem:$0x3FBB] =	sst s0  }
0x18: {  	s0 =	sld [smem:$0x3F9E];
	_ =	swait.ge [sflag:s4], $0x0  }
0x19: {  	s7 =	sld [smem:$0x3F9F]  }
0x1a: {  	s8 =	sadd.s32 $0xFFFFE003, lr  }
0x1b: {  	s9 =	sadd.s32 $0xFFFFFEF7, lr;
	s5 =	simm.s32 $0xFFFFFFFF;
	p2 =	slt.u32 s8, $0xFFFFF086  }
0x1c: {  	p1 =	slt.u32 s9, $0xF7A;
	s5 =	simm.s32 @!p2 $0x0  }
0x1d: {  	s5 =	simm.s32 @p1 $0x1;
	p0 =	seq.s32 s7, s2  }
0x1e: {  	s7 =	smul.u32 @!p0 $0xF7A, s2;
	p2 =	seq.s32 @!p0 s5, $0x0  }
0x1f: {  	s9 =	smul.u32 $0xF7A, s1;
	s8 =	simm.s32 @!p0 $0x1BF5;
	p2 =	por !p2, p0  }
0x20: {  	[sflag:s8] =	ssyncset.s32 @!p0 $0xFFFFF086;
	s6 =	sadd.s32 @!p0 s3, s7;
	s7 =	simm.s32 @!p0 $0x108  }
0x21: {  	s3 =	sadd.s32 s3, s9;
	s6 =	sadd.s32 @!p0 $0x88, s6;
	s7 =	simm.s32 @p2 $0x1082  }
0x22: {  	[simem:s7], [sflag:s8] =	dma.local @!p0 [hbm:s6], $0xF7A  }
0x23: {  	s9 =	sor.u32 $0xD0000000, s2;
	s6 =	simm.s32 $0x108;
	_ =	swait.ge @!p0 [sflag:s8], $0x0  }
0x24: {  	s3 =	sadd.s32 $0x88, s3;
	s6 =	simm.s32 @!p1 $0x1082;
	[sflag:s4] =	ssyncset.s32 $0xFFFFF086  }
0x25: {  	[simem:s6], [sflag:s4] =	dma.local [hbm:s3], $0xF7A  }
0x26: {  	[smem:$0x3F9F] =	sst s1;
	(tag) =	ssettag s2;
	_ =	strace s9  }
0x27: {  	s1 =	sld [smem:$0x3FAF]  }
0x28: {  	s2 =	sld [smem:$0x3FB0]  }
0x29: {  	s4 =	sld [smem:$0x3FB2]  }
0x2a: {  	p0 =	seq.s32 s5, $0x0;
	s5 =	sld [smem:$0x3FB3]  }
0x2b: {  	s6 =	sld [smem:$0x3FB4]  }
0x2c: {  	s7 =	sld [smem:$0x3FB5]  }
0x2d: {  	s3 =	simm.s32 $0x108;
	s8 =	sld [smem:$0x3FB6]  }
0x2e: {  	s3 =	simm.s32 @!p0 $0x1082;
	s9 =	sld [smem:$0x3FB7]  }
0x2f: {  	lr =	sadd.s32 s0, s3;
	s0 =	sld [smem:$0x3FAE]  }
0x30: {  	s3 =	sld [smem:$0x3FB1]  }
0x31: {  	[smem:$0x3FBA] =	sst s10  }
0x32: {  	s10 =	sld [smem:$0x3FB8];
	_ =	sdelay $0x3  }
0x33: {  	p0 =	seq.s32 s10, $0x1;
	s10 =	sld [smem:$0x3FBA];
	_ =	sdelay $0x3  }
0x34: {  	[smem:$0x3FBA] =	sst s10  }
0x35: {  	s10 =	sld [smem:$0x3FB9];
	_ =	sdelay $0x3  }
0x36: {  	p1 =	seq.s32 s10, $0x1;
	s10 =	sld [smem:$0x3FBA];
	_ =	sdelay $0x3  }
0x37: {  	[smem:$0x3FBA] =	sst s10  }
0x38: {  	s10 =	sld [smem:$0x3FBB]  }
0x39: {  	_ = 	snop;
	(pc) =	sbr.ind lr, $3  }
0x3a: {  	_ = 	snop  }
0x3b: {  	_ = 	snop  }
0x3c: {  	p2 =	seq.s32 s10, $0x1;
	s10 =	sld [smem:$0x3FBA]  }
0x3d: {  	_ =	shalt  }
0x3e: {  	_ =	shalt  }
0x3f: {  	_ =	shalt  }
0x40: {  	_ =	shalt  }
0x41: {  	_ =	shalt  }
0x42: {  	_ =	shalt  }
0x43: {  	_ =	shalt  }
0x44: {  	_ =	shalt  }
0x45: {  	_ =	shalt  }
0x46: {  	_ =	shalt  }
0x47: {  	_ =	shalt  }
0x48: {  	_ =	shalt  }
0x49: {  	_ =	shalt  }
0x4a: {  	_ =	shalt  }
0x4b: {  	_ =	shalt  }
0x4c: {  	_ =	shalt  }
0x4d: {  	_ =	shalt  }
0x4e: {  	_ =	shalt  }
0x4f: {  	_ =	shalt  }
0x50: {  	_ =	shalt  }
0x51: {  	_ =	shalt  }
0x52: {  	_ =	shalt  }
0x53: {  	_ =	shalt  }
0x54: {  	_ =	shalt  }
0x55: {  	_ =	shalt  }
0x56: {  	_ =	shalt  }
0x57: {  	_ =	shalt  }
0x58: {  	_ =	shalt  }
0x59: {  	_ =	shalt  }
0x5a: {  	_ =	shalt  }
0x5b: {  	_ =	shalt  }
0x5c: {  	_ =	shalt  }
0x5d: {  	_ =	shalt  }
0x5e: {  	_ =	shalt  }
0x5f: {  	_ =	shalt  }
0x60: {  	_ =	shalt  }
0x61: {  	_ =	shalt  }
0x62: {  	_ =	shalt  }
0x63: {  	_ =	shalt  }
0x64: {  	_ =	shalt  }
0x65: {  	_ =	shalt  }
0x66: {  	_ =	shalt  }
0x67: {  	_ =	shalt  }
0x68: {  	_ =	shalt  }
0x69: {  	_ =	shalt  }
0x6a: {  	_ =	shalt  }
0x6b: {  	_ =	shalt  }
0x6c: {  	_ =	shalt  }
0x6d: {  	_ =	shalt  }
0x6e: {  	_ =	shalt  }
0x6f: {  	_ =	shalt  }
0x70: {  	_ =	shalt  }
0x71: {  	_ =	shalt  }
0x72: {  	_ =	shalt  }
0x73: {  	_ =	shalt  }
0x74: {  	_ =	shalt  }
0x75: {  	_ =	shalt  }
0x76: {  	_ =	shalt  }
0x77: {  	_ =	shalt  }
0x78: {  	_ =	shalt  }
0x79: {  	_ =	shalt  }
0x7a: {  	_ =	shalt  }
0x7b: {  	_ =	shalt  }
0x7c: {  	_ =	shalt  }
0x7d: {  	_ =	shalt  }
0x7e: {  	_ =	shalt  }
0x7f: {  	_ =	shalt  }
0x80: {  	_ =	shalt  }
0x81: {  	_ =	shalt  }
0x82: {  	_ =	shalt  }
0x83: {  	_ =	shalt  }
0x84: {  	_ =	shalt  }
0x85: {  	_ =	shalt  }
0x86: {  	_ =	shalt  }
0x87: {  	_ =	shalt  }
.Lfunc_end0:
.L_simem_size_0:
called_computation_lowered:
.L_overlay_start_0:
0x88: {  	s2 =	sld [smem:$0x3FD9]  }
0x89: {  	s3 =	sld [smem:$0x3FFE];
	_ =	sdelay $0x1  }
0x8a: {  	s1 =	srdreg.scid  }
0x8b: {  	s0 =	sand.u32 $0x1, s1  }
0x8c: {  	s17 =	sshll.u32 s0, $0xA;
	s2 =	sadd.s32 s3, s2  }
0x8d: {  	s2 =	sadd.s32 s2, s17  }
0x8e: {  	[smem:$0x3FC6] =	sst s2  }
0x8f: {  	_ = 	snop  }
0x90: {  	s2 =	sld [smem:$0x3FC9]  }
0x91: {  	s18 =	sld [smem:$0x3FC8];
	(tm) =	ssettm $0x1  }
0x92: {  	s4 =	sld [smem:$0x3FFB];
	_ =	sdelay $0x3  }
0x93: {  	_ =	strace s4  }
0x94: {  	s4 =	sld [smem:$0x3FFC];
	_ =	sdelay $0x3  }
0x95: {  	_ =	strace s4  }
0x96: {  	s4 =	sld [smem:$0x3FFD];
	_ =	sdelay $0x3  }
0x97: {  	_ =	strace s4  }
0x98: {  	_ =	strace $0x8FFFFFFF  }
0x99: {  	s19 =	sld [smem:$0x3FDB];
	_ =	sdelay $0x1  }
0x9a: {  	s5 =	simm.s32 $_scs_section_size  }
0x9b: {  	s6 =	simm.s32 $_size__tile_overlayer_lowered;
	s7 =	simm.s32 $_tile_overlayer_lowered  }
0x9c: {  	s22 =	simm.s32 $0x1BFF;
	s21 =	sshll.u32 s7, $0x1;
	s4 =	sadd.s32 s5, s19  }
0x9d: {  	s8 =	simm.s32 $0x0;
	s20 =	sshll.u32 s6, $0x1;
	s6 =	sadd.s32 s21, s4  }
0x9e: {  	[timem:s8], [sflag:s22] =	dma.local [hbm:s6], s20  }
0x9f: {  	_ =	swait.ge [sflag:s22], s20  }
0xa0: {  	s5 =	ssub.s32 $0x0, s20;
	[sflag:s22] =	ssyncset.done $0x0  }
0xa1: {  	[sflag:s22] =	ssyncadd.s32 s5;
	_ =	sdelay $0x1  }
0xa2: {  	s23 =	simm.s32 $0x1B8B  }
0xa3: {  	_ =	swait.ge [sflag:s23], $0x1  }
0xa4: {  	[sflag:s23] =	ssyncset.done $0x0  }
0xa5: {  	s25 =	simm.s32 $0x1B8E;
	s24 =	sld [smem:$0x3FFE];
	[sflag:s23] =	ssyncadd.s32 $0xFFFFFFFF  }
0xa6: {  	s26 =	simm.s32 $execute0_lowered;
	[smem:$0x3FD2] =	sst s25  }
0xa7: {  	s6 =	sshll.u32 s26, $0x1;
	_ =	strace $0x80000046;
	[dreg:$0x1] =	wrdreg $0xFFFFFFFF  }
0xa8: {  	s28 =	simm.s32 $_size_execute0_lowered;
	s4 =	sadd.s32 s4, s6;
	[dreg:$0x0] =	wrdreg $0x0  }
0xa9: {  	s6 =	sshll.u32 s28, $0x1;
	[dreg:$0x2] =	wrdreg s4  }
0xaa: {  	[dreg:$0x3] =	wrdreg s6  }
0xab: {  	[dreg:$0x4] =	wrdreg $0xC0  }
0xac: {  	_ =	task [dreg:s8], $0x5FFFF  }
0xad: {  	[dreg:$0x1] =	wrdreg $0xFFFFFFFF  }
0xae: {  	[dreg:$0x0] =	wrdreg $0x60  }
0xaf: {  	[dreg:$0x2] =	wrdreg s2  }
0xb0: {  	[dreg:$0x3] =	wrdreg s18  }
0xb1: {  	[dreg:$0x4] =	wrdreg s24  }
0xb2: {  	[dreg:$0x5] =	wrdreg $0x15800  }
0xb3: {  	[dreg:$0x6] =	wrdreg $0x9  }
0xb4: {  	_ =	task.clear_ibuf [dreg:s8], $0x7FFFF;
	_ =	strace $0x90000046  }
0xb5: {  	s29 =	simm.s32 $0x9;
	_ =	strace $0x80000048  }
0xb6: {  	_ =	swait.ge [sflag:s29], $0x1  }
0xb7: {  	[sflag:s29] =	ssyncadd.s32 $0xFFFFFFFF  }
0xb8: {  	_ =	strace $0x90000048  }
0xb9: {  	_ =	sfence  }
0xba: {  	s30 =	sld [smem:$0x0];
	_ =	sdelay $0x2  }
0xbb: {  	s31 =	sshll.u32 s1, $0xD;
	s1 =	sshrl.u32 s1, $0x2  }
0xbc: {  	s3 =	sand.u32 $0x4000, s31;
	s1 =	sadd.s32 s1, s30  }
0xbd: {  	s0 =	sor.u32 s3, s0;
	s1 =	sshll.u32 s1, $0x11  }
0xbe: {  	s0 =	sor.u32 s1, s0  }
0xbf: {  	s0 =	sadd.s32 $0x8F2B, s0  }
0xc0: {  	[sflag:s0] =	ssyncadd.remote.s32 $0x1  }
0xc1: {  	_ =	sfence.sel $0xFFFF  }
0xc2: {  	[dreg:$0x0] =	wrdreg $0xFFFFFFFF;
	(pc) =	sbr.abs _section_cstart, $3  }
0xc3: {  	[dreg:$0x1] =	wrdreg $0xFFFFFFFF  }
0xc4: {  	_ =	task.clear_ibuf [dreg:s8], $0x2FFFF;
	_ =	strace $0x9FFFFFFF  }
0xc5: {  	(tm) =	ssettm $0x7FFFFFFF  }
tec
execute0_lowered:
.L_overlay_start_1:
0x0: {  	(tag) =	ssettag $0x1  }
0x1: {  	s0 =	rddreg [dreg:$0x2]  }
0x2: {  	s1 =	rddreg [dreg:$0x3]  }
0x3: {  	s2 =	srdreg.scid;
	s4 =	stileid.u32;
	s7 =	simm.s32 $0x0  }
0x4: {  	s22 =	simm.s32 $0x0;
	s2 =	sand.u32 $0x1, s2;
	s3 =	sshll.u32 s4, $0x8  }
0x5: {  	s4 =	sand.u32 $0x3, s4;
	[smem:$0x7FF] =	sst s7;
	s5 =	sshll.u32 s2, $0xC  }
0x6: {  	s6 =	sand.u32 $0xC00, s3;
	s28 =	sshll.u32 s4, $0xF;
	_ =	strace $0x80000047  }
0x7: {  	s2 =	ssub.s32 $0x2, s2;
	s8 =	sshll.u32 s4, $0x5;
	s3 =	sadd.s32 s3, s1  }
0x8: {  	p1 =	seq.s32 s4, $0x3;
	s23 =	sor.u32 s5, s6;
	s29 =	sshrl.u32 s2, $0x1  }
0x9: {  	s30 =	sor.u32 $0x10, s8;
	[dreg:$0x5] =	wrdreg s8;
	s8 =	sxor.u32 $0x64, s8  }
0xa: {  	[dreg:$0x7] =	wrdreg s3;
	s1 =	sadd.s32 s6, s1;
	s5 =	sor.u32 s28, s23  }
0xb: {  	s2 =	ssub.s32 s2, s29;
	[dreg:$0x8] =	wrdreg s1;
	s5 =	sshrl.u32 s5, $0x3  }
0xc: {  	[dreg:$0x6] =	wrdreg s30;
	s31 =	smax.u32 s2, $0x1;
	s0 =	sadd.s32 s5, s0  }
0xd: {  	s3 =	simm.s32 $0x2;
	[dreg:$0xa] =	wrdreg s31;
	s0 =	sadd.s32 $0x400, s0  }
0xe: {  	v0 =	vimm.s32 $0xFFFFFF81;
	p0 =	slt.u32 s30, $0x64;
	s1 =	simm.s32 $0x0;
	[dreg:$0x9] =	wrdreg s0  }
.LBB2_1:
0xf: {  	[dreg:$0xb] =	wrdreg s1  }
0x10: {  	s0 =	rddreg [dreg:$0x1]  }
0x11: {  	[tilespmem:s22], [sflag:$0x2] =	stream.linear.gather [hbm4b:s0+s22], $0x64, $0x38;
	[tilespmem:$0x1680] =	vst v63  }
0x12: {  	_ =	swait.ge [sflag:s3], $0x64  }
0x13: {  	[sflag:s3] =	ssyncset.done $0x0  }
0x14: {  	s18 =	rddreg [dreg:$0x5];
	[sflag:s3] =	ssyncadd.s32 $0xFFFFFF9C  }
0x15: {  	v1 =	vld [tilespmem:s18+$0x0];
	_ =	sdelay $0x4  }
0x16: {  	(v2sf) =	vpush v1, $0x2  }
0x17: {  	(v2sf) =	vpush v1, $0x3  }
0x18: {  	(v2sf) =	vpush v1, $0x4  }
0x19: {  	(v2sf) =	vpush v1, $0x5  }
0x1a: {  	(v2sf) =	vpush v1, $0x6  }
0x1b: {  	(v2sf) =	vpush v1, $0x7  }
0x1c: {  	(v2sf) =	vpush v1, $0x8  }
0x1d: {  	(v2sf) =	vpush v1, $0x9  }
0x1e: {  	s19 =	rddreg [dreg:$0x6];
	(v2sf) =	vpush v1, $0xA  }
0x1f: {  	v2 =	vld [tilespmem:s19+$0x0];
	(v2sf) =	vpush v1, $0xB  }
0x20: {  	(v2sf) =	vpush v1, $0xC  }
0x21: {  	(v2sf) =	vpush v1, $0xD  }
0x22: {  	(v2sf) =	vpush v1, $0xE  }
0x23: {  	(v2sf) =	vpush v1, $0xF  }
0x24: {  	(v2sf) =	vpush v2, $0x0  }
0x25: {  	s5 =	spop (v2sf);
	(v2sf) =	vpush v2, $0x1  }
0x26: {  	s4 =	spop (v2sf);
	(v2sf) =	vpush v2, $0x2  }
0x27: {  	s1 =	spop (v2sf);
	(v2sf) =	vpush v2, $0x3  }
0x28: {  	s3 =	spop (v2sf);
	(v2sf) =	vpush v2, $0x4  }
0x29: {  	s13 =	spop (v2sf);
	(v2sf) =	vpush v2, $0x5  }
0x2a: {  	s29 =	spop (v2sf);
	(v2sf) =	vpush v2, $0x6  }
0x2b: {  	s6 =	spop (v2sf);
	(v2sf) =	vpush v2, $0x7  }
0x2c: {  	s7 =	spop (v2sf);
	(v2sf) =	vpush v2, $0x8  }
0x2d: {  	s12 =	spop (v2sf);
	(v2sf) =	vpush v2, $0x9  }
0x2e: {  	s11 =	spop (v2sf);
	(v2sf) =	vpush v2, $0xA  }
0x2f: {  	s10 =	spop (v2sf);
	(v2sf) =	vpush v2, $0xB  }
0x30: {  	s9 =	spop (v2sf);
	(v2sf) =	vpush v2, $0xC  }
0x31: {  	s21 =	spop (v2sf);
	(v2sf) =	vpush v2, $0xD  }
0x32: {  	s14 =	spop (v2sf);
	(v2sf) =	vpush v2, $0xE  }
0x33: {  	s0 =	spop (v2sf);
	(v2sf) =	vpush v2, $0xF  }
0x34: {  	s31 =	spop (v2sf);
	(v2sf) =	vpush v1, $0x0  }
0x35: {  	s30 =	spop (v2sf)  }
0x36: {  	s28 =	spop (v2sf)  }
0x37: {  	s26 =	spop (v2sf)  }
0x38: {  	s25 =	spop (v2sf)  }
0x39: {  	s24 =	spop (v2sf)  }
0x3a: {  	s15 =	spop (v2sf)  }
0x3b: {  	s16 =	spop (v2sf)  }
0x3c: {  	(v2sf) =	vpush v1, $0x1;
	s17 =	spop (v2sf)  }
0x3d: {  	s18 =	spop (v2sf)  }
0x3e: {  	s2 =	spop (v2sf)  }
0x3f: {  	s20 =	spop (v2sf)  }
0x40: {  	s19 =	spop (v2sf)  }
0x41: {  	[dreg:$0xf] =	wrdreg s20;
	s20 =	spop (v2sf)  }
0x42: {  	[dreg:$0xe] =	wrdreg s19;
	s19 =	spop (v2sf)  }
0x43: {  	[dreg:$0xc] =	wrdreg s19;
	s19 =	spop (v2sf)  }
0x44: {  	[dreg:$0xd] =	wrdreg s20;
	s20 =	sshll.u32 s19, $0xA;
	s19 =	sshll.u32 s19, $0x7  }
0x45: {  	s20 =	sand.u32 $0xFFFFE000, s20;
	s19 =	sand.u32 $0x380, s19  }
0x46: {  	s19 =	sor.u32 s20, s19  }
0x47: {  	[dreg:$0x10] =	wrdreg s2;
	s19 =	sor.u32 s23, s19  }
0x48: {  	s2 =	rddreg [dreg:$0x0];
	s19 =	sshrl.u32 s19, $0x3  }
0x49: {  	s20 =	simm.s32 $0x80;
	s19 =	sadd.s32 s2, s19  }
0x4a: {  	[tilespmem:s20], [sflag:$0x1] =	stream.linear.gather [hbm4b:s19+s22], $0x80, $0x38;
	[tilespmem:$0x1680] =	vst v63  }
0x4b: {  	s19 =	spop (v2sf)  }
0x4c: {  	s20 =	sshll.u32 s19, $0xA;
	s19 =	sshll.u32 s19, $0x7  }
0x4d: {  	s20 =	sand.u32 $0xFFFFE000, s20;
	s19 =	sand.u32 $0x380, s19  }
0x4e: {  	s19 =	sor.u32 s20, s19  }
0x4f: {  	s19 =	sor.u32 s23, s19  }
0x50: {  	s19 =	sshrl.u32 s19, $0x3  }
0x51: {  	s20 =	simm.s32 $0x100;
	s19 =	sadd.s32 s2, s19  }
0x52: {  	[tilespmem:s20], [sflag:$0x1] =	stream.linear.gather [hbm4b:s19+s22], $0x80, $0x38;
	[tilespmem:$0x1680] =	vst v63  }
0x53: {  	s20 =	sshll.u32 s5, $0xA;
	s5 =	sshll.u32 s5, $0x7  }
0x54: {  	s19 =	sand.u32 $0xFFFFE000, s20;
	s5 =	sand.u32 $0x380, s5  }
0x55: {  	s5 =	sor.u32 s19, s5  }
0x56: {  	s5 =	sor.u32 s23, s5  }
0x57: {  	s5 =	sshrl.u32 s5, $0x3  }
0x58: {  	s20 =	simm.s32 $0x180;
	s5 =	sadd.s32 s2, s5  }
0x59: {  	[tilespmem:s20], [sflag:$0x1] =	stream.linear.gather [hbm4b:s5+s22], $0x80, $0x38;
	[tilespmem:$0x1680] =	vst v63  }
0x5a: {  	s20 =	sshll.u32 s4, $0xA;
	s4 =	sshll.u32 s4, $0x7  }
0x5b: {  	s5 =	sand.u32 $0xFFFFE000, s20;
	s4 =	sand.u32 $0x380, s4  }
0x5c: {  	s4 =	sor.u32 s5, s4  }
0x5d: {  	s4 =	sor.u32 s23, s4  }
0x5e: {  	s1 =	simm.s32 @p1 $0x0;
	s19 =	simm.s32 $0x200;
	s4 =	sshrl.u32 s4, $0x3  }
0x5f: {  	s20 =	sshll.u32 s1, $0xA;
	s1 =	sshll.u32 s1, $0x7;
	s4 =	sadd.s32 s2, s4  }
0x60: {  	[tilespmem:s19], [sflag:$0x1] =	stream.linear.gather [hbm4b:s4+s22], $0x80, $0x38;
	[tilespmem:$0x1680] =	vst v63  }
0x61: {  	s1 =	sand.u32 $0x380, s1;
	s4 =	sand.u32 $0xFFFFE000, s20  }
0x62: {  	s1 =	sor.u32 s4, s1  }
0x63: {  	s1 =	sor.u32 s23, s1  }
0x64: {  	s3 =	simm.s32 @p1 $0x0;
	s5 =	simm.s32 $0x280;
	s1 =	sshrl.u32 s1, $0x3  }
0x65: {  	s19 =	sshll.u32 s3, $0xA;
	s3 =	sshll.u32 s3, $0x7;
	s1 =	sadd.s32 s2, s1  }
0x66: {  	[tilespmem:s5], [sflag:$0x1] =	stream.linear.gather [hbm4b:s1+s22], $0x80, $0x38;
	[tilespmem:$0x1680] =	vst v63  }
0x67: {  	s3 =	sand.u32 $0x380, s3;
	s1 =	sand.u32 $0xFFFFE000, s19  }
0x68: {  	s1 =	sor.u32 s1, s3  }
0x69: {  	s1 =	sor.u32 s23, s1  }
0x6a: {  	s13 =	simm.s32 @p1 $0x0;
	s20 =	simm.s32 $0x300;
	s1 =	sshrl.u32 s1, $0x3  }
0x6b: {  	s5 =	sshll.u32 s13, $0xA;
	s13 =	sshll.u32 s13, $0x7;
	s1 =	sadd.s32 s2, s1  }
0x6c: {  	[tilespmem:s20], [sflag:$0x1] =	stream.linear.gather [hbm4b:s1+s22], $0x80, $0x38;
	[tilespmem:$0x1680] =	vst v63  }
0x6d: {  	s3 =	sand.u32 $0x380, s13;
	s1 =	sand.u32 $0xFFFFE000, s5  }
0x6e: {  	s1 =	sor.u32 s1, s3  }
0x6f: {  	s1 =	sor.u32 s23, s1  }
0x70: {  	s29 =	simm.s32 @p1 $0x0;
	s19 =	simm.s32 $0x380;
	s1 =	sshrl.u32 s1, $0x3  }
0x71: {  	s20 =	sshll.u32 s29, $0xA;
	s29 =	sshll.u32 s29, $0x7;
	s1 =	sadd.s32 s2, s1  }
0x72: {  	[tilespmem:s19], [sflag:$0x1] =	stream.linear.gather [hbm4b:s1+s22], $0x80, $0x38;
	[tilespmem:$0x1680] =	vst v63  }
0x73: {  	s3 =	sand.u32 $0x380, s29;
	s1 =	sand.u32 $0xFFFFE000, s20  }
0x74: {  	s1 =	sor.u32 s1, s3  }
0x75: {  	s1 =	sor.u32 s23, s1  }
0x76: {  	s6 =	simm.s32 @p1 $0x0;
	s4 =	simm.s32 $0x400;
	s1 =	sshrl.u32 s1, $0x3  }
0x77: {  	s5 =	sshll.u32 s6, $0xA;
	s6 =	sshll.u32 s6, $0x7;
	s1 =	sadd.s32 s2, s1  }
0x78: {  	[tilespmem:s4], [sflag:$0x1] =	stream.linear.gather [hbm4b:s1+s22], $0x80, $0x38;
	[tilespmem:$0x1680] =	vst v63  }
0x79: {  	s3 =	sand.u32 $0x380, s6;
	s1 =	sand.u32 $0xFFFFE000, s5  }
0x7a: {  	s1 =	sor.u32 s1, s3  }
0x7b: {  	s1 =	sor.u32 s23, s1  }
0x7c: {  	s7 =	simm.s32 @p1 $0x0;
	s13 =	simm.s32 $0x480;
	s1 =	sshrl.u32 s1, $0x3  }
0x7d: {  	s19 =	sshll.u32 s7, $0xA;
	s20 =	sshll.u32 s7, $0x7;
	s1 =	sadd.s32 s2, s1  }
0x7e: {  	[tilespmem:s13], [sflag:$0x1] =	stream.linear.gather [hbm4b:s1+s22], $0x80, $0x38;
	[tilespmem:$0x1680] =	vst v63  }
0x7f: {  	s3 =	sand.u32 $0x380, s20;
	s1 =	sand.u32 $0xFFFFE000, s19  }
0x80: {  	s1 =	sor.u32 s1, s3  }
0x81: {  	s1 =	sor.u32 s23, s1  }
0x82: {  	s12 =	simm.s32 @p1 $0x0;
	s29 =	simm.s32 $0x500;
	s1 =	sshrl.u32 s1, $0x3  }
0x83: {  	s5 =	sshll.u32 s12, $0x7;
	s3 =	sshll.u32 s12, $0xA;
	s1 =	sadd.s32 s2, s1  }
0x84: {  	[tilespmem:s29], [sflag:$0x1] =	stream.linear.gather [hbm4b:s1+s22], $0x80, $0x38;
	[tilespmem:$0x1680] =	vst v63  }
0x85: {  	s1 =	sand.u32 $0xFFFFE000, s3;
	s3 =	sand.u32 $0x380, s5  }
0x86: {  	s1 =	sor.u32 s1, s3  }
0x87: {  	s11 =	simm.s32 @p1 $0x0;
	s1 =	sor.u32 s23, s1  }
0x88: {  	s7 =	sshll.u32 s11, $0xA;
	s1 =	sshrl.u32 s1, $0x3  }
0x89: {  	s6 =	simm.s32 $0x580;
	s12 =	sshll.u32 s11, $0x7;
	s1 =	sadd.s32 s2, s1  }
0x8a: {  	[tilespmem:s6], [sflag:$0x1] =	stream.linear.gather [hbm4b:s1+s22], $0x80, $0x38;
	[tilespmem:$0x1680] =	vst v63  }
0x8b: {  	s3 =	sand.u32 $0x380, s12;
	s1 =	sand.u32 $0xFFFFE000, s7  }
0x8c: {  	s1 =	sor.u32 s1, s3  }
0x8d: {  	s10 =	simm.s32 @p1 $0x0;
	s1 =	sor.u32 s23, s1  }
0x8e: {  	s20 =	sshll.u32 s10, $0x7;
	s1 =	sshrl.u32 s1, $0x3  }
0x8f: {  	s13 =	simm.s32 $0x600;
	s19 =	sshll.u32 s10, $0xA;
	s1 =	sadd.s32 s2, s1  }
0x90: {  	[tilespmem:s13], [sflag:$0x1] =	stream.linear.gather [hbm4b:s1+s22], $0x80, $0x38;
	[tilespmem:$0x1680] =	vst v63  }
0x91: {  	s3 =	sand.u32 $0x380, s20;
	s1 =	sand.u32 $0xFFFFE000, s19  }
0x92: {  	s1 =	sor.u32 s1, s3  }
0x93: {  	s1 =	sor.u32 s23, s1  }
0x94: {  	s9 =	simm.s32 @p1 $0x0;
	s29 =	simm.s32 $0x680;
	s1 =	sshrl.u32 s1, $0x3  }
0x95: {  	s5 =	sshll.u32 s9, $0xA;
	s6 =	sshll.u32 s9, $0x7;
	s1 =	sadd.s32 s2, s1  }
0x96: {  	[tilespmem:s29], [sflag:$0x1] =	stream.linear.gather [hbm4b:s1+s22], $0x80, $0x38;
	[tilespmem:$0x1680] =	vst v63  }
0x97: {  	s3 =	sand.u32 $0x380, s6;
	s1 =	sand.u32 $0xFFFFE000, s5  }
0x98: {  	s1 =	sor.u32 s1, s3  }
0x99: {  	s21 =	simm.s32 @p1 $0x0;
	s1 =	sor.u32 s23, s1  }
0x9a: {  	s10 =	sshll.u32 s21, $0x7;
	s1 =	sshrl.u32 s1, $0x3  }
0x9b: {  	s7 =	simm.s32 $0x700;
	s9 =	sshll.u32 s21, $0xA;
	s1 =	sadd.s32 s2, s1  }
0x9c: {  	[tilespmem:s7], [sflag:$0x1] =	stream.linear.gather [hbm4b:s1+s22], $0x80, $0x38;
	[tilespmem:$0x1680] =	vst v63  }
0x9d: {  	s3 =	sand.u32 $0x380, s10;
	s1 =	sand.u32 $0xFFFFE000, s9  }
0x9e: {  	s1 =	sor.u32 s1, s3  }
0x9f: {  	s1 =	sor.u32 s23, s1  }
0xa0: {  	s14 =	simm.s32 @p1 $0x0;
	s11 =	simm.s32 $0x780;
	s1 =	sshrl.u32 s1, $0x3  }
0xa1: {  	s12 =	sshll.u32 s14, $0xA;
	s13 =	sshll.u32 s14, $0x7;
	s1 =	sadd.s32 s2, s1  }
0xa2: {  	[tilespmem:s11], [sflag:$0x1] =	stream.linear.gather [hbm4b:s1+s22], $0x80, $0x38;
	[tilespmem:$0x1680] =	vst v63  }
0xa3: {  	s3 =	sand.u32 $0x380, s13;
	s1 =	sand.u32 $0xFFFFE000, s12  }
0xa4: {  	s1 =	sor.u32 s1, s3  }
0xa5: {  	s1 =	sor.u32 s23, s1  }
0xa6: {  	s0 =	simm.s32 @!p0 $0x0;
	s14 =	simm.s32 $0x800;
	s1 =	sshrl.u32 s1, $0x3  }
0xa7: {  	s19 =	sshll.u32 s0, $0xA;
	s0 =	sshll.u32 s0, $0x7;
	s1 =	sadd.s32 s2, s1  }
0xa8: {  	[tilespmem:s14], [sflag:$0x1] =	stream.linear.gather [hbm4b:s1+s22], $0x80, $0x38;
	[tilespmem:$0x1680] =	vst v63  }
0xa9: {  	s0 =	sand.u32 $0x380, s0;
	s1 =	sand.u32 $0xFFFFE000, s19  }
0xaa: {  	s0 =	sor.u32 s1, s0  }
0xab: {  	s31 =	simm.s32 @p1 $0x0;
	s0 =	sor.u32 s23, s0  }
0xac: {  	s21 =	sshll.u32 s31, $0xA;
	s0 =	sshrl.u32 s0, $0x3  }
0xad: {  	s20 =	simm.s32 $0x880;
	s29 =	sshll.u32 s31, $0x7;
	s0 =	sadd.s32 s2, s0  }
0xae: {  	[tilespmem:s20], [sflag:$0x1] =	stream.linear.gather [hbm4b:s0+s22], $0x80, $0x38;
	[tilespmem:$0x1680] =	vst v63  }
0xaf: {  	s1 =	sand.u32 $0x380, s29;
	s0 =	sand.u32 $0xFFFFE000, s21  }
0xb0: {  	s0 =	sor.u32 s0, s1  }
0xb1: {  	s0 =	sor.u32 s23, s0  }
0xb2: {  	s30 =	simm.s32 @p1 $0x0;
	s31 =	simm.s32 $0x900;
	s0 =	sshrl.u32 s0, $0x3  }
0xb3: {  	s5 =	sshll.u32 s30, $0x7;
	s3 =	sshll.u32 s30, $0xA;
	s0 =	sadd.s32 s2, s0  }
0xb4: {  	[tilespmem:s31], [sflag:$0x1] =	stream.linear.gather [hbm4b:s0+s22], $0x80, $0x38;
	[tilespmem:$0x1680] =	vst v63  }
0xb5: {  	s1 =	sand.u32 $0x380, s5;
	s0 =	sand.u32 $0xFFFFE000, s3  }
0xb6: {  	s0 =	sor.u32 s0, s1  }
0xb7: {  	s0 =	sor.u32 s23, s0  }
0xb8: {  	s28 =	simm.s32 @p1 $0x0;
	s6 =	simm.s32 $0x980;
	s0 =	sshrl.u32 s0, $0x3  }
0xb9: {  	s7 =	sshll.u32 s28, $0xA;
	s9 =	sshll.u32 s28, $0x7;
	s0 =	sadd.s32 s2, s0  }
0xba: {  	[tilespmem:s6], [sflag:$0x1] =	stream.linear.gather [hbm4b:s0+s22], $0x80, $0x38;
	[tilespmem:$0x1680] =	vst v63  }
0xbb: {  	s1 =	sand.u32 $0x380, s9;
	s0 =	sand.u32 $0xFFFFE000, s7  }
0xbc: {  	s0 =	sor.u32 s0, s1  }
0xbd: {  	s0 =	sor.u32 s23, s0  }
0xbe: {  	s26 =	simm.s32 @p1 $0x0;
	s10 =	simm.s32 $0xA00;
	s0 =	sshrl.u32 s0, $0x3  }
0xbf: {  	s11 =	sshll.u32 s26, $0xA;
	s12 =	sshll.u32 s26, $0x7;
	s0 =	sadd.s32 s2, s0  }
0xc0: {  	[tilespmem:s10], [sflag:$0x1] =	stream.linear.gather [hbm4b:s0+s22], $0x80, $0x38;
	[tilespmem:$0x1680] =	vst v63  }
0xc1: {  	s1 =	sand.u32 $0x380, s12;
	s0 =	sand.u32 $0xFFFFE000, s11  }
0xc2: {  	s0 =	sor.u32 s0, s1  }
0xc3: {  	s0 =	sor.u32 s23, s0  }
0xc4: {  	s25 =	simm.s32 @p1 $0x0;
	s13 =	simm.s32 $0xA80;
	s0 =	sshrl.u32 s0, $0x3  }
0xc5: {  	s14 =	sshll.u32 s25, $0xA;
	s19 =	sshll.u32 s25, $0x7;
	s0 =	sadd.s32 s2, s0  }
0xc6: {  	[tilespmem:s13], [sflag:$0x1] =	stream.linear.gather [hbm4b:s0+s22], $0x80, $0x38;
	[tilespmem:$0x1680] =	vst v63  }
0xc7: {  	s1 =	sand.u32 $0x380, s19;
	s0 =	sand.u32 $0xFFFFE000, s14  }
0xc8: {  	s0 =	sor.u32 s0, s1  }
0xc9: {  	s0 =	sor.u32 s23, s0  }
0xca: {  	s24 =	simm.s32 @p1 $0x0;
	s20 =	simm.s32 $0xB00;
	s0 =	sshrl.u32 s0, $0x3  }
0xcb: {  	s21 =	sshll.u32 s24, $0xA;
	s24 =	sshll.u32 s24, $0x7;
	s0 =	sadd.s32 s2, s0  }
0xcc: {  	[tilespmem:s20], [sflag:$0x1] =	stream.linear.gather [hbm4b:s0+s22], $0x80, $0x38;
	[tilespmem:$0x1680] =	vst v63  }
0xcd: {  	s1 =	sand.u32 $0x380, s24;
	s0 =	sand.u32 $0xFFFFE000, s21  }
0xce: {  	s0 =	sor.u32 s0, s1  }
0xcf: {  	s15 =	simm.s32 @p1 $0x0;
	s0 =	sor.u32 s23, s0  }
0xd0: {  	s28 =	sshll.u32 s15, $0x7;
	s0 =	sshrl.u32 s0, $0x3  }
0xd1: {  	s26 =	sshll.u32 s15, $0xA;
	s25 =	simm.s32 $0xB80;
	s0 =	sadd.s32 s2, s0  }
0xd2: {  	[tilespmem:s25], [sflag:$0x1] =	stream.linear.gather [hbm4b:s0+s22], $0x80, $0x38;
	[tilespmem:$0x1680] =	vst v63  }
0xd3: {  	s1 =	sand.u32 $0x380, s28;
	s0 =	sand.u32 $0xFFFFE000, s26  }
0xd4: {  	s0 =	sor.u32 s0, s1  }
0xd5: {  	s16 =	simm.s32 @p1 $0x0;
	s0 =	sor.u32 s23, s0  }
0xd6: {  	s30 =	sshll.u32 s16, $0xA;
	s0 =	sshrl.u32 s0, $0x3  }
0xd7: {  	s29 =	simm.s32 $0xC00;
	s31 =	sshll.u32 s16, $0x7;
	s0 =	sadd.s32 s2, s0  }
0xd8: {  	[tilespmem:s29], [sflag:$0x1] =	stream.linear.gather [hbm4b:s0+s22], $0x80, $0x38;
	[tilespmem:$0x1680] =	vst v63  }
0xd9: {  	s1 =	sand.u32 $0x380, s31;
	s0 =	sand.u32 $0xFFFFE000, s30  }
0xda: {  	s0 =	sor.u32 s0, s1  }
0xdb: {  	s17 =	simm.s32 @p1 $0x0;
	s0 =	sor.u32 s23, s0  }
0xdc: {  	s5 =	sshll.u32 s17, $0xA;
	s0 =	sshrl.u32 s0, $0x3  }
0xdd: {  	s3 =	simm.s32 $0xC80;
	s6 =	sshll.u32 s17, $0x7;
	s0 =	sadd.s32 s2, s0  }
0xde: {  	[tilespmem:s3], [sflag:$0x1] =	stream.linear.gather [hbm4b:s0+s22], $0x80, $0x38;
	[tilespmem:$0x1680] =	vst v63  }
0xdf: {  	s1 =	sand.u32 $0x380, s6;
	s0 =	sand.u32 $0xFFFFE000, s5  }
0xe0: {  	s0 =	sor.u32 s0, s1  }
0xe1: {  	s18 =	simm.s32 @p1 $0x0;
	s0 =	sor.u32 s23, s0  }
0xe2: {  	s9 =	sshll.u32 s18, $0xA;
	s0 =	sshrl.u32 s0, $0x3  }
0xe3: {  	s7 =	simm.s32 $0xD00;
	s10 =	sshll.u32 s18, $0x7;
	s0 =	sadd.s32 s2, s0  }
0xe4: {  	[tilespmem:s7], [sflag:$0x1] =	stream.linear.gather [hbm4b:s0+s22], $0x80, $0x38;
	[tilespmem:$0x1680] =	vst v63  }
0xe5: {  	s1 =	sand.u32 $0x380, s10;
	s0 =	sand.u32 $0xFFFFE000, s9  }
0xe6: {  	s0 =	sor.u32 s0, s1  }
0xe7: {  	s3 =	rddreg [dreg:$0x10];
	s0 =	sor.u32 s23, s0  }
0xe8: {  	s11 =	simm.s32 $0xD80;
	s3 =	simm.s32 @p1 $0x0;
	s0 =	sshrl.u32 s0, $0x3  }
0xe9: {  	s12 =	sshll.u32 s3, $0xA;
	s13 =	sshll.u32 s3, $0x7;
	s0 =	sadd.s32 s2, s0  }
0xea: {  	[tilespmem:s11], [sflag:$0x1] =	stream.linear.gather [hbm4b:s0+s22], $0x80, $0x38;
	[tilespmem:$0x1680] =	vst v63  }
0xeb: {  	s1 =	sand.u32 $0x380, s13;
	s0 =	sand.u32 $0xFFFFE000, s12  }
0xec: {  	s0 =	sor.u32 s0, s1  }
0xed: {  	s3 =	rddreg [dreg:$0xf];
	s0 =	sor.u32 s23, s0  }
0xee: {  	s14 =	simm.s32 $0xE00;
	s3 =	simm.s32 @p1 $0x0;
	s0 =	sshrl.u32 s0, $0x3  }
0xef: {  	s15 =	sshll.u32 s3, $0xA;
	s16 =	sshll.u32 s3, $0x7;
	s0 =	sadd.s32 s2, s0  }
0xf0: {  	[tilespmem:s14], [sflag:$0x1] =	stream.linear.gather [hbm4b:s0+s22], $0x80, $0x38;
	[tilespmem:$0x1680] =	vst v63  }
0xf1: {  	s1 =	sand.u32 $0x380, s16;
	s0 =	sand.u32 $0xFFFFE000, s15  }
0xf2: {  	s0 =	sor.u32 s0, s1  }
0xf3: {  	s3 =	rddreg [dreg:$0xe];
	s0 =	sor.u32 s23, s0  }
0xf4: {  	s17 =	simm.s32 $0xE80;
	s3 =	simm.s32 @p1 $0x0;
	s0 =	sshrl.u32 s0, $0x3  }
0xf5: {  	s18 =	sshll.u32 s3, $0xA;
	s19 =	sshll.u32 s3, $0x7;
	s0 =	sadd.s32 s2, s0  }
0xf6: {  	[tilespmem:s17], [sflag:$0x1] =	stream.linear.gather [hbm4b:s0+s22], $0x80, $0x38;
	[tilespmem:$0x1680] =	vst v63  }
0xf7: {  	s1 =	sand.u32 $0x380, s19;
	s0 =	sand.u32 $0xFFFFE000, s18  }
0xf8: {  	s0 =	sor.u32 s0, s1  }
0xf9: {  	s3 =	rddreg [dreg:$0xd];
	s0 =	sor.u32 s23, s0  }
0xfa: {  	s20 =	simm.s32 $0xF00;
	s3 =	simm.s32 @p1 $0x0;
	s0 =	sshrl.u32 s0, $0x3  }
0xfb: {  	s21 =	sshll.u32 s3, $0xA;
	s24 =	sshll.u32 s3, $0x7;
	s0 =	sadd.s32 s2, s0  }
0xfc: {  	[tilespmem:s20], [sflag:$0x1] =	stream.linear.gather [hbm4b:s0+s22], $0x80, $0x38;
	[tilespmem:$0x1680] =	vst v63  }
0xfd: {  	s1 =	sand.u32 $0x380, s24;
	s0 =	sand.u32 $0xFFFFE000, s21  }
0xfe: {  	s0 =	sor.u32 s0, s1  }
0xff: {  	s3 =	rddreg [dreg:$0xc];
	s0 =	sor.u32 s23, s0  }
0x100: {  	s25 =	simm.s32 $0xF80;
	s3 =	simm.s32 @p1 $0x0;
	s0 =	sshrl.u32 s0, $0x3  }
0x101: {  	s26 =	sshll.u32 s3, $0xA;
	s28 =	sshll.u32 s3, $0x7;
	s0 =	sadd.s32 s2, s0  }
0x102: {  	[tilespmem:s25], [sflag:$0x1] =	stream.linear.gather [hbm4b:s0+s22], $0x80, $0x38;
	[tilespmem:$0x1680] =	vst v63  }
0x103: {  	s1 =	sand.u32 $0x380, s28;
	s0 =	sand.u32 $0xFFFFE000, s26  }
0x104: {  	s0 =	sor.u32 s0, s1  }
0x105: {  	s0 =	sor.u32 s23, s0  }
0x106: {  	s0 =	sshrl.u32 s0, $0x3  }
0x107: {  	s29 =	simm.s32 $0x1000;
	s30 =	simm.s32 $0x1;
	s0 =	sadd.s32 s2, s0  }
0x108: {  	[tilespmem:s29], [sflag:$0x1] =	stream.linear.gather [hbm4b:s0+s22], $0x80, $0x38;
	[tilespmem:$0x1680] =	vst v63  }
0x109: {  	_ =	swait.ge [sflag:s30], $0x1000  }
0x10a: {  	[sflag:s30] =	ssyncset.done $0x0  }
0x10b: {  	s31 =	simm.s32 $0xC0;
	[sflag:s30] =	ssyncadd.s32 $0xFFFFF000  }
0x10c: {  	v1 =	vld [tilespmem:s31+$0x30]  }
0x10d: {  	v3 =	vld [tilespmem:s31+$0xFFFFFFC0]  }
0x10e: {  	v6 =	vld [tilespmem:s31+$0xFFFFFFE0]  }
0x10f: {  	v5 =	vld [tilespmem:s31+$0xFFFFFFD0];
	_ =	sdelay $0x1  }
0x110: {  	v13 =	vld [tilespmem:s31+$0xFFFFFFF0]  }
0x111: {  	p2 =	sgt.u32 s8, $0x0;
	v12 =	vimm.f32 $-3.399999950e+38;
	v10 =	vimm.f32 $-3.399999950e+38;
	v2 =	vimm.f32 $-3.399999950e+38;
	v11 =	vld [tilespmem:s31+$0x0]  }
0x112: {  	v8 =	vld [tilespmem:s31+$0x10];
	v1 =	vpsel !p2, $0xFF7FC99E, v1;
	v3 =	vpsel !p2, $0xFF7FC99E, v3;
	v14 =	vpsel !p2, $0xFF7FC99E, v6  }
0x113: {  	s0 =	simm.s32 $0x140;
	v9 =	vld [tilespmem:s31+$0x20];
	v1 =	vmax.f32 v2, v1;
	v4 =	vmax.f32 v2, v3;
	v3 =	vpsel !p2, $0xFF7FC99E, v5  }
0x114: {  	s1 =	simm.s32 $0x1;
	s2 =	simm.s32 $0x2;
	v6 =	vld [tilespmem:s0+$0x30];
	v5 =	vimm.f32 $-3.399999950e+38;
	v7 =	vmax.f32 v2, v3;
	v3 =	vimm.f32 $-3.399999950e+38  }
.LBB2_2:
0x115: {  	p3 =	sne.s32 s2, $0x1F;
	v15 =	vld [tilespmem:s0+$0xFFFFFFC0];
	v2 =	vmax.f32 v2, v14;
	v13 =	vpsel !p2, $0xFF7FC99E, v13  }
0x116: {  	v14 =	vld [tilespmem:s0+$0xFFFFFFD0];
	v12 =	vmax.f32 v12, v13;
	v11 =	vpsel !p2, $0xFF7FC99E, v11  }
0x117: {  	v16 =	vld [tilespmem:s0+$0xFFFFFFE0];
	v10 =	vmax.f32 v10, v11;
	v8 =	vpsel !p2, $0xFF7FC99E, v8  }
.Ltmp0:
0x118: {  	v13 =	vld [tilespmem:s0+$0xFFFFFFF0];
	v3 =	vmax.f32 v3, v8;
	v8 =	vpsel !p2, $0xFF7FC99E, v9;
	p2 =	slt.u32 s1, s8;
	s1 =	smov.u32 s2;
	(pc) =	sbr.rel @p3 .LBB2_2-.Ltmp0, $4  }
0x119: {  	v11 =	vld [tilespmem:s0+$0x0];
	v6 =	vpsel !p2, $0xFF7FC99E, v6;
	v5 =	vmax.f32 v5, v8  }
0x11a: {  	v9 =	vpsel !p2, $0xFF7FC99E, v15;
	v8 =	vld [tilespmem:s0+$0x10];
	v1 =	vmax.f32 v1, v6  }
0x11b: {  	v4 =	vmax.f32 v4, v9;
	v14 =	vpsel !p2, $0xFF7FC99E, v14;
	v9 =	vld [tilespmem:s0+$0x20];
	s0 =	sadd.s32 $0x80, s0  }
0x11c: {  	s2 =	sadd.s32 $0x1, s2;
	v6 =	vld [tilespmem:s0+$0x30];
	v7 =	vmax.f32 v7, v14;
	v14 =	vpsel !p2, $0xFF7FC99E, v16  }
0x11d: {  	v15 =	vld [tilespmem:s0+$0xFFFFFFC0]  }
0x11e: {  	v16 =	vld [tilespmem:s0+$0xFFFFFFD0]  }
0x11f: {  	v17 =	vld [tilespmem:s0+$0xFFFFFFE0]  }
0x120: {  	v18 =	vld [tilespmem:s0+$0xFFFFFFF0]  }
0x121: {  	v13 =	vpsel !p2, $0xFF7FC99E, v13;
	p3 =	slt.u32 s1, s8;
	v19 =	vld [tilespmem:s0+$0x0]  }
0x122: {  	v14 =	vmax.f32 v2, v14;
	v12 =	vmax.f32 v12, v13;
	v13 =	vld [tilespmem:s0+$0x10];
	v2 =	vpsel !p3, $0xFF7FC99E, v15  }
0x123: {  	v11 =	vpsel !p2, $0xFF7FC99E, v11;
	v15 =	vld [tilespmem:s0+$0x20];
	v2 =	vmax.f32 v4, v2;
	v4 =	vpsel !p3, $0xFF7FC99E, v16  }
0x124: {  	v10 =	vmax.f32 v10, v11;
	v7 =	vmax.f32 v7, v4;
	v4 =	vpsel !p3, $0xFF7FC99E, v17;
	[tilespmem:$0x1080] =	vst v2  }
0x125: {  	v11 =	vpsel !p2, $0xFF7FC99E, v8;
	v8 =	vmax.f32 v14, v4;
	v4 =	vpsel !p3, $0xFF7FC99E, v18;
	[tilespmem:$0x1090] =	vst v7  }
0x126: {  	v11 =	vmax.f32 v3, v11;
	v3 =	vmax.f32 v12, v4;
	v4 =	vpsel !p3, $0xFF7FC99E, v19;
	[tilespmem:$0x10A0] =	vst v8  }
0x127: {  	v9 =	vpsel !p2, $0xFF7FC99E, v9;
	v4 =	vmax.f32 v10, v4;
	v10 =	vpsel !p3, $0xFF7FC99E, v13;
	[tilespmem:$0x10B0] =	vst v3  }
0x128: {  	v9 =	vmax.f32 v5, v9;
	v5 =	vmax.f32 v11, v10;
	v10 =	vpsel !p3, $0xFF7FC99E, v15;
	[tilespmem:$0x10C0] =	vst v4  }
0x129: {  	v11 =	vpsel !p3, $0xFF7FC99E, v6;
	v6 =	vmax.f32 v9, v10;
	[tilespmem:$0x10D0] =	vst v5  }
0x12a: {  	v9 =	vmax.f32 v1, v11;
	[tilespmem:$0x10E0] =	vst v6  }
0x12b: {  	s30 =	simm.s32 $0xC0;
	[tilespmem:$0x10F0] =	vst v9  }
0x12c: {  	v1 =	vld [tilespmem:s30+$0x30]  }
0x12d: {  	v10 =	vld [tilespmem:s30+$0xFFFFFFC0]  }
0x12e: {  	v11 =	vld [tilespmem:s30+$0xFFFFFFD0]  }
0x12f: {  	v12 =	vld [tilespmem:s30+$0xFFFFFFE0];
	_ =	sdelay $0x1  }
0x130: {  	v13 =	vld [tilespmem:s30+$0xFFFFFFF0];
	v1 =	vsub.f32 v1, v9  }
0x131: {  	v14 =	vld [tilespmem:s30+$0x0];
	v10 =	vsub.f32 v10, v2  }
0x132: {  	s31 =	simm.s32 $0x140;
	v15 =	vld [tilespmem:s30+$0x10];
	v11 =	vsub.f32 v11, v7;
	v1 =	vmul.f32 $1.442695020e+00, v1  }
0x133: {  	v16 =	vld [tilespmem:s31+$0xFFFFFFF0];
	v12 =	vsub.f32 v12, v8;
	v10 =	vmul.f32 $1.442695020e+00, v10  }
0x134: {  	v11 =	vmul.f32 $1.442695020e+00, v11;
	(erf) = vpow2.f32 v1;
	v1 =	vld [tilespmem:s30+$0x20]  }
0x135: {  	v12 =	vmul.f32 $1.442695020e+00, v12;
	(erf) = vpow2.f32 v10;
	v10 =	vsub.f32 v13, v3;
	v13 =	vld [tilespmem:s31+$0x30]  }
0x136: {  	(erf) = vpow2.f32 v11;
	v11 =	vsub.f32 v14, v4;
	v14 =	vld [tilespmem:s31+$0xFFFFFFC0]  }
0x137: {  	(erf) = vpow2.f32 v12;
	v10 =	vmul.f32 $1.442695020e+00, v10;
	v12 =	vsub.f32 v15, v5;
	v15 =	vld [tilespmem:s31+$0xFFFFFFD0]  }
0x138: {  	v11 =	vmul.f32 $1.442695020e+00, v11  }
0x139: {  	v17 =	vld [tilespmem:s31+$0x0];
	v1 =	vsub.f32 v1, v6;
	v12 =	vmul.f32 $1.442695020e+00, v12;
	(erf) = vpow2.f32 v10  }
0x13a: {  	(erf) = vpow2.f32 v11;
	v11 =	vld [tilespmem:s31+$0xFFFFFFE0]  }
0x13b: {  	v21 =	vld [tilespmem:s31+$0x20];
	v16 =	vsub.f32 v16, v3;
	v13 =	vsub.f32 v13, v9;
	v1 =	vmul.f32 $1.442695020e+00, v1  }
0x13c: {  	(erf) = vpow2.f32 v12;
	v14 =	vsub.f32 v14, v2;
	v15 =	vsub.f32 v15, v7  }
0x13d: {  	p2 =	sgt.u32 s8, $0x0;
	v20 =	vld [tilespmem:s31+$0x10];
	v10 =	vimm.f32 $0.0e+00;
	v13 =	vmul.f32 $1.442695020e+00, v13;
	v12 =	vpop (erf);
	(erf) = vpow2.f32 v1  }
0x13e: {  	v14 =	vmul.f32 $1.442695020e+00, v14;
	v1 =	vpsel !p2, $0x0, v12;
	v15 =	vmul.f32 $1.442695020e+00, v15  }
0x13f: {  	v12 =	vpop (erf);
	(erf) = vpow2.f32 v13;
	v13 =	vsub.f32 v17, v4;
	v11 =	vsub.f32 v11, v8  }
0x140: {  	v17 =	vsub.f32 v21, v6;
	v12 =	vpsel !p2, $0x0, v12;
	(erf) = vpow2.f32 v14  }
0x141: {  	v1 =	vadd.f32 v1, v10;
	v18 =	vpop (erf);
	v14 =	vmul.f32 $1.442695020e+00, v16;
	v11 =	vmul.f32 $1.442695020e+00, v11  }
0x142: {  	v16 =	vsub.f32 v20, v5;
	v18 =	vpsel !p2, $0x0, v18;
	v19 =	vpop (erf);
	(erf) = vpow2.f32 v15  }
0x143: {  	v13 =	vmul.f32 $1.442695020e+00, v13;
	v26 =	vmul.f32 $1.442695020e+00, v17;
	v17 =	vimm.f32 $0.0e+00  }
0x144: {  	v19 =	vpsel !p2, $0x0, v19;
	v25 =	vmul.f32 $1.442695020e+00, v16;
	v15 =	vpop (erf);
	(erf) = vpow2.f32 v11  }
0x145: {  	v16 =	vimm.f32 $0.0e+00;
	v20 =	vpsel !p2, $0x0, v15;
	(erf) = vpow2.f32 v14;
	v11 =	vpop (erf)  }
0x146: {  	s6 =	simm.s32 $0x1C0;
	v15 =	vimm.f32 $0.0e+00;
	v14 =	vimm.f32 $0.0e+00;
	(erf) = vpow2.f32 v13;
	v22 =	vpop (erf)  }
0x147: {  	s2 =	simm.s32 $0x1;
	s1 =	simm.s32 $0x3;
	s0 =	simm.s32 $0x2;
	v24 =	vld [tilespmem:s6+$0x30];
	v13 =	vimm.f32 $0.0e+00;
	v21 =	vpsel !p2, $0x0, v11;
	v11 =	vimm.f32 $0.0e+00;
	v23 =	vpop (erf)  }
.LBB2_4:
0x148: {  	p3 =	sne.s32 s1, $0x1F;
	v27 =	vld [tilespmem:s6+$0xFFFFFFC0];
	(erf) = vpow2.f32 v25;
	v22 =	vpsel !p2, $0x0, v22;
	v23 =	vpsel !p2, $0x0, v23  }
0x149: {  	v10 =	vadd.f32 v12, v10;
	v17 =	vadd.f32 v18, v17;
	v25 =	vld [tilespmem:s6+$0xFFFFFFD0];
	(erf) = vpow2.f32 v26  }
0x14a: {  	v13 =	vadd.f32 v19, v13;
	v14 =	vadd.f32 v20, v14;
	v26 =	vld [tilespmem:s6+$0xFFFFFFE0]  }
0x14b: {  	p2 =	slt.u32 s2, s8;
	v15 =	vadd.f32 v21, v15;
	s2 =	smov.u32 s0;
	s0 =	smov.u32 s1;
	v16 =	vadd.f32 v22, v16;
	v20 =	vld [tilespmem:s6+$0xFFFFFFF0];
	v12 =	vpop (erf)  }
0x14c: {  	v11 =	vadd.f32 v23, v11;
	v21 =	vld [tilespmem:s6+$0x0];
	v18 =	vsub.f32 v24, v9;
	v24 =	vpsel !p2, $0x0, v12;
	v12 =	vpop (erf)  }
0x14d: {  	v22 =	vsub.f32 v27, v2;
	v23 =	vld [tilespmem:s6+$0x10];
	v12 =	vpsel !p2, $0x0, v12;
	v1 =	vadd.f32 v24, v1;
	v19 =	vpop (erf)  }
0x14e: {  	v24 =	vsub.f32 v25, v7;
	v25 =	vld [tilespmem:s6+$0x20];
	v29 =	vmul.f32 $1.442695020e+00, v18;
	v18 =	vpsel !p2, $0x0, v19;
	v19 =	vpop (erf)  }
0x14f: {  	v30 =	vmul.f32 $1.442695020e+00, v22;
	v26 =	vsub.f32 v26, v8;
	v19 =	vpsel !p2, $0x0, v19;
	v28 =	vpop (erf)  }
0x150: {  	v24 =	vmul.f32 $1.442695020e+00, v24;
	v20 =	vsub.f32 v20, v3;
	(erf) = vpow2.f32 v29;
	v27 =	vpop (erf)  }
.Ltmp1:
0x151: {  	v26 =	vmul.f32 $1.442695020e+00, v26;
	v21 =	vsub.f32 v21, v4;
	(erf) = vpow2.f32 v30;
	v22 =	vpop (erf);
	(pc) =	sbr.rel @p3 .LBB2_4-.Ltmp1, $4  }
0x152: {  	v20 =	vmul.f32 $1.442695020e+00, v20;
	v29 =	vsub.f32 v23, v5;
	(erf) = vpow2.f32 v24;
	v23 =	vpop (erf)  }
0x153: {  	v21 =	vmul.f32 $1.442695020e+00, v21;
	v30 =	vsub.f32 v25, v6;
	(erf) = vpow2.f32 v26  }
0x154: {  	s6 =	sadd.s32 $0x80, s6;
	v25 =	vmul.f32 $1.442695020e+00, v29;
	(erf) = vpow2.f32 v20;
	v20 =	vpsel !p2, $0x0, v28  }
0x155: {  	s1 =	sadd.s32 $0x1, s1;
	v24 =	vld [tilespmem:s6+$0x30];
	v26 =	vmul.f32 $1.442695020e+00, v30;
	(erf) = vpow2.f32 v21;
	v21 =	vpsel !p2, $0x0, v27  }
0x156: {  	v27 =	vld [tilespmem:s6+$0xFFFFFFC0]  }
0x157: {  	v28 =	vld [tilespmem:s6+$0xFFFFFFD0];
	_ =	sdelay $0x1  }
0x158: {  	v29 =	vld [tilespmem:s6+$0xFFFFFFE0]  }
0x159: {  	v30 =	vld [tilespmem:s6+$0xFFFFFFF0];
	v9 =	vsub.f32 v24, v9  }
0x15a: {  	v58 =	vld [tilespmem:s6+$0x0];
	v2 =	vsub.f32 v27, v2  }
0x15b: {  	v60 =	vld [tilespmem:s6+$0x20];
	v7 =	vsub.f32 v28, v7;
	v9 =	vmul.f32 $1.442695020e+00, v9  }
0x15c: {  	(erf) = vpow2.f32 v25;
	v59 =	vld [tilespmem:s6+$0x10];
	v2 =	vmul.f32 $1.442695020e+00, v2  }
0x15d: {  	(erf) = vpow2.f32 v26;
	v8 =	vsub.f32 v29, v8;
	v7 =	vmul.f32 $1.442695020e+00, v7  }
0x15e: {  	v22 =	vpsel !p2, $0x0, v22;
	(erf) = vpow2.f32 v9  }
0x15f: {  	v3 =	vsub.f32 v30, v3;
	v8 =	vmul.f32 $1.442695020e+00, v8;
	v9 =	vpop (erf);
	(erf) = vpow2.f32 v2  }
0x160: {  	v4 =	vsub.f32 v58, v4;
	v6 =	vsub.f32 v60, v6;
	v2 =	vpop (erf);
	(erf) = vpow2.f32 v7  }
0x161: {  	v5 =	vsub.f32 v59, v5;
	v3 =	vmul.f32 $1.442695020e+00, v3;
	v7 =	vpop (erf);
	(erf) = vpow2.f32 v8  }
0x162: {  	v4 =	vmul.f32 $1.442695020e+00, v4;
	v6 =	vmul.f32 $1.442695020e+00, v6;
	v8 =	vadd.f32 v12, v10;
	v10 =	vpop (erf)  }
0x163: {  	v23 =	vpsel !p2, $0x0, v23;
	v5 =	vmul.f32 $1.442695020e+00, v5;
	(erf) = vpow2.f32 v3;
	v12 =	vpop (erf)  }
0x164: {  	(erf) = vpow2.f32 v4;
	v4 =	vadd.f32 v19, v13;
	v13 =	vadd.f32 v20, v14;
	v14 =	vpop (erf)  }
0x165: {  	(erf) = vpow2.f32 v5;
	v5 =	vadd.f32 v21, v15;
	v15 =	vadd.f32 v22, v16;
	v16 =	vpop (erf)  }
0x166: {  	p5 =	slt.u32 s2, s8;
	v11 =	vadd.f32 v23, v11;
	(erf) = vpow2.f32 v6;
	v6 =	vpop (erf)  }
0x167: {  	v2 =	vpsel !p5, $0x0, v2;
	v3 =	vadd.f32 v18, v17;
	v10 =	vpsel !p5, $0x0, v10;
	v17 =	vpop (erf)  }
0x168: {  	p6 =	slt.u32 s0, s8;
	v9 =	vpsel !p5, $0x0, v9;
	v7 =	vpsel !p5, $0x0, v7;
	v2 =	vadd.f32 v2, v8;
	v8 =	vpop (erf)  }
0x169: {  	v12 =	vpsel !p5, $0x0, v12;
	v3 =	vadd.f32 v7, v3;
	v7 =	vpsel !p6, $0x0, v8;
	v8 =	vpop (erf)  }
0x16a: {  	v14 =	vpsel !p5, $0x0, v14;
	v4 =	vadd.f32 v10, v4;
	v8 =	vpsel !p6, $0x0, v8;
	v10 =	vpop (erf)  }
0x16b: {  	v16 =	vpsel !p5, $0x0, v16;
	v2 =	vadd.f32 v7, v2;
	v10 =	vpsel !p6, $0x0, v10  }
0x16c: {  	v6 =	vpsel !p5, $0x0, v6;
	v7 =	vadd.f32 v12, v13;
	v12 =	vpop (erf);
	v3 =	vadd.f32 v8, v3  }
0x16d: {  	v5 =	vadd.f32 v14, v5;
	v12 =	vpsel !p6, $0x0, v12;
	v4 =	vadd.f32 v10, v4;
	[tilespmem:$0x1100] =	vst v2;
	v8 =	vpop (erf)  }
0x16e: {  	v2 =	vadd.f32 v16, v15;
	v7 =	vadd.f32 v12, v7;
	[tilespmem:$0x1110] =	vst v3;
	v10 =	vpop (erf);
	v8 =	vpsel !p6, $0x0, v8  }
0x16f: {  	v3 =	vadd.f32 v6, v11;
	[tilespmem:$0x1120] =	vst v4;
	v6 =	vpop (erf);
	v10 =	vpsel !p6, $0x0, v10;
	v5 =	vadd.f32 v8, v5  }
0x170: {  	v1 =	vadd.f32 v9, v1;
	[tilespmem:$0x1130] =	vst v7;
	v4 =	vpsel !p6, $0x0, v6;
	v2 =	vadd.f32 v10, v2  }
0x171: {  	v6 =	vpsel !p6, $0x0, v17;
	v3 =	vadd.f32 v4, v3;
	[tilespmem:$0x1140] =	vst v5  }
0x172: {  	v1 =	vadd.f32 v6, v1;
	[tilespmem:$0x1150] =	vst v2  }
0x173: {  	[tilespmem:$0x1160] =	vst v3  }
0x174: {  	s29 =	rddreg [dreg:$0x7];
	s1 =	simm.s32 $0x1080;
	s3 =	simm.s32 $0x2;
	[tilespmem:$0x1170] =	vst v1  }
0x175: {  	[spmem:s29] =	stream.linear.scatter [tilespmem:s1], [sflag:$0x2], $0x100, $0x38;
	[tilespmem:$0x1680] =	vst v63  }
0x176: {  	_ =	swait.ge [sflag:s3], $0x100  }
0x177: {  	[sflag:s3] =	ssyncset.done $0x0  }
0x178: {  	[sflag:s3] =	ssyncadd.s32 $0xFFFFFF00  }
0x179: {  	[bflag:$0x0] =	sbarrier.arrive $0xFFFF  }
0x17a: {  	s31 =	simm.s32 $0x1180;
	s30 =	rddreg [dreg:$0x8]  }
0x17b: {  	[tilespmem:s31], [sflag:$0x2] =	stream.linear.gather [spmem:s30], $0x400, $0x38;
	[tilespmem:$0x1680] =	vst v63  }
0x17c: {  	_ =	swait.ge [sflag:s3], $0x400  }
0x17d: {  	[sflag:s3] =	ssyncset.done $0x0  }
0x17e: {  	s17 =	simm.s32 $0x0;
	[sflag:s3] =	ssyncadd.s32 $0xFFFFFC00  }
0x17f: {  	v1 =	vld [tilespmem:s17+$0x1180]  }
0x180: {  	v2 =	vld [tilespmem:s17+$0x1280]  }
0x181: {  	v3 =	vld [tilespmem:s17+$0x1380]  }
0x182: {  	v5 =	vld [tilespmem:s17+$0x1480];
	_ =	sdelay $0x2  }
0x183: {  	v4 =	vmax.f32 v1, v2  }
0x184: {  	v4 =	vmax.f32 v4, v3  }
0x185: {  	v4 =	vmax.f32 v4, v5  }
0x186: {  	v5 =	vsub.f32 v5, v4  }
0x187: {  	v1 =	vsub.f32 v1, v4  }
0x188: {  	v3 =	vsub.f32 v3, v4;
	v5 =	vmul.f32 $1.442695020e+00, v5  }
0x189: {  	v2 =	vsub.f32 v2, v4;
	v1 =	vmul.f32 $1.442695020e+00, v1  }
0x18a: {  	v3 =	vmul.f32 $1.442695020e+00, v3;
	(erf) = vpow2.f32 v5  }
0x18b: {  	v2 =	vmul.f32 $1.442695020e+00, v2;
	(erf) = vpow2.f32 v1  }
0x18c: {  	(erf) = vpow2.f32 v3  }
0x18d: {  	s2 =	simm.s32 $0x10;
	v7 =	vld [tilespmem:s17+$0x1200];
	(erf) = vpow2.f32 v2  }
0x18e: {  	v5 =	vld [tilespmem:s2+$0x1180]  }
0x18f: {  	v3 =	vld [tilespmem:s2+$0x1280]  }
0x190: {  	v2 =	vld [tilespmem:s2+$0x1380]  }
0x191: {  	v6 =	vld [tilespmem:s2+$0x1480]  }
0x192: {  	v8 =	vld [tilespmem:s17+$0x1300]  }
0x193: {  	v9 =	vpop (erf)  }
0x194: {  	v11 =	vld [tilespmem:s17+$0x1400];
	v1 =	vmax.f32 v5, v3;
	v10 =	vpop (erf)  }
0x195: {  	v1 =	vmax.f32 v1, v2;
	v7 =	vmul.f32 v10, v7;
	v10 =	vpop (erf)  }
0x196: {  	v12 =	vld [tilespmem:s17+$0x1500];
	v1 =	vmax.f32 v1, v6;
	v13 =	vpop (erf)  }
0x197: {  	v6 =	vsub.f32 v6, v1;
	v7 =	vadd.f32 $0.0e+00, v7;
	v8 =	vmul.f32 v13, v8  }
0x198: {  	v2 =	vsub.f32 v2, v1;
	v5 =	vsub.f32 v5, v1  }
0x199: {  	v6 =	vmul.f32 $1.442695020e+00, v6;
	v7 =	vadd.f32 v7, v8;
	v8 =	vmul.f32 v10, v11  }
0x19a: {  	v3 =	vsub.f32 v3, v1;
	v2 =	vmul.f32 $1.442695020e+00, v2;
	v5 =	vmul.f32 $1.442695020e+00, v5  }
0x19b: {  	s15 =	simm.s32 $0x20;
	(erf) = vpow2.f32 v6;
	v6 =	vmul.f32 v9, v12;
	v7 =	vadd.f32 v7, v8  }
0x19c: {  	v3 =	vmul.f32 $1.442695020e+00, v3;
	(erf) = vpow2.f32 v5;
	v5 =	vld [tilespmem:s15+$0x1180]  }
0x19d: {  	(erf) = vpow2.f32 v2;
	v8 =	vld [tilespmem:s15+$0x1280];
	v7 =	vadd.f32 v7, v6  }
0x19e: {  	(erf) = vpow2.f32 v3  }
0x19f: {  	v9 =	vld [tilespmem:s2+$0x1200];
	v2 =	vand.u32 $0x7FFFFF, v7  }
0x1a0: {  	v3 =	vld [tilespmem:s15+$0x1380];
	v2 =	vor.u32 $0x3F800000, v2  }
0x1a1: {  	v6 =	vld [tilespmem:s15+$0x1480];
	v10 =	vmul.f32 $5.000000000e-01, v2  }
0x1a2: {  	v12 =	vmax.f32 v5, v8;
	vm1 =	vgt.f32 v2, $1.414213540e+00  }
0x1a3: {  	v11 =	vld [tilespmem:s2+$0x1300];
	v10 =	vsel vm1, v10, v2  }
0x1a4: {  	v13 =	vpop (erf);
	v14 =	vadd.f32 $1.000000000e+00, v10  }
0x1a5: {  	v15 =	vld [tilespmem:s2+$0x1400];
	v2 =	vmax.f32 v12, v3;
	v12 =	vpop (erf)  }
0x1a6: {  	v2 =	vmax.f32 v2, v6;
	v9 =	vmul.f32 v12, v9;
	v12 =	vpop (erf);
	(erf) = vrcp.f32 v14  }
0x1a7: {  	v16 =	vld [tilespmem:s2+$0x1500];
	v6 =	vsub.f32 v6, v2;
	v17 =	vpop (erf);
	v3 =	vsub.f32 v3, v2  }
0x1a8: {  	v5 =	vsub.f32 v5, v2;
	v9 =	vadd.f32 $0.0e+00, v9;
	v11 =	vmul.f32 v17, v11  }
0x1a9: {  	v8 =	vsub.f32 v8, v2;
	v3 =	vmul.f32 $1.442695020e+00, v3;
	v6 =	vmul.f32 $1.442695020e+00, v6  }
0x1aa: {  	v5 =	vmul.f32 $1.442695020e+00, v5;
	v9 =	vadd.f32 v9, v11;
	v11 =	vmul.f32 v12, v15  }
0x1ab: {  	v8 =	vmul.f32 $1.442695020e+00, v8;
	(erf) = vpow2.f32 v6  }
0x1ac: {  	s16 =	simm.s32 $0x30;
	v6 =	vmul.f32 v13, v16;
	v9 =	vadd.f32 v9, v11;
	(erf) = vpow2.f32 v5  }
0x1ad: {  	v12 =	vld [tilespmem:s16+$0x1280];
	(erf) = vpow2.f32 v3  }
0x1ae: {  	v11 =	vld [tilespmem:s16+$0x1180];
	v3 =	vadd.f32 $-1.000000000e+00, v10;
	v5 =	vadd.f32 v9, v6;
	(erf) = vpow2.f32 v8  }
0x1af: {  	v10 =	vld [tilespmem:s16+$0x1480];
	v8 =	vpop (erf)  }
0x1b0: {  	v6 =	vld [tilespmem:s16+$0x1380];
	v9 =	vand.u32 $0x7FFFFF, v5;
	v16 =	vmul.f32 v8, v3  }
0x1b1: {  	v3 =	vor.u32 $0x3F800000, v9;
	v8 =	vld [tilespmem:s15+$0x1200]  }
0x1b2: {  	v9 =	vmul.f32 $5.000000000e-01, v3;
	v13 =	vmul.f32 v16, v16  }
0x1b3: {  	v14 =	vld [tilespmem:s15+$0x1300];
	vm0 =	vgt.f32 v3, $1.414213540e+00  }
0x1b4: {  	v15 =	vmax.f32 v11, v12;
	v17 =	vpop (erf);
	v18 =	vsel vm0, v9, v3;
	v9 =	vmul.f32 $1.111111120e-01, v13  }
0x1b5: {  	v3 =	vmax.f32 v15, v6;
	v15 =	vld [tilespmem:s15+$0x1400];
	v19 =	vpop (erf);
	v61 =	vadd.f32 $1.000000000e+00, v18  }
0x1b6: {  	v3 =	vmax.f32 v3, v10;
	v8 =	vmul.f32 v19, v8;
	v19 =	vpop (erf);
	v9 =	vadd.f32 $1.428571490e-01, v9  }
0x1b7: {  	v62 =	vld [tilespmem:s15+$0x1500];
	v10 =	vsub.f32 v10, v3;
	v6 =	vsub.f32 v6, v3;
	v63 =	vpop (erf);
	(erf) = vrcp.f32 v61  }
0x1b8: {  	v8 =	vadd.f32 $0.0e+00, v8;
	v14 =	vmul.f32 v63, v14;
	v9 =	vmul.f32 v9, v13  }
0x1b9: {  	v11 =	vsub.f32 v11, v3;
	v6 =	vmul.f32 $1.442695020e+00, v6;
	v10 =	vmul.f32 $1.442695020e+00, v10  }
0x1ba: {  	v8 =	vadd.f32 v8, v14;
	v14 =	vmul.f32 v19, v15;
	v9 =	vadd.f32 $2.000000030e-01, v9  }
0x1bb: {  	v12 =	vsub.f32 v12, v3;
	v11 =	vmul.f32 $1.442695020e+00, v11;
	(erf) = vpow2.f32 v10  }
0x1bc: {  	s18 =	simm.s32 $0x40;
	v8 =	vadd.f32 v8, v14;
	v14 =	vmul.f32 v17, v62;
	v9 =	vmul.f32 v9, v13  }
0x1bd: {  	vm1 =	vmmov vm1;
	v12 =	vmul.f32 $1.442695020e+00, v12;
	v10 =	vld [tilespmem:s18+$0x1180];
	(erf) = vpow2.f32 v11  }
0x1be: {  	(erf) = vpow2.f32 v6;
	v6 =	vadd.f32 v8, v14;
	v8 =	vadd.f32 $3.333333430e-01, v9;
	v9 =	vld [tilespmem:s18+$0x1280]  }
0x1bf: {  	v7 =	vshrl.u32 v7, $0x17;
	v17 =	vsel vm1, $0xFFFFFF82, v0;
	(erf) = vpow2.f32 v12  }
0x1c0: {  	v11 =	vld [tilespmem:s18+$0x1380];
	v12 =	vadd.f32 $-1.000000000e+00, v18;
	v7 =	vadd.s32 v7, v17;
	v18 =	vmul.f32 v8, v13  }
0x1c1: {  	v17 =	vadd.f32 v16, v16;
	v16 =	vcvt.s32.f32 v7;
	v14 =	vand.u32 $0x7FFFFF, v6;
	v15 =	vpop (erf);
	v13 =	vld [tilespmem:s18+$0x1480]  }
0x1c2: {  	s0 =	simm.s32 $0x140;
	v14 =	vor.u32 $0x3F800000, v14;
	v8 =	vmul.f32 v15, v12;
	v12 =	vld [tilespmem:s16+$0x1200];
	v15 =	vadd.f32 $1.000000000e+00, v18  }
.LBB2_6:
0x1c3: {  	v7 =	vmax.f32 v10, v9  }
0x1c4: {  	p2 =	sne.s32 s0, $0x1C0;
	v18 =	vmul.f32 $5.000000000e-01, v14;
	v19 =	vmul.f32 v8, v8;
	v20 =	vmovc v8;
	vm1 =	vmmov vm0  }
0x1c5: {  	vm0 =	vgt.f32 v14, $1.414213540e+00;
	v8 =	vld [tilespmem:s16+$0x1300];
	v21 =	vpop (erf);
	v15 =	vmul.f32 v15, v17;
	v24 =	vmul.f32 $6.931471820e-01, v16  }
0x1c6: {  	v7 =	vmax.f32 v7, v11;
	v14 =	vsel vm0, v18, v14;
	v17 =	vmul.f32 $1.111111120e-01, v19  }
0x1c7: {  	v7 =	vmax.f32 v7, v13;
	v18 =	vld [tilespmem:s16+$0x1400];
	v22 =	vpop (erf);
	v23 =	vadd.f32 $1.000000000e+00, v14;
	v15 =	vadd.f32 v15, v24  }
0x1c8: {  	v13 =	vsub.f32 v13, v7;
	v12 =	vmul.f32 v22, v12;
	v16 =	vpop (erf);
	v17 =	vadd.f32 $1.428571490e-01, v17  }
0x1c9: {  	v11 =	vsub.f32 v11, v7;
	v22 =	vld [tilespmem:s16+$0x1500];
	v24 =	vpop (erf);
	(erf) = vrcp.f32 v23;
	v15 =	vadd.f32 v15, v4  }
0x1ca: {  	v4 =	vmovc v1;
	v1 =	vmovc v2;
	v12 =	vadd.f32 $0.0e+00, v12;
	v8 =	vmul.f32 v24, v8;
	v17 =	vmul.f32 v17, v19  }
0x1cb: {  	v10 =	vsub.f32 v10, v7;
	v2 =	vmovc v3;
	v3 =	vmovc v7;
	v11 =	vmul.f32 $1.442695020e+00, v11;
	v13 =	vmul.f32 $1.442695020e+00, v13;
	[tilespmem:s17+$0x1080] =	vst v15;
	s17 =	smov.u32 s2;
	s2 =	smov.u32 s15;
	s15 =	smov.u32 s16  }
0x1cc: {  	s16 =	smov.u32 s18;
	v7 =	vadd.f32 v12, v8;
	v8 =	vmul.f32 v16, v18;
	v12 =	vadd.f32 $2.000000030e-01, v17  }
0x1cd: {  	v9 =	vsub.f32 v9, v3;
	v15 =	vmul.f32 $1.442695020e+00, v10;
	(erf) = vpow2.f32 v13  }
0x1ce: {  	s18 =	sshra.s32 s0, $0x2;
	v7 =	vadd.f32 v7, v8;
	v8 =	vmul.f32 v21, v22;
	v12 =	vmul.f32 v12, v19  }
0x1cf: {  	v13 =	vmul.f32 $1.442695020e+00, v9;
	v10 =	vld [tilespmem:s18+$0x1180];
	(erf) = vpow2.f32 v15  }
.Ltmp2:
0x1d0: {  	v9 =	vld [tilespmem:s18+$0x1280];
	(erf) = vpow2.f32 v11;
	v7 =	vadd.f32 v7, v8;
	v8 =	vadd.f32 $3.333333430e-01, v12;
	(pc) =	sbr.rel @p2 .LBB2_6-.Ltmp2, $4  }
0x1d1: {  	v15 =	vshrl.u32 v5, $0x17;
	v5 =	vmovc v6;
	v12 =	vadd.f32 $-1.000000000e+00, v14;
	(erf) = vpow2.f32 v13  }
0x1d2: {  	v17 =	vsel vm1, $0xFFFFFF82, v0;
	v11 =	vld [tilespmem:s18+$0x1380];
	v21 =	vand.u32 $0x7FFFFF, v7;
	v16 =	vpop (erf);
	v18 =	vmul.f32 v8, v19  }
0x1d3: {  	v6 =	vmovc v7;
	v13 =	vld [tilespmem:s18+$0x1480];
	v14 =	vor.u32 $0x3F800000, v21;
	v8 =	vmul.f32 v16, v12;
	v16 =	vadd.s32 v15, v17  }
0x1d4: {  	s0 =	sadd.s32 $0x40, s0;
	v17 =	vadd.f32 v20, v20;
	v12 =	vld [tilespmem:s16+$0x1200];
	v15 =	vadd.f32 $1.000000000e+00, v18;
	v16 =	vcvt.s32.f32 v16  }
0x1d5: {  	_ = 	snop  }
0x1d6: {  	v7 =	vmax.f32 v10, v9;
	v18 =	vmul.f32 $5.000000000e-01, v14  }
0x1d7: {  	vm1 =	vgt.f32 v14, $1.414213540e+00;
	v7 =	vmax.f32 v7, v11  }
0x1d8: {  	v14 =	vsel vm1, v18, v14;
	v7 =	vmax.f32 v7, v13  }
0x1d9: {  	v15 =	vmul.f32 v15, v17;
	v17 =	vadd.f32 $1.000000000e+00, v14;
	v13 =	vsub.f32 v13, v7  }
0x1da: {  	v16 =	vmul.f32 $6.931471820e-01, v16;
	v10 =	vsub.f32 v10, v7;
	v11 =	vsub.f32 v11, v7  }
0x1db: {  	v9 =	vsub.f32 v9, v7;
	(erf) = vrcp.f32 v17;
	v13 =	vmul.f32 $1.442695020e+00, v13  }
0x1dc: {  	v10 =	vmul.f32 $1.442695020e+00, v10;
	v11 =	vmul.f32 $1.442695020e+00, v11  }
0x1dd: {  	v9 =	vmul.f32 $1.442695020e+00, v9;
	(erf) = vpow2.f32 v13;
	v13 =	vadd.f32 v15, v16  }
0x1de: {  	(erf) = vpow2.f32 v10  }
0x1df: {  	(erf) = vpow2.f32 v11;
	v4 =	vadd.f32 v13, v4  }
0x1e0: {  	v10 =	vld [tilespmem:s16+$0x1300];
	(erf) = vpow2.f32 v9  }
0x1e1: {  	v11 =	vld [tilespmem:s16+$0x1400];
	v9 =	vpop (erf)  }
0x1e2: {  	v13 =	vld [tilespmem:s16+$0x1500];
	v15 =	vpop (erf);
	[tilespmem:s17+$0x1080] =	vst v4  }
0x1e3: {  	v16 =	vld [tilespmem:s18+$0x1200];
	v12 =	vmul.f32 v15, v12;
	v4 =	vpop (erf)  }
0x1e4: {  	v17 =	vpop (erf)  }
0x1e5: {  	v57 =	vld [tilespmem:s18+$0x1300];
	v12 =	vadd.f32 $0.0e+00, v12;
	v15 =	vpop (erf)  }
0x1e6: {  	v19 =	vpop (erf)  }
0x1e7: {  	v10 =	vmul.f32 v17, v10;
	v17 =	vld [tilespmem:s18+$0x1400];
	v20 =	vpop (erf)  }
0x1e8: {  	v16 =	vmul.f32 v20, v16;
	v58 =	vpop (erf)  }
0x1e9: {  	v4 =	vmul.f32 v4, v11;
	v11 =	vld [tilespmem:s18+$0x1500];
	v10 =	vadd.f32 v12, v10;
	v12 =	vpop (erf)  }
0x1ea: {  	v16 =	vadd.f32 $0.0e+00, v16;
	v12 =	vmul.f32 v12, v57  }
0x1eb: {  	v9 =	vmul.f32 v9, v13;
	v4 =	vadd.f32 v10, v4  }
0x1ec: {  	v10 =	vadd.f32 v16, v12;
	v12 =	vmul.f32 v58, v17  }
0x1ed: {  	v4 =	vadd.f32 v4, v9  }
0x1ee: {  	v9 =	vadd.f32 v10, v12;
	v10 =	vmul.f32 v19, v11  }
0x1ef: {  	v11 =	vand.u32 $0x7FFFFF, v4  }
0x1f0: {  	v11 =	vor.u32 $0x3F800000, v11;
	v9 =	vadd.f32 v9, v10  }
0x1f1: {  	v10 =	vmul.f32 $5.000000000e-01, v11  }
0x1f2: {  	vm3 =	vgt.f32 v11, $1.414213540e+00;
	v12 =	vand.u32 $0x7FFFFF, v9  }
0x1f3: {  	v10 =	vsel vm3, v10, v11;
	v11 =	vor.u32 $0x3F800000, v12  }
0x1f4: {  	v13 =	vmul.f32 $5.000000000e-01, v11  }
0x1f5: {  	vm2 =	vgt.f32 v11, $1.414213540e+00  }
0x1f6: {  	v12 =	vadd.f32 $1.000000000e+00, v10;
	v11 =	vsel vm2, v13, v11  }
0x1f7: {  	v13 =	vadd.f32 $1.000000000e+00, v11  }
0x1f8: {  	(erf) = vrcp.f32 v12  }
0x1f9: {  	v12 =	vmul.f32 v8, v8;
	(erf) = vrcp.f32 v13  }
0x1fa: {  	v14 =	vadd.f32 $-1.000000000e+00, v14  }
0x1fb: {  	v16 =	vmul.f32 $1.111111120e-01, v12  }
0x1fc: {  	v13 =	vmul.f32 v15, v14  }
0x1fd: {  	v14 =	vadd.f32 $1.428571490e-01, v16  }
0x1fe: {  	v15 =	vmul.f32 v13, v13  }
0x1ff: {  	v14 =	vmul.f32 v14, v12  }
0x200: {  	v10 =	vadd.f32 $-1.000000000e+00, v10;
	v16 =	vmul.f32 $1.111111120e-01, v15  }
0x201: {  	v11 =	vadd.f32 $-1.000000000e+00, v11;
	v14 =	vadd.f32 $2.000000030e-01, v14;
	v17 =	vpop (erf)  }
0x202: {  	vm0 =	vmmov vm0;
	v16 =	vadd.f32 $1.428571490e-01, v16;
	v10 =	vmul.f32 v17, v10;
	v59 =	vpop (erf)  }
0x203: {  	v5 =	vshrl.u32 v5, $0x17;
	v14 =	vmul.f32 v14, v12;
	v11 =	vmul.f32 v59, v11  }
0x204: {  	v61 =	vsel vm0, $0xFFFFFF82, v0;
	v16 =	vmul.f32 v16, v15;
	v17 =	vmul.f32 v10, v10  }
0x205: {  	v5 =	vadd.s32 v5, v61;
	v14 =	vadd.f32 $3.333333430e-01, v14;
	v62 =	vmul.f32 v11, v11  }
0x206: {  	v5 =	vcvt.s32.f32 v5;
	v16 =	vadd.f32 $2.000000030e-01, v16;
	v60 =	vmul.f32 $1.111111120e-01, v17  }
0x207: {  	v12 =	vmul.f32 v14, v12;
	v63 =	vmul.f32 $1.111111120e-01, v62  }
0x208: {  	v8 =	vadd.f32 v8, v8;
	v14 =	vmul.f32 v16, v15;
	v16 =	vadd.f32 $1.428571490e-01, v60  }
0x209: {  	v6 =	vshrl.u32 v6, $0x17;
	v12 =	vadd.f32 $1.000000000e+00, v12;
	v18 =	vadd.f32 $1.428571490e-01, v63  }
0x20a: {  	v5 =	vmul.f32 $6.931471820e-01, v5;
	v14 =	vadd.f32 $3.333333430e-01, v14;
	v16 =	vmul.f32 v16, v17  }
0x20b: {  	vm13 =	vmmov vm1;
	v8 =	vmul.f32 v12, v8;
	v12 =	vmul.f32 v18, v62  }
0x20c: {  	v4 =	vshrl.u32 v4, $0x17;
	v14 =	vmul.f32 v14, v15;
	v15 =	vadd.f32 $2.000000030e-01, v16  }
0x20d: {  	vm14 =	vmmov vm3;
	v9 =	vshrl.u32 v9, $0x17;
	v12 =	vadd.f32 $2.000000030e-01, v12  }
0x20e: {  	vm15 =	vmmov vm2;
	v13 =	vadd.f32 v13, v13;
	v15 =	vmul.f32 v15, v17  }
0x20f: {  	v10 =	vadd.f32 v10, v10;
	v16 =	vsel vm13, $0xFFFFFF82, v0;
	v12 =	vmul.f32 v12, v62  }
0x210: {  	v6 =	vadd.s32 v6, v16;
	v14 =	vadd.f32 $1.000000000e+00, v14;
	v15 =	vadd.f32 $3.333333430e-01, v15  }
0x211: {  	v11 =	vadd.f32 v11, v11;
	v6 =	vcvt.s32.f32 v6;
	v12 =	vadd.f32 $3.333333430e-01, v12  }
0x212: {  	v13 =	vmul.f32 v14, v13;
	v14 =	vmul.f32 v15, v17;
	v15 =	vsel vm14, $0xFFFFFF82, v0  }
0x213: {  	v4 =	vadd.s32 v4, v15;
	v15 =	vsel vm15, $0xFFFFFF82, v0;
	v12 =	vmul.f32 v12, v62  }
0x214: {  	v14 =	vadd.f32 $1.000000000e+00, v14;
	v4 =	vcvt.s32.f32 v4;
	v9 =	vadd.s32 v9, v15  }
0x215: {  	v6 =	vmul.f32 $6.931471820e-01, v6;
	v9 =	vcvt.s32.f32 v9;
	v12 =	vadd.f32 $1.000000000e+00, v12  }
0x216: {  	v5 =	vadd.f32 v8, v5;
	v8 =	vmul.f32 v14, v10;
	v4 =	vmul.f32 $6.931471820e-01, v4  }
0x217: {  	v6 =	vadd.f32 v13, v6;
	v9 =	vmul.f32 $6.931471820e-01, v9;
	v10 =	vmul.f32 v12, v11  }
0x218: {  	v1 =	vadd.f32 v5, v1;
	v4 =	vadd.f32 v8, v4  }
0x219: {  	v2 =	vadd.f32 v6, v2;
	v5 =	vadd.f32 v10, v9  }
0x21a: {  	[tilespmem:s2+$0x1080] =	vst v1;
	v1 =	vadd.f32 v4, v3  }
0x21b: {  	[tilespmem:s15+$0x1080] =	vst v2;
	v2 =	vadd.f32 v5, v7  }
0x21c: {  	[tilespmem:s16+$0x1080] =	vst v1  }
0x21d: {  	[tilespmem:s18+$0x1080] =	vst v2  }
0x21e: {  	v7 =	vld [tilespmem:$0x1080]  }
0x21f: {  	v8 =	vld [tilespmem:$0x1090]  }
0x220: {  	v6 =	vld [tilespmem:$0x10A0]  }
0x221: {  	v5 =	vld [tilespmem:$0x10B0]  }
0x222: {  	v4 =	vld [tilespmem:$0x10C0]  }
0x223: {  	v3 =	vld [tilespmem:$0x10D0]  }
0x224: {  	v2 =	vld [tilespmem:$0x10E0]  }
0x225: {  	s0 =	simm.s32 $0x0;
	v1 =	vld [tilespmem:$0x10F0]  }
0x226: {  	v12 =	vld [tilespmem:s0+$0x80]  }
0x227: {  	v14 =	vld [tilespmem:s0+$0x90]  }
0x228: {  	v13 =	vld [tilespmem:s0+$0xA0]  }
0x229: {  	v11 =	vld [tilespmem:s0+$0xB0]  }
0x22a: {  	v9 =	vld [tilespmem:s0+$0xC0]  }
0x22b: {  	v10 =	vld [tilespmem:s0+$0xD0];
	v15 =	vsub.f32 v12, v7  }
0x22c: {  	s1 =	simm.s32 $0x200;
	v14 =	vsub.f32 v14, v8;
	v12 =	vld [tilespmem:s0+$0xE0]  }
.LBB2_8:
0x22d: {  	s2 =	sshra.s32 s1, $0x2;
	p2 =	sne.s32 s1, $0x3E00;
	[tilespmem:s0+$0x80] =	vst v15;
	v13 =	vsub.f32 v13, v6;
	v15 =	vld [tilespmem:s0+$0xF0]  }
0x22e: {  	v16 =	vld [tilespmem:s2+$0x80];
	[tilespmem:s0+$0x90] =	vst v14;
	v11 =	vsub.f32 v11, v5  }
0x22f: {  	v14 =	vld [tilespmem:s2+$0x90];
	[tilespmem:s0+$0xA0] =	vst v13;
	v9 =	vsub.f32 v9, v4  }
.Ltmp3:
0x230: {  	v13 =	vld [tilespmem:s2+$0xA0];
	[tilespmem:s0+$0xB0] =	vst v11;
	v10 =	vsub.f32 v10, v3;
	(pc) =	sbr.rel @p2 .LBB2_8-.Ltmp3, $4  }
0x231: {  	v11 =	vld [tilespmem:s2+$0xB0];
	[tilespmem:s0+$0xC0] =	vst v9;
	v12 =	vsub.f32 v12, v2  }
0x232: {  	v9 =	vld [tilespmem:s2+$0xC0];
	[tilespmem:s0+$0xD0] =	vst v10;
	v17 =	vsub.f32 v15, v1  }
0x233: {  	v15 =	vsub.f32 v16, v7;
	v10 =	vld [tilespmem:s2+$0xD0];
	[tilespmem:s0+$0xE0] =	vst v12  }
0x234: {  	s1 =	sadd.s32 $0x200, s1;
	v14 =	vsub.f32 v14, v8;
	v12 =	vld [tilespmem:s2+$0xE0];
	[tilespmem:s0+$0xF0] =	vst v17;
	s0 =	smov.u32 s2  }
0x235: {  	[tilespmem:s0+$0x80] =	vst v15;
	v6 =	vsub.f32 v13, v6;
	v7 =	vld [tilespmem:s0+$0xF0]  }
0x236: {  	[tilespmem:s0+$0x90] =	vst v14;
	v5 =	vsub.f32 v11, v5  }
0x237: {  	[tilespmem:s0+$0xA0] =	vst v6;
	v4 =	vsub.f32 v9, v4  }
0x238: {  	[tilespmem:s0+$0xB0] =	vst v5;
	v3 =	vsub.f32 v10, v3  }
0x239: {  	[tilespmem:s0+$0xC0] =	vst v4;
	v2 =	vsub.f32 v12, v2  }
0x23a: {  	[tilespmem:s0+$0xD0] =	vst v3;
	v1 =	vsub.f32 v7, v1  }
0x23b: {  	[tilespmem:s0+$0xE0] =	vst v2  }
0x23c: {  	s29 =	rddreg [dreg:$0x9];
	s1 =	simm.s32 $0x80;
	s2 =	simm.s32 $0x2000;
	[tilespmem:s0+$0xF0] =	vst v1  }
0x23d: {  	[hbm4b:s29+s4] =	stream.strided.scatter [tilespmem:s1], [sflag:$0x2], $0x1000, s2, s4, $0x38;
	[tilespmem:$0x1680] =	vst v63  }
0x23e: {  	_ =	swait.ge [sflag:s3], $0x1000  }
0x23f: {  	s30 =	rddreg [dreg:$0xb]  }
0x240: {  	s31 =	rddreg [dreg:$0xa];
	s1 =	sadd.s32 $0x1, s30  }
0x241: {  	p2 =	sne.s32 s1, s31  }
.Ltmp4:
0x242: {  	_ = 	snop;
	(pc) =	sbr.rel @p2 .LBB2_1-.Ltmp4, $3  }
0x243: {  	_ =	sdelay $0x1  }
0x244: {  	[sflag:s3] =	ssyncset.done $0x0  }
0x245: {  	[sflag:s3] =	ssyncadd.s32 $0xFFFFF000  }
0x246: {  	_ =	sfence.sel $0x180000  }
0x247: {  	[bflag:$0x0] =	sbarrier.arrive $0xFFFF  }
0x248: {  	_ =	strace $0x90000047  }
0x249: {  	s0 =	stileid.u32;
	[bflag:$0x2] =	sbarrier.arrive $0xFFFF  }
0x24a: {  	p0 =	sne.s32 s0, $0x0;
	s0 =	rddreg [dreg:$0x4]  }
0x24b: {  	s0 =	sadd.s32 @!p0 $0x100000, s0  }
0x24c: {  	[sflag:s0] =	ssyncadd.tile.s32 @!p0 $0x1;
	_ =	shalt  }
.Lfunc_end2:
_tile_overlayer_lowered:
.L_overlay_start_2:
0x24d: {  	(tag) =	ssettag $0x2  }
0x24e: {  	s0 =	rddreg [dreg:$0x0];
	s2 =	stileid.u32  }
0x24f: {  	s1 =	rddreg [dreg:$0x1];
	p0 =	sne.s32 s2, $0x0  }
0x250: {  	s3 =	rddreg [dreg:$0x2];
	[bflag:$0x3] =	sbarrier.arrive $0xFFFF;
	s2 =	simm.s32 @!p0 $0x1C02  }
0x251: {  	[timem:s3], [sflag:s2] =	dma.local @!p0 [hbm:s0], s1  }
0x252: {  	s0 =	simm.s32 @!p0 $0x2  }
0x253: {  	_ =	swait.ge @!p0 [sflag:s0], s1  }
0x254: {  	s1 =	ssub.s32 @!p0 $0x0, s1;
	[sflag:s0] =	ssyncset.done @!p0 $0x0  }
0x255: {  	[sflag:s0] =	ssyncadd.s32 @!p0 s1  }
0x256: {  	[bflag:$0x3] =	sbarrier.arrive $0xFFFF  }
0x257: {  	_ =	shalt  }

</sc_bundles>
